<compile_context>
chip_gen: v7x
topology: tpu7x:2x2x1
jax: 0.10.2.dev20260603
libtpu: 0.0.44.dev20260713+nightly
codegen_flags: <defaults>
</compile_context>

<pallas_src>
import functools

import jax
import jax.numpy as jnp
from jax import lax
from jax.experimental import pallas as pl
from jax.experimental.pallas import tpu as pltpu
from jax.experimental.pallas import tpu_sc as plsc

_BATCH = 20
_SEQ = 16384
_DIM = 64

_INFO = plsc.get_sparse_core_info()
_NC = _INFO.num_cores
_NS = _INFO.num_subcores
_NW = _NC * _NS

_N = _BATCH * _SEQ
_PER_W = _N // _NW
_G = 128
_H = _G // 2
_NG = _PER_W // _G
_NBUF = 8


def _body(tbl, idxe_hbm, idxo_hbm, out_hbm, idxe_v, idxo_v, rowse, rowso, gsems):
    c = lax.axis_index("c")
    s = lax.axis_index("s")
    wid = s * _NC + c
    base = wid * (_PER_W // 2)

    pltpu.sync_copy(idxe_hbm.at[wid], idxe_v)
    pltpu.sync_copy(idxo_hbm.at[wid], idxo_v)

    def _fire(j, b):
        pltpu.async_copy(tbl.at[idxe_v.at[j]], rowse.at[b], gsems.at[b])
        pltpu.async_copy(tbl.at[idxo_v.at[j]], rowso.at[b], gsems.at[b])

    def _wait(j, b):
        pltpu.make_async_copy(tbl.at[idxe_v.at[j]], rowse.at[b],
                              gsems.at[b]).wait()
        pltpu.make_async_copy(tbl.at[idxo_v.at[j]], rowso.at[b],
                              gsems.at[b]).wait()

    def _store(j, b):
        r0 = base + j * _H
        pltpu.sync_copy(rowse.at[b], out_hbm.at[pl.ds(r0, _H), pl.ds(0, _DIM)])
        pltpu.sync_copy(rowso.at[b], out_hbm.at[pl.ds(r0, _H), pl.ds(_DIM, _DIM)])

    for b in range(_NBUF):
        _fire(b, b)

    def _group(g, carry):
        for b in range(_NBUF):
            j = g * _NBUF + b
            _wait(j, b)
            _store(j, b)
            _fire(j + _NBUF, b)
        return carry

    lax.fori_loop(0, _NG // _NBUF - 1, _group, 0)

    for b in range(_NBUF):
        j = _NG - _NBUF + b
        _wait(j, b)
        _store(j, b)


@jax.jit
def _gather(table, idxe, idxo):
    mesh = plsc.VectorSubcoreMesh(core_axis_name="c", subcore_axis_name="s")
    run = pl.kernel(
        _body,
        out_type=jax.ShapeDtypeStruct((_N // 2, 2 * _DIM), jnp.float32),
        mesh=mesh,
        scratch_types=[
            pltpu.VMEM((_NG, _H), jnp.int32),
            pltpu.VMEM((_NG, _H), jnp.int32),
            pltpu.VMEM((_NBUF, _H, _DIM), jnp.float32),
            pltpu.VMEM((_NBUF, _H, _DIM), jnp.float32),
            pltpu.SemaphoreType.DMA((_NBUF,)),
        ],
        compiler_params=pltpu.CompilerParams(use_tc_tiling_on_sc=False),
    )
    return run(table, idxe, idxo)


def kernel(inputs, embedding_weight):
    idx = inputs.reshape(_NW, _NG, _H, 2).astype(jnp.int32)
    rows = _gather(embedding_weight, idx[..., 0], idx[..., 1])
    return rows.reshape(_BATCH, -1)

# --- scband reference (transcript-rebuilt; emitter-appended) ---
"""Pipeline reference for scband-state-encode-model-68547678045055 (READ-ONLY COPY).

The authoritative reference and input builder live on the scoring server;
editing this copy changes nothing except your own understanding.
"""

import jax, jax.numpy as jnp
import numpy as np

STATE_NUMBER = 1000000
EMBEDDING_DIM = 64
BATCH_SIZE = 20
SEQ_LEN = 16384


def setup_inputs(seed: int = 0) -> dict:
    key = jax.random.key(seed)
    k_idx, k_emb = jax.random.split(key)
    inputs = jax.random.randint(k_idx, (BATCH_SIZE, SEQ_LEN), 0, STATE_NUMBER, dtype=jnp.int64 if jax.config.jax_enable_x64 else jnp.int32)
    # nn.Embedding default init: N(0, 1)
    embedding_weight = jax.random.normal(k_emb, (STATE_NUMBER, EMBEDDING_DIM), dtype=jnp.float32)
    return {"inputs": inputs, "embedding_weight": embedding_weight}


def reference(inputs, embedding_weight):
    # embeds = self.embeddings(inputs)
    embeds = jnp.take(embedding_weight, inputs, axis=0)
    # return embeds.view(batch_size, -1)  -- batch_size is the module-level global (20)
    return embeds.reshape(BATCH_SIZE, -1)

if __name__ == "__main__":
    import jax
    _d = setup_inputs()
    print(jax.jit(kernel)(*tuple(_d.values())))

</pallas_src>

<mosaic_0001>
#map = affine_map<(d0, d1) -> (0, 0)>
#map1 = affine_map<(d0, d1) -> (0, 0, 0)>
module attributes {stable_mosaic.version = 14 : i64} {
  func.func @_body(%arg0: i32, %arg1: i32, %arg2: memref<1000000x64xf32, #tpu.memory_space<hbm>>, %arg3: memref<32x80x64xi32, #tpu.memory_space<hbm>>, %arg4: memref<32x80x64xi32, #tpu.memory_space<hbm>>, %arg5: memref<163840x128xf32, #tpu.memory_space<hbm>>, %arg6: memref<80x64xi32, #tpu.memory_space<vmem>>, %arg7: memref<80x64xi32, #tpu.memory_space<vmem>>, %arg8: memref<8x64x64xf32, #tpu.memory_space<vmem>>, %arg9: memref<8x64x64xf32, #tpu.memory_space<vmem>>, %arg10: memref<8x!tpu.dma_semaphore, #tpu.memory_space<semaphore_mem>>) attributes {dimension_semantics = [#tpu.dimension_semantics<core_parallel>, #tpu.dimension_semantics<subcore_parallel>], iteration_bounds = array<i64: 2, 16>, scalar_prefetch = 0 : i64, scratch_operands = 5 : i64, tpu.core_type = #tpu.core_type<sc_vector_subcore>, window_params = [{transform_indices = #map}, {transform_indices = #map1}, {transform_indices = #map1}, {transform_indices = #map}]} {
    %mul3A = arith.constant 2 : i32
    %mul3A_0 = arith.muli %arg1, %mul3A : i32
    %add3A = arith.addi %mul3A_0, %arg0 : i32
    %mul3A_1 = arith.constant 5120 : i32
    %mul3A_2 = arith.muli %add3A, %mul3A_1 : i32
    "tpu.region"() ({
      %run_scoped3A_517 = tpu.sem_alloc : memref<!tpu.dma_semaphore, #tpu.memory_space<semaphore_mem>>
      %dma_start3A_518 = arith.constant 0 : i32
      %dma_start3A_519 = arith.constant 0 : i32
      %dma_start3A_520 = tpu.memref_slice %arg3[%add3A, %dma_start3A_518, %dma_start3A_519] : memref<32x80x64xi32, #tpu.memory_space<hbm>> -> memref<1x80x64xi32, #tpu.memory_space<hbm>>
      %dma_start3A_521 = tpu.memref_squeeze %dma_start3A_520 : memref<1x80x64xi32, #tpu.memory_space<hbm>> -> memref<80x64xi32, #tpu.memory_space<hbm>>
      %dma_start3A_522 = arith.constant 0 : i32
      %dma_start3A_523 = arith.constant 0 : i32
      %dma_start3A_524 = tpu.memref_slice %arg3[%add3A, %dma_start3A_522, %dma_start3A_523] : memref<32x80x64xi32, #tpu.memory_space<hbm>> -> memref<1x80x64xi32, #tpu.memory_space<hbm>>
      %dma_start3A_525 = tpu.memref_squeeze %dma_start3A_524 : memref<1x80x64xi32, #tpu.memory_space<hbm>> -> memref<80x64xi32, #tpu.memory_space<hbm>>
      tpu.enqueue_dma source(%dma_start3A_525 : memref<80x64xi32, #tpu.memory_space<hbm>>) target(%arg6 : memref<80x64xi32, #tpu.memory_space<vmem>>) target_semaphore(%run_scoped3A_517 : memref<!tpu.dma_semaphore, #tpu.memory_space<semaphore_mem>>)
      %dma_wait3A_526 = arith.constant 0 : i32
      %dma_wait3A_527 = arith.constant 0 : i32
      %dma_wait3A_528 = tpu.memref_slice %arg3[%add3A, %dma_wait3A_526, %dma_wait3A_527] : memref<32x80x64xi32, #tpu.memory_space<hbm>> -> memref<1x80x64xi32, #tpu.memory_space<hbm>>
      %dma_wait3A_529 = tpu.memref_squeeze %dma_wait3A_528 : memref<1x80x64xi32, #tpu.memory_space<hbm>> -> memref<80x64xi32, #tpu.memory_space<hbm>>
      %dma_wait3A_530 = arith.constant 0 : i32
      %dma_wait3A_531 = arith.constant 0 : i32
      %dma_wait3A_532 = tpu.memref_slice %arg3[%add3A, %dma_wait3A_530, %dma_wait3A_531] : memref<32x80x64xi32, #tpu.memory_space<hbm>> -> memref<1x80x64xi32, #tpu.memory_space<hbm>>
      %dma_wait3A_533 = tpu.memref_squeeze %dma_wait3A_532 : memref<1x80x64xi32, #tpu.memory_space<hbm>> -> memref<80x64xi32, #tpu.memory_space<hbm>>
      tpu.wait_dma2 semaphore(%run_scoped3A_517 : memref<!tpu.dma_semaphore, #tpu.memory_space<semaphore_mem>>) src(%dma_wait3A_533 : memref<80x64xi32, #tpu.memory_space<hbm>>) dst(%arg6 : memref<80x64xi32, #tpu.memory_space<vmem>>)
      tpu.yield
    }) : () -> ()
    "tpu.region"() ({
      %run_scoped3A_517 = tpu.sem_alloc : memref<!tpu.dma_semaphore, #tpu.memory_space<semaphore_mem>>
      %dma_start3A_518 = arith.constant 0 : i32
      %dma_start3A_519 = arith.constant 0 : i32
      %dma_start3A_520 = tpu.memref_slice %arg4[%add3A, %dma_start3A_518, %dma_start3A_519] : memref<32x80x64xi32, #tpu.memory_space<hbm>> -> memref<1x80x64xi32, #tpu.memory_space<hbm>>
      %dma_start3A_521 = tpu.memref_squeeze %dma_start3A_520 : memref<1x80x64xi32, #tpu.memory_space<hbm>> -> memref<80x64xi32, #tpu.memory_space<hbm>>
      %dma_start3A_522 = arith.constant 0 : i32
      %dma_start3A_523 = arith.constant 0 : i32
      %dma_start3A_524 = tpu.memref_slice %arg4[%add3A, %dma_start3A_522, %dma_start3A_523] : memref<32x80x64xi32, #tpu.memory_space<hbm>> -> memref<1x80x64xi32, #tpu.memory_space<hbm>>
      %dma_start3A_525 = tpu.memref_squeeze %dma_start3A_524 : memref<1x80x64xi32, #tpu.memory_space<hbm>> -> memref<80x64xi32, #tpu.memory_space<hbm>>
      tpu.enqueue_dma source(%dma_start3A_525 : memref<80x64xi32, #tpu.memory_space<hbm>>) target(%arg7 : memref<80x64xi32, #tpu.memory_space<vmem>>) target_semaphore(%run_scoped3A_517 : memref<!tpu.dma_semaphore, #tpu.memory_space<semaphore_mem>>)
      %dma_wait3A_526 = arith.constant 0 : i32
      %dma_wait3A_527 = arith.constant 0 : i32
      %dma_wait3A_528 = tpu.memref_slice %arg4[%add3A, %dma_wait3A_526, %dma_wait3A_527] : memref<32x80x64xi32, #tpu.memory_space<hbm>> -> memref<1x80x64xi32, #tpu.memory_space<hbm>>
      %dma_wait3A_529 = tpu.memref_squeeze %dma_wait3A_528 : memref<1x80x64xi32, #tpu.memory_space<hbm>> -> memref<80x64xi32, #tpu.memory_space<hbm>>
      %dma_wait3A_530 = arith.constant 0 : i32
      %dma_wait3A_531 = arith.constant 0 : i32
      %dma_wait3A_532 = tpu.memref_slice %arg4[%add3A, %dma_wait3A_530, %dma_wait3A_531] : memref<32x80x64xi32, #tpu.memory_space<hbm>> -> memref<1x80x64xi32, #tpu.memory_space<hbm>>
      %dma_wait3A_533 = tpu.memref_squeeze %dma_wait3A_532 : memref<1x80x64xi32, #tpu.memory_space<hbm>> -> memref<80x64xi32, #tpu.memory_space<hbm>>
      tpu.wait_dma2 semaphore(%run_scoped3A_517 : memref<!tpu.dma_semaphore, #tpu.memory_space<semaphore_mem>>) src(%dma_wait3A_533 : memref<80x64xi32, #tpu.memory_space<hbm>>) dst(%arg7 : memref<80x64xi32, #tpu.memory_space<vmem>>)
      tpu.yield
    }) : () -> ()
    %dma_start3A = arith.constant 0 : i32
    %dma_start3A_3 = arith.constant 0 : i32
    %dma_start3A_4 = arith.constant 0 : i32
    %dma_start3A_5 = arith.constant 0 : i32
    %dma_start3A_6 = arith.constant 0 : i32
    %dma_start3A_7 = tpu.memref_slice %arg8[%dma_start3A_3, %dma_start3A_5, %dma_start3A_6] : memref<8x64x64xf32, #tpu.memory_space<vmem>> -> memref<1x64x64xf32, #tpu.memory_space<vmem>>
    %dma_start3A_8 = tpu.memref_squeeze %dma_start3A_7 : memref<1x64x64xf32, #tpu.memory_space<vmem>> -> memref<64x64xf32, #tpu.memory_space<vmem>>
    %dma_start3A_9 = arith.constant 0 : i32
    %dma_start3A_10 = tpu.memref_slice %arg6[%dma_start3A, %dma_start3A_9] : memref<80x64xi32, #tpu.memory_space<vmem>> -> memref<1x64xi32, #tpu.memory_space<vmem>>
    %dma_start3A_11 = tpu.memref_squeeze %dma_start3A_10 : memref<1x64xi32, #tpu.memory_space<vmem>> -> memref<64xi32, #tpu.memory_space<vmem>>
    %dma_start3A_12 = arith.constant 0 : i32
    %dma_start3A_13 = arith.constant 0 : i32
    %dma_start3A_14 = tpu.memref_slice %arg2[%dma_start3A_12, %dma_start3A_13] : memref<1000000x64xf32, #tpu.memory_space<hbm>> -> memref<1000000x64xf32, #tpu.memory_space<hbm>>
    %dma_start3A_15 = tpu.memref_slice %arg10[%dma_start3A_4] : memref<8x!tpu.dma_semaphore, #tpu.memory_space<semaphore_mem>> -> memref<1x!tpu.dma_semaphore, #tpu.memory_space<semaphore_mem>>
    %dma_start3A_16 = tpu.memref_squeeze %dma_start3A_15 : memref<1x!tpu.dma_semaphore, #tpu.memory_space<semaphore_mem>> -> memref<!tpu.dma_semaphore, #tpu.memory_space<semaphore_mem>>
    tpu.enqueue_indirect_dma source(%dma_start3A_14 : memref<1000000x64xf32, #tpu.memory_space<hbm>>) target(%dma_start3A_8 : memref<64x64xf32, #tpu.memory_space<vmem>>) offsets(%dma_start3A_11 : memref<64xi32, #tpu.memory_space<vmem>>) semaphore(%dma_start3A_16 : memref<!tpu.dma_semaphore, #tpu.memory_space<semaphore_mem>>)
    %dma_start3A_17 = arith.constant 0 : i32
    %dma_start3A_18 = arith.constant 0 : i32
    %dma_start3A_19 = arith.constant 0 : i32
    %dma_start3A_20 = arith.constant 0 : i32
    %dma_start3A_21 = arith.constant 0 : i32
    %dma_start3A_22 = tpu.memref_slice %arg9[%dma_start3A_18, %dma_start3A_20, %dma_start3A_21] : memref<8x64x64xf32, #tpu.memory_space<vmem>> -> memref<1x64x64xf32, #tpu.memory_space<vmem>>
    %dma_start3A_23 = tpu.memref_squeeze %dma_start3A_22 : memref<1x64x64xf32, #tpu.memory_space<vmem>> -> memref<64x64xf32, #tpu.memory_space<vmem>>
    %dma_start3A_24 = arith.constant 0 : i32
    %dma_start3A_25 = tpu.memref_slice %arg7[%dma_start3A_17, %dma_start3A_24] : memref<80x64xi32, #tpu.memory_space<vmem>> -> memref<1x64xi32, #tpu.memory_space<vmem>>
    %dma_start3A_26 = tpu.memref_squeeze %dma_start3A_25 : memref<1x64xi32, #tpu.memory_space<vmem>> -> memref<64xi32, #tpu.memory_space<vmem>>
    %dma_start3A_27 = arith.constant 0 : i32
    %dma_start3A_28 = arith.constant 0 : i32
    %dma_start3A_29 = tpu.memref_slice %arg2[%dma_start3A_27, %dma_start3A_28] : memref<1000000x64xf32, #tpu.memory_space<hbm>> -> memref<1000000x64xf32, #tpu.memory_space<hbm>>
    %dma_start3A_30 = tpu.memref_slice %arg10[%dma_start3A_19] : memref<8x!tpu.dma_semaphore, #tpu.memory_space<semaphore_mem>> -> memref<1x!tpu.dma_semaphore, #tpu.memory_space<semaphore_mem>>
    %dma_start3A_31 = tpu.memref_squeeze %dma_start3A_30 : memref<1x!tpu.dma_semaphore, #tpu.memory_space<semaphore_mem>> -> memref<!tpu.dma_semaphore, #tpu.memory_space<semaphore_mem>>
    tpu.enqueue_indirect_dma source(%dma_start3A_29 : memref<1000000x64xf32, #tpu.memory_space<hbm>>) target(%dma_start3A_23 : memref<64x64xf32, #tpu.memory_space<vmem>>) offsets(%dma_start3A_26 : memref<64xi32, #tpu.memory_space<vmem>>) semaphore(%dma_start3A_31 : memref<!tpu.dma_semaphore, #tpu.memory_space<semaphore_mem>>)
    %dma_start3A_32 = arith.constant 1 : i32
    %dma_start3A_33 = arith.constant 1 : i32
    %dma_start3A_34 = arith.constant 1 : i32
    %dma_start3A_35 = arith.constant 0 : i32
    %dma_start3A_36 = arith.constant 0 : i32
    %dma_start3A_37 = tpu.memref_slice %arg8[%dma_start3A_33, %dma_start3A_35, %dma_start3A_36] : memref<8x64x64xf32, #tpu.memory_space<vmem>> -> memref<1x64x64xf32, #tpu.memory_space<vmem>>
    %dma_start3A_38 = tpu.memref_squeeze %dma_start3A_37 : memref<1x64x64xf32, #tpu.memory_space<vmem>> -> memref<64x64xf32, #tpu.memory_space<vmem>>
    %dma_start3A_39 = arith.constant 0 : i32
    %dma_start3A_40 = tpu.memref_slice %arg6[%dma_start3A_32, %dma_start3A_39] : memref<80x64xi32, #tpu.memory_space<vmem>> -> memref<1x64xi32, #tpu.memory_space<vmem>>
    %dma_start3A_41 = tpu.memref_squeeze %dma_start3A_40 : memref<1x64xi32, #tpu.memory_space<vmem>> -> memref<64xi32, #tpu.memory_space<vmem>>
    %dma_start3A_42 = arith.constant 0 : i32
    %dma_start3A_43 = arith.constant 0 : i32
    %dma_start3A_44 = tpu.memref_slice %arg2[%dma_start3A_42, %dma_start3A_43] : memref<1000000x64xf32, #tpu.memory_space<hbm>> -> memref<1000000x64xf32, #tpu.memory_space<hbm>>
    %dma_start3A_45 = tpu.memref_slice %arg10[%dma_start3A_34] : memref<8x!tpu.dma_semaphore, #tpu.memory_space<semaphore_mem>> -> memref<1x!tpu.dma_semaphore, #tpu.memory_space<semaphore_mem>>
    %dma_start3A_46 = tpu.memref_squeeze %dma_start3A_45 : memref<1x!tpu.dma_semaphore, #tpu.memory_space<semaphore_mem>> -> memref<!tpu.dma_semaphore, #tpu.memory_space<semaphore_mem>>
    tpu.enqueue_indirect_dma source(%dma_start3A_44 : memref<1000000x64xf32, #tpu.memory_space<hbm>>) target(%dma_start3A_38 : memref<64x64xf32, #tpu.memory_space<vmem>>) offsets(%dma_start3A_41 : memref<64xi32, #tpu.memory_space<vmem>>) semaphore(%dma_start3A_46 : memref<!tpu.dma_semaphore, #tpu.memory_space<semaphore_mem>>)
    %dma_start3A_47 = arith.constant 1 : i32
    %dma_start3A_48 = arith.constant 1 : i32
    %dma_start3A_49 = arith.constant 1 : i32
    %dma_start3A_50 = arith.constant 0 : i32
    %dma_start3A_51 = arith.constant 0 : i32
    %dma_start3A_52 = tpu.memref_slice %arg9[%dma_start3A_48, %dma_start3A_50, %dma_start3A_51] : memref<8x64x64xf32, #tpu.memory_space<vmem>> -> memref<1x64x64xf32, #tpu.memory_space<vmem>>
    %dma_start3A_53 = tpu.memref_squeeze %dma_start3A_52 : memref<1x64x64xf32, #tpu.memory_space<vmem>> -> memref<64x64xf32, #tpu.memory_space<vmem>>
    %dma_start3A_54 = arith.constant 0 : i32
    %dma_start3A_55 = tpu.memref_slice %arg7[%dma_start3A_47, %dma_start3A_54] : memref<80x64xi32, #tpu.memory_space<vmem>> -> memref<1x64xi32, #tpu.memory_space<vmem>>
    %dma_start3A_56 = tpu.memref_squeeze %dma_start3A_55 : memref<1x64xi32, #tpu.memory_space<vmem>> -> memref<64xi32, #tpu.memory_space<vmem>>
    %dma_start3A_57 = arith.constant 0 : i32
    %dma_start3A_58 = arith.constant 0 : i32
    %dma_start3A_59 = tpu.memref_slice %arg2[%dma_start3A_57, %dma_start3A_58] : memref<1000000x64xf32, #tpu.memory_space<hbm>> -> memref<1000000x64xf32, #tpu.memory_space<hbm>>
    %dma_start3A_60 = tpu.memref_slice %arg10[%dma_start3A_49] : memref<8x!tpu.dma_semaphore, #tpu.memory_space<semaphore_mem>> -> memref<1x!tpu.dma_semaphore, #tpu.memory_space<semaphore_mem>>
    %dma_start3A_61 = tpu.memref_squeeze %dma_start3A_60 : memref<1x!tpu.dma_semaphore, #tpu.memory_space<semaphore_mem>> -> memref<!tpu.dma_semaphore, #tpu.memory_space<semaphore_mem>>
    tpu.enqueue_indirect_dma source(%dma_start3A_59 : memref<1000000x64xf32, #tpu.memory_space<hbm>>) target(%dma_start3A_53 : memref<64x64xf32, #tpu.memory_space<vmem>>) offsets(%dma_start3A_56 : memref<64xi32, #tpu.memory_space<vmem>>) semaphore(%dma_start3A_61 : memref<!tpu.dma_semaphore, #tpu.memory_space<semaphore_mem>>)
    %dma_start3A_62 = arith.constant 2 : i32
    %dma_start3A_63 = arith.constant 2 : i32
    %dma_start3A_64 = arith.constant 2 : i32
    %dma_start3A_65 = arith.constant 0 : i32
    %dma_start3A_66 = arith.constant 0 : i32
    %dma_start3A_67 = tpu.memref_slice %arg8[%dma_start3A_63, %dma_start3A_65, %dma_start3A_66] : memref<8x64x64xf32, #tpu.memory_space<vmem>> -> memref<1x64x64xf32, #tpu.memory_space<vmem>>
    %dma_start3A_68 = tpu.memref_squeeze %dma_start3A_67 : memref<1x64x64xf32, #tpu.memory_space<vmem>> -> memref<64x64xf32, #tpu.memory_space<vmem>>
    %dma_start3A_69 = arith.constant 0 : i32
    %dma_start3A_70 = tpu.memref_slice %arg6[%dma_start3A_62, %dma_start3A_69] : memref<80x64xi32, #tpu.memory_space<vmem>> -> memref<1x64xi32, #tpu.memory_space<vmem>>
    %dma_start3A_71 = tpu.memref_squeeze %dma_start3A_70 : memref<1x64xi32, #tpu.memory_space<vmem>> -> memref<64xi32, #tpu.memory_space<vmem>>
    %dma_start3A_72 = arith.constant 0 : i32
    %dma_start3A_73 = arith.constant 0 : i32
    %dma_start3A_74 = tpu.memref_slice %arg2[%dma_start3A_72, %dma_start3A_73] : memref<1000000x64xf32, #tpu.memory_space<hbm>> -> memref<1000000x64xf32, #tpu.memory_space<hbm>>
    %dma_start3A_75 = tpu.memref_slice %arg10[%dma_start3A_64] : memref<8x!tpu.dma_semaphore, #tpu.memory_space<semaphore_mem>> -> memref<1x!tpu.dma_semaphore, #tpu.memory_space<semaphore_mem>>
    %dma_start3A_76 = tpu.memref_squeeze %dma_start3A_75 : memref<1x!tpu.dma_semaphore, #tpu.memory_space<semaphore_mem>> -> memref<!tpu.dma_semaphore, #tpu.memory_space<semaphore_mem>>
    tpu.enqueue_indirect_dma source(%dma_start3A_74 : memref<1000000x64xf32, #tpu.memory_space<hbm>>) target(%dma_start3A_68 : memref<64x64xf32, #tpu.memory_space<vmem>>) offsets(%dma_start3A_71 : memref<64xi32, #tpu.memory_space<vmem>>) semaphore(%dma_start3A_76 : memref<!tpu.dma_semaphore, #tpu.memory_space<semaphore_mem>>)
    %dma_start3A_77 = arith.constant 2 : i32
    %dma_start3A_78 = arith.constant 2 : i32
    %dma_start3A_79 = arith.constant 2 : i32
    %dma_start3A_80 = arith.constant 0 : i32
    %dma_start3A_81 = arith.constant 0 : i32
    %dma_start3A_82 = tpu.memref_slice %arg9[%dma_start3A_78, %dma_start3A_80, %dma_start3A_81] : memref<8x64x64xf32, #tpu.memory_space<vmem>> -> memref<1x64x64xf32, #tpu.memory_space<vmem>>
    %dma_start3A_83 = tpu.memref_squeeze %dma_start3A_82 : memref<1x64x64xf32, #tpu.memory_space<vmem>> -> memref<64x64xf32, #tpu.memory_space<vmem>>
    %dma_start3A_84 = arith.constant 0 : i32
    %dma_start3A_85 = tpu.memref_slice %arg7[%dma_start3A_77, %dma_start3A_84] : memref<80x64xi32, #tpu.memory_space<vmem>> -> memref<1x64xi32, #tpu.memory_space<vmem>>
    %dma_start3A_86 = tpu.memref_squeeze %dma_start3A_85 : memref<1x64xi32, #tpu.memory_space<vmem>> -> memref<64xi32, #tpu.memory_space<vmem>>
    %dma_start3A_87 = arith.constant 0 : i32
    %dma_start3A_88 = arith.constant 0 : i32
    %dma_start3A_89 = tpu.memref_slice %arg2[%dma_start3A_87, %dma_start3A_88] : memref<1000000x64xf32, #tpu.memory_space<hbm>> -> memref<1000000x64xf32, #tpu.memory_space<hbm>>
    %dma_start3A_90 = tpu.memref_slice %arg10[%dma_start3A_79] : memref<8x!tpu.dma_semaphore, #tpu.memory_space<semaphore_mem>> -> memref<1x!tpu.dma_semaphore, #tpu.memory_space<semaphore_mem>>
    %dma_start3A_91 = tpu.memref_squeeze %dma_start3A_90 : memref<1x!tpu.dma_semaphore, #tpu.memory_space<semaphore_mem>> -> memref<!tpu.dma_semaphore, #tpu.memory_space<semaphore_mem>>
    tpu.enqueue_indirect_dma source(%dma_start3A_89 : memref<1000000x64xf32, #tpu.memory_space<hbm>>) target(%dma_start3A_83 : memref<64x64xf32, #tpu.memory_space<vmem>>) offsets(%dma_start3A_86 : memref<64xi32, #tpu.memory_space<vmem>>) semaphore(%dma_start3A_91 : memref<!tpu.dma_semaphore, #tpu.memory_space<semaphore_mem>>)
    %dma_start3A_92 = arith.constant 3 : i32
    %dma_start3A_93 = arith.constant 3 : i32
    %dma_start3A_94 = arith.constant 3 : i32
    %dma_start3A_95 = arith.constant 0 : i32
    %dma_start3A_96 = arith.constant 0 : i32
    %dma_start3A_97 = tpu.memref_slice %arg8[%dma_start3A_93, %dma_start3A_95, %dma_start3A_96] : memref<8x64x64xf32, #tpu.memory_space<vmem>> -> memref<1x64x64xf32, #tpu.memory_space<vmem>>
    %dma_start3A_98 = tpu.memref_squeeze %dma_start3A_97 : memref<1x64x64xf32, #tpu.memory_space<vmem>> -> memref<64x64xf32, #tpu.memory_space<vmem>>
    %dma_start3A_99 = arith.constant 0 : i32
    %dma_start3A_100 = tpu.memref_slice %arg6[%dma_start3A_92, %dma_start3A_99] : memref<80x64xi32, #tpu.memory_space<vmem>> -> memref<1x64xi32, #tpu.memory_space<vmem>>
    %dma_start3A_101 = tpu.memref_squeeze %dma_start3A_100 : memref<1x64xi32, #tpu.memory_space<vmem>> -> memref<64xi32, #tpu.memory_space<vmem>>
    %dma_start3A_102 = arith.constant 0 : i32
    %dma_start3A_103 = arith.constant 0 : i32
    %dma_start3A_104 = tpu.memref_slice %arg2[%dma_start3A_102, %dma_start3A_103] : memref<1000000x64xf32, #tpu.memory_space<hbm>> -> memref<1000000x64xf32, #tpu.memory_space<hbm>>
    %dma_start3A_105 = tpu.memref_slice %arg10[%dma_start3A_94] : memref<8x!tpu.dma_semaphore, #tpu.memory_space<semaphore_mem>> -> memref<1x!tpu.dma_semaphore, #tpu.memory_space<semaphore_mem>>
    %dma_start3A_106 = tpu.memref_squeeze %dma_start3A_105 : memref<1x!tpu.dma_semaphore, #tpu.memory_space<semaphore_mem>> -> memref<!tpu.dma_semaphore, #tpu.memory_space<semaphore_mem>>
    tpu.enqueue_indirect_dma source(%dma_start3A_104 : memref<1000000x64xf32, #tpu.memory_space<hbm>>) target(%dma_start3A_98 : memref<64x64xf32, #tpu.memory_space<vmem>>) offsets(%dma_start3A_101 : memref<64xi32, #tpu.memory_space<vmem>>) semaphore(%dma_start3A_106 : memref<!tpu.dma_semaphore, #tpu.memory_space<semaphore_mem>>)
    %dma_start3A_107 = arith.constant 3 : i32
    %dma_start3A_108 = arith.constant 3 : i32
    %dma_start3A_109 = arith.constant 3 : i32
    %dma_start3A_110 = arith.constant 0 : i32
    %dma_start3A_111 = arith.constant 0 : i32
    %dma_start3A_112 = tpu.memref_slice %arg9[%dma_start3A_108, %dma_start3A_110, %dma_start3A_111] : memref<8x64x64xf32, #tpu.memory_space<vmem>> -> memref<1x64x64xf32, #tpu.memory_space<vmem>>
    %dma_start3A_113 = tpu.memref_squeeze %dma_start3A_112 : memref<1x64x64xf32, #tpu.memory_space<vmem>> -> memref<64x64xf32, #tpu.memory_space<vmem>>
    %dma_start3A_114 = arith.constant 0 : i32
    %dma_start3A_115 = tpu.memref_slice %arg7[%dma_start3A_107, %dma_start3A_114] : memref<80x64xi32, #tpu.memory_space<vmem>> -> memref<1x64xi32, #tpu.memory_space<vmem>>
    %dma_start3A_116 = tpu.memref_squeeze %dma_start3A_115 : memref<1x64xi32, #tpu.memory_space<vmem>> -> memref<64xi32, #tpu.memory_space<vmem>>
    %dma_start3A_117 = arith.constant 0 : i32
    %dma_start3A_118 = arith.constant 0 : i32
    %dma_start3A_119 = tpu.memref_slice %arg2[%dma_start3A_117, %dma_start3A_118] : memref<1000000x64xf32, #tpu.memory_space<hbm>> -> memref<1000000x64xf32, #tpu.memory_space<hbm>>
    %dma_start3A_120 = tpu.memref_slice %arg10[%dma_start3A_109] : memref<8x!tpu.dma_semaphore, #tpu.memory_space<semaphore_mem>> -> memref<1x!tpu.dma_semaphore, #tpu.memory_space<semaphore_mem>>
    %dma_start3A_121 = tpu.memref_squeeze %dma_start3A_120 : memref<1x!tpu.dma_semaphore, #tpu.memory_space<semaphore_mem>> -> memref<!tpu.dma_semaphore, #tpu.memory_space<semaphore_mem>>
    tpu.enqueue_indirect_dma source(%dma_start3A_119 : memref<1000000x64xf32, #tpu.memory_space<hbm>>) target(%dma_start3A_113 : memref<64x64xf32, #tpu.memory_space<vmem>>) offsets(%dma_start3A_116 : memref<64xi32, #tpu.memory_space<vmem>>) semaphore(%dma_start3A_121 : memref<!tpu.dma_semaphore, #tpu.memory_space<semaphore_mem>>)
    %dma_start3A_122 = arith.constant 4 : i32
    %dma_start3A_123 = arith.constant 4 : i32
    %dma_start3A_124 = arith.constant 4 : i32
    %dma_start3A_125 = arith.constant 0 : i32
    %dma_start3A_126 = arith.constant 0 : i32
    %dma_start3A_127 = tpu.memref_slice %arg8[%dma_start3A_123, %dma_start3A_125, %dma_start3A_126] : memref<8x64x64xf32, #tpu.memory_space<vmem>> -> memref<1x64x64xf32, #tpu.memory_space<vmem>>
    %dma_start3A_128 = tpu.memref_squeeze %dma_start3A_127 : memref<1x64x64xf32, #tpu.memory_space<vmem>> -> memref<64x64xf32, #tpu.memory_space<vmem>>
    %dma_start3A_129 = arith.constant 0 : i32
    %dma_start3A_130 = tpu.memref_slice %arg6[%dma_start3A_122, %dma_start3A_129] : memref<80x64xi32, #tpu.memory_space<vmem>> -> memref<1x64xi32, #tpu.memory_space<vmem>>
    %dma_start3A_131 = tpu.memref_squeeze %dma_start3A_130 : memref<1x64xi32, #tpu.memory_space<vmem>> -> memref<64xi32, #tpu.memory_space<vmem>>
    %dma_start3A_132 = arith.constant 0 : i32
    %dma_start3A_133 = arith.constant 0 : i32
    %dma_start3A_134 = tpu.memref_slice %arg2[%dma_start3A_132, %dma_start3A_133] : memref<1000000x64xf32, #tpu.memory_space<hbm>> -> memref<1000000x64xf32, #tpu.memory_space<hbm>>
    %dma_start3A_135 = tpu.memref_slice %arg10[%dma_start3A_124] : memref<8x!tpu.dma_semaphore, #tpu.memory_space<semaphore_mem>> -> memref<1x!tpu.dma_semaphore, #tpu.memory_space<semaphore_mem>>
    %dma_start3A_136 = tpu.memref_squeeze %dma_start3A_135 : memref<1x!tpu.dma_semaphore, #tpu.memory_space<semaphore_mem>> -> memref<!tpu.dma_semaphore, #tpu.memory_space<semaphore_mem>>
    tpu.enqueue_indirect_dma source(%dma_start3A_134 : memref<1000000x64xf32, #tpu.memory_space<hbm>>) target(%dma_start3A_128 : memref<64x64xf32, #tpu.memory_space<vmem>>) offsets(%dma_start3A_131 : memref<64xi32, #tpu.memory_space<vmem>>) semaphore(%dma_start3A_136 : memref<!tpu.dma_semaphore, #tpu.memory_space<semaphore_mem>>)
    %dma_start3A_137 = arith.constant 4 : i32
    %dma_start3A_138 = arith.constant 4 : i32
    %dma_start3A_139 = arith.constant 4 : i32
    %dma_start3A_140 = arith.constant 0 : i32
    %dma_start3A_141 = arith.constant 0 : i32
    %dma_start3A_142 = tpu.memref_slice %arg9[%dma_start3A_138, %dma_start3A_140, %dma_start3A_141] : memref<8x64x64xf32, #tpu.memory_space<vmem>> -> memref<1x64x64xf32, #tpu.memory_space<vmem>>
    %dma_start3A_143 = tpu.memref_squeeze %dma_start3A_142 : memref<1x64x64xf32, #tpu.memory_space<vmem>> -> memref<64x64xf32, #tpu.memory_space<vmem>>
    %dma_start3A_144 = arith.constant 0 : i32
    %dma_start3A_145 = tpu.memref_slice %arg7[%dma_start3A_137, %dma_start3A_144] : memref<80x64xi32, #tpu.memory_space<vmem>> -> memref<1x64xi32, #tpu.memory_space<vmem>>
    %dma_start3A_146 = tpu.memref_squeeze %dma_start3A_145 : memref<1x64xi32, #tpu.memory_space<vmem>> -> memref<64xi32, #tpu.memory_space<vmem>>
    %dma_start3A_147 = arith.constant 0 : i32
    %dma_start3A_148 = arith.constant 0 : i32
    %dma_start3A_149 = tpu.memref_slice %arg2[%dma_start3A_147, %dma_start3A_148] : memref<1000000x64xf32, #tpu.memory_space<hbm>> -> memref<1000000x64xf32, #tpu.memory_space<hbm>>
    %dma_start3A_150 = tpu.memref_slice %arg10[%dma_start3A_139] : memref<8x!tpu.dma_semaphore, #tpu.memory_space<semaphore_mem>> -> memref<1x!tpu.dma_semaphore, #tpu.memory_space<semaphore_mem>>
    %dma_start3A_151 = tpu.memref_squeeze %dma_start3A_150 : memref<1x!tpu.dma_semaphore, #tpu.memory_space<semaphore_mem>> -> memref<!tpu.dma_semaphore, #tpu.memory_space<semaphore_mem>>
    tpu.enqueue_indirect_dma source(%dma_start3A_149 : memref<1000000x64xf32, #tpu.memory_space<hbm>>) target(%dma_start3A_143 : memref<64x64xf32, #tpu.memory_space<vmem>>) offsets(%dma_start3A_146 : memref<64xi32, #tpu.memory_space<vmem>>) semaphore(%dma_start3A_151 : memref<!tpu.dma_semaphore, #tpu.memory_space<semaphore_mem>>)
    %dma_start3A_152 = arith.constant 5 : i32
    %dma_start3A_153 = arith.constant 5 : i32
    %dma_start3A_154 = arith.constant 5 : i32
    %dma_start3A_155 = arith.constant 0 : i32
    %dma_start3A_156 = arith.constant 0 : i32
    %dma_start3A_157 = tpu.memref_slice %arg8[%dma_start3A_153, %dma_start3A_155, %dma_start3A_156] : memref<8x64x64xf32, #tpu.memory_space<vmem>> -> memref<1x64x64xf32, #tpu.memory_space<vmem>>
    %dma_start3A_158 = tpu.memref_squeeze %dma_start3A_157 : memref<1x64x64xf32, #tpu.memory_space<vmem>> -> memref<64x64xf32, #tpu.memory_space<vmem>>
    %dma_start3A_159 = arith.constant 0 : i32
    %dma_start3A_160 = tpu.memref_slice %arg6[%dma_start3A_152, %dma_start3A_159] : memref<80x64xi32, #tpu.memory_space<vmem>> -> memref<1x64xi32, #tpu.memory_space<vmem>>
    %dma_start3A_161 = tpu.memref_squeeze %dma_start3A_160 : memref<1x64xi32, #tpu.memory_space<vmem>> -> memref<64xi32, #tpu.memory_space<vmem>>
    %dma_start3A_162 = arith.constant 0 : i32
    %dma_start3A_163 = arith.constant 0 : i32
    %dma_start3A_164 = tpu.memref_slice %arg2[%dma_start3A_162, %dma_start3A_163] : memref<1000000x64xf32, #tpu.memory_space<hbm>> -> memref<1000000x64xf32, #tpu.memory_space<hbm>>
    %dma_start3A_165 = tpu.memref_slice %arg10[%dma_start3A_154] : memref<8x!tpu.dma_semaphore, #tpu.memory_space<semaphore_mem>> -> memref<1x!tpu.dma_semaphore, #tpu.memory_space<semaphore_mem>>
    %dma_start3A_166 = tpu.memref_squeeze %dma_start3A_165 : memref<1x!tpu.dma_semaphore, #tpu.memory_space<semaphore_mem>> -> memref<!tpu.dma_semaphore, #tpu.memory_space<semaphore_mem>>
    tpu.enqueue_indirect_dma source(%dma_start3A_164 : memref<1000000x64xf32, #tpu.memory_space<hbm>>) target(%dma_start3A_158 : memref<64x64xf32, #tpu.memory_space<vmem>>) offsets(%dma_start3A_161 : memref<64xi32, #tpu.memory_space<vmem>>) semaphore(%dma_start3A_166 : memref<!tpu.dma_semaphore, #tpu.memory_space<semaphore_mem>>)
    %dma_start3A_167 = arith.constant 5 : i32
    %dma_start3A_168 = arith.constant 5 : i32
    %dma_start3A_169 = arith.constant 5 : i32
    %dma_start3A_170 = arith.constant 0 : i32
    %dma_start3A_171 = arith.constant 0 : i32
    %dma_start3A_172 = tpu.memref_slice %arg9[%dma_start3A_168, %dma_start3A_170, %dma_start3A_171] : memref<8x64x64xf32, #tpu.memory_space<vmem>> -> memref<1x64x64xf32, #tpu.memory_space<vmem>>
    %dma_start3A_173 = tpu.memref_squeeze %dma_start3A_172 : memref<1x64x64xf32, #tpu.memory_space<vmem>> -> memref<64x64xf32, #tpu.memory_space<vmem>>
    %dma_start3A_174 = arith.constant 0 : i32
    %dma_start3A_175 = tpu.memref_slice %arg7[%dma_start3A_167, %dma_start3A_174] : memref<80x64xi32, #tpu.memory_space<vmem>> -> memref<1x64xi32, #tpu.memory_space<vmem>>
    %dma_start3A_176 = tpu.memref_squeeze %dma_start3A_175 : memref<1x64xi32, #tpu.memory_space<vmem>> -> memref<64xi32, #tpu.memory_space<vmem>>
    %dma_start3A_177 = arith.constant 0 : i32
    %dma_start3A_178 = arith.constant 0 : i32
    %dma_start3A_179 = tpu.memref_slice %arg2[%dma_start3A_177, %dma_start3A_178] : memref<1000000x64xf32, #tpu.memory_space<hbm>> -> memref<1000000x64xf32, #tpu.memory_space<hbm>>
    %dma_start3A_180 = tpu.memref_slice %arg10[%dma_start3A_169] : memref<8x!tpu.dma_semaphore, #tpu.memory_space<semaphore_mem>> -> memref<1x!tpu.dma_semaphore, #tpu.memory_space<semaphore_mem>>
    %dma_start3A_181 = tpu.memref_squeeze %dma_start3A_180 : memref<1x!tpu.dma_semaphore, #tpu.memory_space<semaphore_mem>> -> memref<!tpu.dma_semaphore, #tpu.memory_space<semaphore_mem>>
    tpu.enqueue_indirect_dma source(%dma_start3A_179 : memref<1000000x64xf32, #tpu.memory_space<hbm>>) target(%dma_start3A_173 : memref<64x64xf32, #tpu.memory_space<vmem>>) offsets(%dma_start3A_176 : memref<64xi32, #tpu.memory_space<vmem>>) semaphore(%dma_start3A_181 : memref<!tpu.dma_semaphore, #tpu.memory_space<semaphore_mem>>)
    %dma_start3A_182 = arith.constant 6 : i32
    %dma_start3A_183 = arith.constant 6 : i32
    %dma_start3A_184 = arith.constant 6 : i32
    %dma_start3A_185 = arith.constant 0 : i32
    %dma_start3A_186 = arith.constant 0 : i32
    %dma_start3A_187 = tpu.memref_slice %arg8[%dma_start3A_183, %dma_start3A_185, %dma_start3A_186] : memref<8x64x64xf32, #tpu.memory_space<vmem>> -> memref<1x64x64xf32, #tpu.memory_space<vmem>>
    %dma_start3A_188 = tpu.memref_squeeze %dma_start3A_187 : memref<1x64x64xf32, #tpu.memory_space<vmem>> -> memref<64x64xf32, #tpu.memory_space<vmem>>
    %dma_start3A_189 = arith.constant 0 : i32
    %dma_start3A_190 = tpu.memref_slice %arg6[%dma_start3A_182, %dma_start3A_189] : memref<80x64xi32, #tpu.memory_space<vmem>> -> memref<1x64xi32, #tpu.memory_space<vmem>>
    %dma_start3A_191 = tpu.memref_squeeze %dma_start3A_190 : memref<1x64xi32, #tpu.memory_space<vmem>> -> memref<64xi32, #tpu.memory_space<vmem>>
    %dma_start3A_192 = arith.constant 0 : i32
    %dma_start3A_193 = arith.constant 0 : i32
    %dma_start3A_194 = tpu.memref_slice %arg2[%dma_start3A_192, %dma_start3A_193] : memref<1000000x64xf32, #tpu.memory_space<hbm>> -> memref<1000000x64xf32, #tpu.memory_space<hbm>>
    %dma_start3A_195 = tpu.memref_slice %arg10[%dma_start3A_184] : memref<8x!tpu.dma_semaphore, #tpu.memory_space<semaphore_mem>> -> memref<1x!tpu.dma_semaphore, #tpu.memory_space<semaphore_mem>>
    %dma_start3A_196 = tpu.memref_squeeze %dma_start3A_195 : memref<1x!tpu.dma_semaphore, #tpu.memory_space<semaphore_mem>> -> memref<!tpu.dma_semaphore, #tpu.memory_space<semaphore_mem>>
    tpu.enqueue_indirect_dma source(%dma_start3A_194 : memref<1000000x64xf32, #tpu.memory_space<hbm>>) target(%dma_start3A_188 : memref<64x64xf32, #tpu.memory_space<vmem>>) offsets(%dma_start3A_191 : memref<64xi32, #tpu.memory_space<vmem>>) semaphore(%dma_start3A_196 : memref<!tpu.dma_semaphore, #tpu.memory_space<semaphore_mem>>)
    %dma_start3A_197 = arith.constant 6 : i32
    %dma_start3A_198 = arith.constant 6 : i32
    %dma_start3A_199 = arith.constant 6 : i32
    %dma_start3A_200 = arith.constant 0 : i32
    %dma_start3A_201 = arith.constant 0 : i32
    %dma_start3A_202 = tpu.memref_slice %arg9[%dma_start3A_198, %dma_start3A_200, %dma_start3A_201] : memref<8x64x64xf32, #tpu.memory_space<vmem>> -> memref<1x64x64xf32, #tpu.memory_space<vmem>>
    %dma_start3A_203 = tpu.memref_squeeze %dma_start3A_202 : memref<1x64x64xf32, #tpu.memory_space<vmem>> -> memref<64x64xf32, #tpu.memory_space<vmem>>
    %dma_start3A_204 = arith.constant 0 : i32
    %dma_start3A_205 = tpu.memref_slice %arg7[%dma_start3A_197, %dma_start3A_204] : memref<80x64xi32, #tpu.memory_space<vmem>> -> memref<1x64xi32, #tpu.memory_space<vmem>>
    %dma_start3A_206 = tpu.memref_squeeze %dma_start3A_205 : memref<1x64xi32, #tpu.memory_space<vmem>> -> memref<64xi32, #tpu.memory_space<vmem>>
    %dma_start3A_207 = arith.constant 0 : i32
    %dma_start3A_208 = arith.constant 0 : i32
    %dma_start3A_209 = tpu.memref_slice %arg2[%dma_start3A_207, %dma_start3A_208] : memref<1000000x64xf32, #tpu.memory_space<hbm>> -> memref<1000000x64xf32, #tpu.memory_space<hbm>>
    %dma_start3A_210 = tpu.memref_slice %arg10[%dma_start3A_199] : memref<8x!tpu.dma_semaphore, #tpu.memory_space<semaphore_mem>> -> memref<1x!tpu.dma_semaphore, #tpu.memory_space<semaphore_mem>>
    %dma_start3A_211 = tpu.memref_squeeze %dma_start3A_210 : memref<1x!tpu.dma_semaphore, #tpu.memory_space<semaphore_mem>> -> memref<!tpu.dma_semaphore, #tpu.memory_space<semaphore_mem>>
    tpu.enqueue_indirect_dma source(%dma_start3A_209 : memref<1000000x64xf32, #tpu.memory_space<hbm>>) target(%dma_start3A_203 : memref<64x64xf32, #tpu.memory_space<vmem>>) offsets(%dma_start3A_206 : memref<64xi32, #tpu.memory_space<vmem>>) semaphore(%dma_start3A_211 : memref<!tpu.dma_semaphore, #tpu.memory_space<semaphore_mem>>)
    %dma_start3A_212 = arith.constant 7 : i32
    %dma_start3A_213 = arith.constant 7 : i32
    %dma_start3A_214 = arith.constant 7 : i32
    %dma_start3A_215 = arith.constant 0 : i32
    %dma_start3A_216 = arith.constant 0 : i32
    %dma_start3A_217 = tpu.memref_slice %arg8[%dma_start3A_213, %dma_start3A_215, %dma_start3A_216] : memref<8x64x64xf32, #tpu.memory_space<vmem>> -> memref<1x64x64xf32, #tpu.memory_space<vmem>>
    %dma_start3A_218 = tpu.memref_squeeze %dma_start3A_217 : memref<1x64x64xf32, #tpu.memory_space<vmem>> -> memref<64x64xf32, #tpu.memory_space<vmem>>
    %dma_start3A_219 = arith.constant 0 : i32
    %dma_start3A_220 = tpu.memref_slice %arg6[%dma_start3A_212, %dma_start3A_219] : memref<80x64xi32, #tpu.memory_space<vmem>> -> memref<1x64xi32, #tpu.memory_space<vmem>>
    %dma_start3A_221 = tpu.memref_squeeze %dma_start3A_220 : memref<1x64xi32, #tpu.memory_space<vmem>> -> memref<64xi32, #tpu.memory_space<vmem>>
    %dma_start3A_222 = arith.constant 0 : i32
    %dma_start3A_223 = arith.constant 0 : i32
    %dma_start3A_224 = tpu.memref_slice %arg2[%dma_start3A_222, %dma_start3A_223] : memref<1000000x64xf32, #tpu.memory_space<hbm>> -> memref<1000000x64xf32, #tpu.memory_space<hbm>>
    %dma_start3A_225 = tpu.memref_slice %arg10[%dma_start3A_214] : memref<8x!tpu.dma_semaphore, #tpu.memory_space<semaphore_mem>> -> memref<1x!tpu.dma_semaphore, #tpu.memory_space<semaphore_mem>>
    %dma_start3A_226 = tpu.memref_squeeze %dma_start3A_225 : memref<1x!tpu.dma_semaphore, #tpu.memory_space<semaphore_mem>> -> memref<!tpu.dma_semaphore, #tpu.memory_space<semaphore_mem>>
    tpu.enqueue_indirect_dma source(%dma_start3A_224 : memref<1000000x64xf32, #tpu.memory_space<hbm>>) target(%dma_start3A_218 : memref<64x64xf32, #tpu.memory_space<vmem>>) offsets(%dma_start3A_221 : memref<64xi32, #tpu.memory_space<vmem>>) semaphore(%dma_start3A_226 : memref<!tpu.dma_semaphore, #tpu.memory_space<semaphore_mem>>)
    %dma_start3A_227 = arith.constant 7 : i32
    %dma_start3A_228 = arith.constant 7 : i32
    %dma_start3A_229 = arith.constant 7 : i32
    %dma_start3A_230 = arith.constant 0 : i32
    %dma_start3A_231 = arith.constant 0 : i32
    %dma_start3A_232 = tpu.memref_slice %arg9[%dma_start3A_228, %dma_start3A_230, %dma_start3A_231] : memref<8x64x64xf32, #tpu.memory_space<vmem>> -> memref<1x64x64xf32, #tpu.memory_space<vmem>>
    %dma_start3A_233 = tpu.memref_squeeze %dma_start3A_232 : memref<1x64x64xf32, #tpu.memory_space<vmem>> -> memref<64x64xf32, #tpu.memory_space<vmem>>
    %dma_start3A_234 = arith.constant 0 : i32
    %dma_start3A_235 = tpu.memref_slice %arg7[%dma_start3A_227, %dma_start3A_234] : memref<80x64xi32, #tpu.memory_space<vmem>> -> memref<1x64xi32, #tpu.memory_space<vmem>>
    %dma_start3A_236 = tpu.memref_squeeze %dma_start3A_235 : memref<1x64xi32, #tpu.memory_space<vmem>> -> memref<64xi32, #tpu.memory_space<vmem>>
    %dma_start3A_237 = arith.constant 0 : i32
    %dma_start3A_238 = arith.constant 0 : i32
    %dma_start3A_239 = tpu.memref_slice %arg2[%dma_start3A_237, %dma_start3A_238] : memref<1000000x64xf32, #tpu.memory_space<hbm>> -> memref<1000000x64xf32, #tpu.memory_space<hbm>>
    %dma_start3A_240 = tpu.memref_slice %arg10[%dma_start3A_229] : memref<8x!tpu.dma_semaphore, #tpu.memory_space<semaphore_mem>> -> memref<1x!tpu.dma_semaphore, #tpu.memory_space<semaphore_mem>>
    %dma_start3A_241 = tpu.memref_squeeze %dma_start3A_240 : memref<1x!tpu.dma_semaphore, #tpu.memory_space<semaphore_mem>> -> memref<!tpu.dma_semaphore, #tpu.memory_space<semaphore_mem>>
    tpu.enqueue_indirect_dma source(%dma_start3A_239 : memref<1000000x64xf32, #tpu.memory_space<hbm>>) target(%dma_start3A_233 : memref<64x64xf32, #tpu.memory_space<vmem>>) offsets(%dma_start3A_236 : memref<64xi32, #tpu.memory_space<vmem>>) semaphore(%dma_start3A_241 : memref<!tpu.dma_semaphore, #tpu.memory_space<semaphore_mem>>)
    %scan3A = arith.constant 0 : i32
    %scan3A_242 = arith.constant 0 : i32
    %scan3A_243 = arith.constant 9 : i32
    %scan3A_244 = arith.addi %scan3A_242, %scan3A_243 : i32
    %scan3A_245 = arith.constant 1 : i32
    scf.for %scan3A_517 = %scan3A_242 to %scan3A_244 step %scan3A_245  : i32 {
      %mul3A_518 = arith.constant 8 : i32
      %mul3A_519 = arith.muli %scan3A_517, %mul3A_518 : i32
      %add3A_520 = arith.constant 0 : i32
      %add3A_521 = arith.addi %mul3A_519, %add3A_520 : i32
      %dma_wait3A_522 = arith.constant 0 : i32
      %dma_wait3A_523 = arith.constant 0 : i32
      %dma_wait3A_524 = arith.constant 0 : i32
      %dma_wait3A_525 = arith.constant 0 : i32
      %dma_wait3A_526 = tpu.memref_slice %arg8[%dma_wait3A_522, %dma_wait3A_524, %dma_wait3A_525] : memref<8x64x64xf32, #tpu.memory_space<vmem>> -> memref<1x64x64xf32, #tpu.memory_space<vmem>>
      %dma_wait3A_527 = tpu.memref_squeeze %dma_wait3A_526 : memref<1x64x64xf32, #tpu.memory_space<vmem>> -> memref<64x64xf32, #tpu.memory_space<vmem>>
      %dma_wait3A_528 = arith.constant 0 : i32
      %dma_wait3A_529 = tpu.memref_slice %arg6[%add3A_521, %dma_wait3A_528] : memref<80x64xi32, #tpu.memory_space<vmem>> -> memref<1x64xi32, #tpu.memory_space<vmem>>
      %dma_wait3A_530 = tpu.memref_squeeze %dma_wait3A_529 : memref<1x64xi32, #tpu.memory_space<vmem>> -> memref<64xi32, #tpu.memory_space<vmem>>
      %dma_wait3A_531 = arith.constant 0 : i32
      %dma_wait3A_532 = arith.constant 0 : i32
      %dma_wait3A_533 = tpu.memref_slice %arg2[%dma_wait3A_531, %dma_wait3A_532] : memref<1000000x64xf32, #tpu.memory_space<hbm>> -> memref<1000000x64xf32, #tpu.memory_space<hbm>>
      %dma_wait3A_534 = tpu.memref_slice %arg10[%dma_wait3A_523] : memref<8x!tpu.dma_semaphore, #tpu.memory_space<semaphore_mem>> -> memref<1x!tpu.dma_semaphore, #tpu.memory_space<semaphore_mem>>
      %dma_wait3A_535 = tpu.memref_squeeze %dma_wait3A_534 : memref<1x!tpu.dma_semaphore, #tpu.memory_space<semaphore_mem>> -> memref<!tpu.dma_semaphore, #tpu.memory_space<semaphore_mem>>
      tpu.wait_indirect_dma semaphore(%dma_wait3A_535 : memref<!tpu.dma_semaphore, #tpu.memory_space<semaphore_mem>>) src(%dma_wait3A_533 : memref<1000000x64xf32, #tpu.memory_space<hbm>>) dst(%dma_wait3A_527 : memref<64x64xf32, #tpu.memory_space<vmem>>)
      %dma_wait3A_536 = arith.constant 0 : i32
      %dma_wait3A_537 = arith.constant 0 : i32
      %dma_wait3A_538 = arith.constant 0 : i32
      %dma_wait3A_539 = arith.constant 0 : i32
      %dma_wait3A_540 = tpu.memref_slice %arg9[%dma_wait3A_536, %dma_wait3A_538, %dma_wait3A_539] : memref<8x64x64xf32, #tpu.memory_space<vmem>> -> memref<1x64x64xf32, #tpu.memory_space<vmem>>
      %dma_wait3A_541 = tpu.memref_squeeze %dma_wait3A_540 : memref<1x64x64xf32, #tpu.memory_space<vmem>> -> memref<64x64xf32, #tpu.memory_space<vmem>>
      %dma_wait3A_542 = arith.constant 0 : i32
      %dma_wait3A_543 = tpu.memref_slice %arg7[%add3A_521, %dma_wait3A_542] : memref<80x64xi32, #tpu.memory_space<vmem>> -> memref<1x64xi32, #tpu.memory_space<vmem>>
      %dma_wait3A_544 = tpu.memref_squeeze %dma_wait3A_543 : memref<1x64xi32, #tpu.memory_space<vmem>> -> memref<64xi32, #tpu.memory_space<vmem>>
      %dma_wait3A_545 = arith.constant 0 : i32
      %dma_wait3A_546 = arith.constant 0 : i32
      %dma_wait3A_547 = tpu.memref_slice %arg2[%dma_wait3A_545, %dma_wait3A_546] : memref<1000000x64xf32, #tpu.memory_space<hbm>> -> memref<1000000x64xf32, #tpu.memory_space<hbm>>
      %dma_wait3A_548 = tpu.memref_slice %arg10[%dma_wait3A_537] : memref<8x!tpu.dma_semaphore, #tpu.memory_space<semaphore_mem>> -> memref<1x!tpu.dma_semaphore, #tpu.memory_space<semaphore_mem>>
      %dma_wait3A_549 = tpu.memref_squeeze %dma_wait3A_548 : memref<1x!tpu.dma_semaphore, #tpu.memory_space<semaphore_mem>> -> memref<!tpu.dma_semaphore, #tpu.memory_space<semaphore_mem>>
      tpu.wait_indirect_dma semaphore(%dma_wait3A_549 : memref<!tpu.dma_semaphore, #tpu.memory_space<semaphore_mem>>) src(%dma_wait3A_547 : memref<1000000x64xf32, #tpu.memory_space<hbm>>) dst(%dma_wait3A_541 : memref<64x64xf32, #tpu.memory_space<vmem>>)
      %mul3A_550 = arith.constant 64 : i32
      %mul3A_551 = arith.muli %add3A_521, %mul3A_550 : i32
      %add3A_552 = arith.addi %mul3A_2, %mul3A_551 : i32
      %run_scoped3A_553 = arith.constant 0 : i32
      "tpu.region"() ({
        %run_scoped3A_1054 = tpu.sem_alloc : memref<!tpu.dma_semaphore, #tpu.memory_space<semaphore_mem>>
        %dma_start3A_1055 = arith.constant 0 : i32
        %dma_start3A_1056 = arith.constant 0 : i32
        %dma_start3A_1057 = tpu.memref_slice %arg8[%run_scoped3A_553, %dma_start3A_1055, %dma_start3A_1056] : memref<8x64x64xf32, #tpu.memory_space<vmem>> -> memref<1x64x64xf32, #tpu.memory_space<vmem>>
        %dma_start3A_1058 = tpu.memref_squeeze %dma_start3A_1057 : memref<1x64x64xf32, #tpu.memory_space<vmem>> -> memref<64x64xf32, #tpu.memory_space<vmem>>
        %dma_start3A_1059 = arith.constant 0 : i32
        %dma_start3A_1060 = tpu.memref_slice %arg5[%add3A_552, %dma_start3A_1059] : memref<163840x128xf32, #tpu.memory_space<hbm>> -> memref<64x64xf32, #tpu.memory_space<hbm>>
        %dma_start3A_1061 = arith.constant 0 : i32
        %dma_start3A_1062 = tpu.memref_slice %arg5[%add3A_552, %dma_start3A_1061] : memref<163840x128xf32, #tpu.memory_space<hbm>> -> memref<64x64xf32, #tpu.memory_space<hbm>>
        %dma_start3A_1063 = arith.constant 0 : i32
        %dma_start3A_1064 = arith.constant 0 : i32
        %dma_start3A_1065 = tpu.memref_slice %arg8[%run_scoped3A_553, %dma_start3A_1063, %dma_start3A_1064] : memref<8x64x64xf32, #tpu.memory_space<vmem>> -> memref<1x64x64xf32, #tpu.memory_space<vmem>>
        %dma_start3A_1066 = tpu.memref_squeeze %dma_start3A_1065 : memref<1x64x64xf32, #tpu.memory_space<vmem>> -> memref<64x64xf32, #tpu.memory_space<vmem>>
        tpu.enqueue_dma source(%dma_start3A_1066 : memref<64x64xf32, #tpu.memory_space<vmem>>) target(%dma_start3A_1062 : memref<64x64xf32, #tpu.memory_space<hbm>>) target_semaphore(%run_scoped3A_1054 : memref<!tpu.dma_semaphore, #tpu.memory_space<semaphore_mem>>)
        %dma_wait3A_1067 = arith.constant 0 : i32
        %dma_wait3A_1068 = arith.constant 0 : i32
        %dma_wait3A_1069 = tpu.memref_slice %arg8[%run_scoped3A_553, %dma_wait3A_1067, %dma_wait3A_1068] : memref<8x64x64xf32, #tpu.memory_space<vmem>> -> memref<1x64x64xf32, #tpu.memory_space<vmem>>
        %dma_wait3A_1070 = tpu.memref_squeeze %dma_wait3A_1069 : memref<1x64x64xf32, #tpu.memory_space<vmem>> -> memref<64x64xf32, #tpu.memory_space<vmem>>
        %dma_wait3A_1071 = arith.constant 0 : i32
        %dma_wait3A_1072 = tpu.memref_slice %arg5[%add3A_552, %dma_wait3A_1071] : memref<163840x128xf32, #tpu.memory_space<hbm>> -> memref<64x64xf32, #tpu.memory_space<hbm>>
        %dma_wait3A_1073 = arith.constant 0 : i32
        %dma_wait3A_1074 = tpu.memref_slice %arg5[%add3A_552, %dma_wait3A_1073] : memref<163840x128xf32, #tpu.memory_space<hbm>> -> memref<64x64xf32, #tpu.memory_space<hbm>>
        %dma_wait3A_1075 = arith.constant 0 : i32
        %dma_wait3A_1076 = arith.constant 0 : i32
        %dma_wait3A_1077 = tpu.memref_slice %arg8[%run_scoped3A_553, %dma_wait3A_1075, %dma_wait3A_1076] : memref<8x64x64xf32, #tpu.memory_space<vmem>> -> memref<1x64x64xf32, #tpu.memory_space<vmem>>
        %dma_wait3A_1078 = tpu.memref_squeeze %dma_wait3A_1077 : memref<1x64x64xf32, #tpu.memory_space<vmem>> -> memref<64x64xf32, #tpu.memory_space<vmem>>
        tpu.wait_dma2 semaphore(%run_scoped3A_1054 : memref<!tpu.dma_semaphore, #tpu.memory_space<semaphore_mem>>) src(%dma_wait3A_1078 : memref<64x64xf32, #tpu.memory_space<vmem>>) dst(%dma_wait3A_1074 : memref<64x64xf32, #tpu.memory_space<hbm>>)
        tpu.yield
      }) : () -> ()
      %run_scoped3A_554 = arith.constant 0 : i32
      "tpu.region"() ({
        %run_scoped3A_1054 = tpu.sem_alloc : memref<!tpu.dma_semaphore, #tpu.memory_space<semaphore_mem>>
        %dma_start3A_1055 = arith.constant 0 : i32
        %dma_start3A_1056 = arith.constant 0 : i32
        %dma_start3A_1057 = tpu.memref_slice %arg9[%run_scoped3A_554, %dma_start3A_1055, %dma_start3A_1056] : memref<8x64x64xf32, #tpu.memory_space<vmem>> -> memref<1x64x64xf32, #tpu.memory_space<vmem>>
        %dma_start3A_1058 = tpu.memref_squeeze %dma_start3A_1057 : memref<1x64x64xf32, #tpu.memory_space<vmem>> -> memref<64x64xf32, #tpu.memory_space<vmem>>
        %dma_start3A_1059 = arith.constant 64 : i32
        %dma_start3A_1060 = tpu.memref_slice %arg5[%add3A_552, %dma_start3A_1059] : memref<163840x128xf32, #tpu.memory_space<hbm>> -> memref<64x64xf32, #tpu.memory_space<hbm>>
        %dma_start3A_1061 = arith.constant 64 : i32
        %dma_start3A_1062 = tpu.memref_slice %arg5[%add3A_552, %dma_start3A_1061] : memref<163840x128xf32, #tpu.memory_space<hbm>> -> memref<64x64xf32, #tpu.memory_space<hbm>>
        %dma_start3A_1063 = arith.constant 0 : i32
        %dma_start3A_1064 = arith.constant 0 : i32
        %dma_start3A_1065 = tpu.memref_slice %arg9[%run_scoped3A_554, %dma_start3A_1063, %dma_start3A_1064] : memref<8x64x64xf32, #tpu.memory_space<vmem>> -> memref<1x64x64xf32, #tpu.memory_space<vmem>>
        %dma_start3A_1066 = tpu.memref_squeeze %dma_start3A_1065 : memref<1x64x64xf32, #tpu.memory_space<vmem>> -> memref<64x64xf32, #tpu.memory_space<vmem>>
        tpu.enqueue_dma source(%dma_start3A_1066 : memref<64x64xf32, #tpu.memory_space<vmem>>) target(%dma_start3A_1062 : memref<64x64xf32, #tpu.memory_space<hbm>>) target_semaphore(%run_scoped3A_1054 : memref<!tpu.dma_semaphore, #tpu.memory_space<semaphore_mem>>)
        %dma_wait3A_1067 = arith.constant 0 : i32
        %dma_wait3A_1068 = arith.constant 0 : i32
        %dma_wait3A_1069 = tpu.memref_slice %arg9[%run_scoped3A_554, %dma_wait3A_1067, %dma_wait3A_1068] : memref<8x64x64xf32, #tpu.memory_space<vmem>> -> memref<1x64x64xf32, #tpu.memory_space<vmem>>
        %dma_wait3A_1070 = tpu.memref_squeeze %dma_wait3A_1069 : memref<1x64x64xf32, #tpu.memory_space<vmem>> -> memref<64x64xf32, #tpu.memory_space<vmem>>
        %dma_wait3A_1071 = arith.constant 64 : i32
        %dma_wait3A_1072 = tpu.memref_slice %arg5[%add3A_552, %dma_wait3A_1071] : memref<163840x128xf32, #tpu.memory_space<hbm>> -> memref<64x64xf32, #tpu.memory_space<hbm>>
        %dma_wait3A_1073 = arith.constant 64 : i32
        %dma_wait3A_1074 = tpu.memref_slice %arg5[%add3A_552, %dma_wait3A_1073] : memref<163840x128xf32, #tpu.memory_space<hbm>> -> memref<64x64xf32, #tpu.memory_space<hbm>>
        %dma_wait3A_1075 = arith.constant 0 : i32
        %dma_wait3A_1076 = arith.constant 0 : i32
        %dma_wait3A_1077 = tpu.memref_slice %arg9[%run_scoped3A_554, %dma_wait3A_1075, %dma_wait3A_1076] : memref<8x64x64xf32, #tpu.memory_space<vmem>> -> memref<1x64x64xf32, #tpu.memory_space<vmem>>
        %dma_wait3A_1078 = tpu.memref_squeeze %dma_wait3A_1077 : memref<1x64x64xf32, #tpu.memory_space<vmem>> -> memref<64x64xf32, #tpu.memory_space<vmem>>
        tpu.wait_dma2 semaphore(%run_scoped3A_1054 : memref<!tpu.dma_semaphore, #tpu.memory_space<semaphore_mem>>) src(%dma_wait3A_1078 : memref<64x64xf32, #tpu.memory_space<vmem>>) dst(%dma_wait3A_1074 : memref<64x64xf32, #tpu.memory_space<hbm>>)
        tpu.yield
      }) : () -> ()
      %add3A_555 = arith.constant 8 : i32
      %add3A_556 = arith.addi %add3A_521, %add3A_555 : i32
      %dma_start3A_557 = arith.constant 0 : i32
      %dma_start3A_558 = arith.constant 0 : i32
      %dma_start3A_559 = arith.constant 0 : i32
      %dma_start3A_560 = arith.constant 0 : i32
      %dma_start3A_561 = tpu.memref_slice %arg8[%dma_start3A_557, %dma_start3A_559, %dma_start3A_560] : memref<8x64x64xf32, #tpu.memory_space<vmem>> -> memref<1x64x64xf32, #tpu.memory_space<vmem>>
      %dma_start3A_562 = tpu.memref_squeeze %dma_start3A_561 : memref<1x64x64xf32, #tpu.memory_space<vmem>> -> memref<64x64xf32, #tpu.memory_space<vmem>>
      %dma_start3A_563 = arith.constant 0 : i32
      %dma_start3A_564 = tpu.memref_slice %arg6[%add3A_556, %dma_start3A_563] : memref<80x64xi32, #tpu.memory_space<vmem>> -> memref<1x64xi32, #tpu.memory_space<vmem>>
      %dma_start3A_565 = tpu.memref_squeeze %dma_start3A_564 : memref<1x64xi32, #tpu.memory_space<vmem>> -> memref<64xi32, #tpu.memory_space<vmem>>
      %dma_start3A_566 = arith.constant 0 : i32
      %dma_start3A_567 = arith.constant 0 : i32
      %dma_start3A_568 = tpu.memref_slice %arg2[%dma_start3A_566, %dma_start3A_567] : memref<1000000x64xf32, #tpu.memory_space<hbm>> -> memref<1000000x64xf32, #tpu.memory_space<hbm>>
      %dma_start3A_569 = tpu.memref_slice %arg10[%dma_start3A_558] : memref<8x!tpu.dma_semaphore, #tpu.memory_space<semaphore_mem>> -> memref<1x!tpu.dma_semaphore, #tpu.memory_space<semaphore_mem>>
      %dma_start3A_570 = tpu.memref_squeeze %dma_start3A_569 : memref<1x!tpu.dma_semaphore, #tpu.memory_space<semaphore_mem>> -> memref<!tpu.dma_semaphore, #tpu.memory_space<semaphore_mem>>
      tpu.enqueue_indirect_dma source(%dma_start3A_568 : memref<1000000x64xf32, #tpu.memory_space<hbm>>) target(%dma_start3A_562 : memref<64x64xf32, #tpu.memory_space<vmem>>) offsets(%dma_start3A_565 : memref<64xi32, #tpu.memory_space<vmem>>) semaphore(%dma_start3A_570 : memref<!tpu.dma_semaphore, #tpu.memory_space<semaphore_mem>>)
      %dma_start3A_571 = arith.constant 0 : i32
      %dma_start3A_572 = arith.constant 0 : i32
      %dma_start3A_573 = arith.constant 0 : i32
      %dma_start3A_574 = arith.constant 0 : i32
      %dma_start3A_575 = tpu.memref_slice %arg9[%dma_start3A_571, %dma_start3A_573, %dma_start3A_574] : memref<8x64x64xf32, #tpu.memory_space<vmem>> -> memref<1x64x64xf32, #tpu.memory_space<vmem>>
      %dma_start3A_576 = tpu.memref_squeeze %dma_start3A_575 : memref<1x64x64xf32, #tpu.memory_space<vmem>> -> memref<64x64xf32, #tpu.memory_space<vmem>>
      %dma_start3A_577 = arith.constant 0 : i32
      %dma_start3A_578 = tpu.memref_slice %arg7[%add3A_556, %dma_start3A_577] : memref<80x64xi32, #tpu.memory_space<vmem>> -> memref<1x64xi32, #tpu.memory_space<vmem>>
      %dma_start3A_579 = tpu.memref_squeeze %dma_start3A_578 : memref<1x64xi32, #tpu.memory_space<vmem>> -> memref<64xi32, #tpu.memory_space<vmem>>
      %dma_start3A_580 = arith.constant 0 : i32
      %dma_start3A_581 = arith.constant 0 : i32
      %dma_start3A_582 = tpu.memref_slice %arg2[%dma_start3A_580, %dma_start3A_581] : memref<1000000x64xf32, #tpu.memory_space<hbm>> -> memref<1000000x64xf32, #tpu.memory_space<hbm>>
      %dma_start3A_583 = tpu.memref_slice %arg10[%dma_start3A_572] : memref<8x!tpu.dma_semaphore, #tpu.memory_space<semaphore_mem>> -> memref<1x!tpu.dma_semaphore, #tpu.memory_space<semaphore_mem>>
      %dma_start3A_584 = tpu.memref_squeeze %dma_start3A_583 : memref<1x!tpu.dma_semaphore, #tpu.memory_space<semaphore_mem>> -> memref<!tpu.dma_semaphore, #tpu.memory_space<semaphore_mem>>
      tpu.enqueue_indirect_dma source(%dma_start3A_582 : memref<1000000x64xf32, #tpu.memory_space<hbm>>) target(%dma_start3A_576 : memref<64x64xf32, #tpu.memory_space<vmem>>) offsets(%dma_start3A_579 : memref<64xi32, #tpu.memory_space<vmem>>) semaphore(%dma_start3A_584 : memref<!tpu.dma_semaphore, #tpu.memory_space<semaphore_mem>>)
      %mul3A_585 = arith.constant 8 : i32
      %mul3A_586 = arith.muli %scan3A_517, %mul3A_585 : i32
      %add3A_587 = arith.constant 1 : i32
      %add3A_588 = arith.addi %mul3A_586, %add3A_587 : i32
      %dma_wait3A_589 = arith.constant 1 : i32
      %dma_wait3A_590 = arith.constant 1 : i32
      %dma_wait3A_591 = arith.constant 0 : i32
      %dma_wait3A_592 = arith.constant 0 : i32
      %dma_wait3A_593 = tpu.memref_slice %arg8[%dma_wait3A_589, %dma_wait3A_591, %dma_wait3A_592] : memref<8x64x64xf32, #tpu.memory_space<vmem>> -> memref<1x64x64xf32, #tpu.memory_space<vmem>>
      %dma_wait3A_594 = tpu.memref_squeeze %dma_wait3A_593 : memref<1x64x64xf32, #tpu.memory_space<vmem>> -> memref<64x64xf32, #tpu.memory_space<vmem>>
      %dma_wait3A_595 = arith.constant 0 : i32
      %dma_wait3A_596 = tpu.memref_slice %arg6[%add3A_588, %dma_wait3A_595] : memref<80x64xi32, #tpu.memory_space<vmem>> -> memref<1x64xi32, #tpu.memory_space<vmem>>
      %dma_wait3A_597 = tpu.memref_squeeze %dma_wait3A_596 : memref<1x64xi32, #tpu.memory_space<vmem>> -> memref<64xi32, #tpu.memory_space<vmem>>
      %dma_wait3A_598 = arith.constant 0 : i32
      %dma_wait3A_599 = arith.constant 0 : i32
      %dma_wait3A_600 = tpu.memref_slice %arg2[%dma_wait3A_598, %dma_wait3A_599] : memref<1000000x64xf32, #tpu.memory_space<hbm>> -> memref<1000000x64xf32, #tpu.memory_space<hbm>>
      %dma_wait3A_601 = tpu.memref_slice %arg10[%dma_wait3A_590] : memref<8x!tpu.dma_semaphore, #tpu.memory_space<semaphore_mem>> -> memref<1x!tpu.dma_semaphore, #tpu.memory_space<semaphore_mem>>
      %dma_wait3A_602 = tpu.memref_squeeze %dma_wait3A_601 : memref<1x!tpu.dma_semaphore, #tpu.memory_space<semaphore_mem>> -> memref<!tpu.dma_semaphore, #tpu.memory_space<semaphore_mem>>
      tpu.wait_indirect_dma semaphore(%dma_wait3A_602 : memref<!tpu.dma_semaphore, #tpu.memory_space<semaphore_mem>>) src(%dma_wait3A_600 : memref<1000000x64xf32, #tpu.memory_space<hbm>>) dst(%dma_wait3A_594 : memref<64x64xf32, #tpu.memory_space<vmem>>)
      %dma_wait3A_603 = arith.constant 1 : i32
      %dma_wait3A_604 = arith.constant 1 : i32
      %dma_wait3A_605 = arith.constant 0 : i32
      %dma_wait3A_606 = arith.constant 0 : i32
      %dma_wait3A_607 = tpu.memref_slice %arg9[%dma_wait3A_603, %dma_wait3A_605, %dma_wait3A_606] : memref<8x64x64xf32, #tpu.memory_space<vmem>> -> memref<1x64x64xf32, #tpu.memory_space<vmem>>
      %dma_wait3A_608 = tpu.memref_squeeze %dma_wait3A_607 : memref<1x64x64xf32, #tpu.memory_space<vmem>> -> memref<64x64xf32, #tpu.memory_space<vmem>>
      %dma_wait3A_609 = arith.constant 0 : i32
      %dma_wait3A_610 = tpu.memref_slice %arg7[%add3A_588, %dma_wait3A_609] : memref<80x64xi32, #tpu.memory_space<vmem>> -> memref<1x64xi32, #tpu.memory_space<vmem>>
      %dma_wait3A_611 = tpu.memref_squeeze %dma_wait3A_610 : memref<1x64xi32, #tpu.memory_space<vmem>> -> memref<64xi32, #tpu.memory_space<vmem>>
      %dma_wait3A_612 = arith.constant 0 : i32
      %dma_wait3A_613 = arith.constant 0 : i32
      %dma_wait3A_614 = tpu.memref_slice %arg2[%dma_wait3A_612, %dma_wait3A_613] : memref<1000000x64xf32, #tpu.memory_space<hbm>> -> memref<1000000x64xf32, #tpu.memory_space<hbm>>
      %dma_wait3A_615 = tpu.memref_slice %arg10[%dma_wait3A_604] : memref<8x!tpu.dma_semaphore, #tpu.memory_space<semaphore_mem>> -> memref<1x!tpu.dma_semaphore, #tpu.memory_space<semaphore_mem>>
      %dma_wait3A_616 = tpu.memref_squeeze %dma_wait3A_615 : memref<1x!tpu.dma_semaphore, #tpu.memory_space<semaphore_mem>> -> memref<!tpu.dma_semaphore, #tpu.memory_space<semaphore_mem>>
      tpu.wait_indirect_dma semaphore(%dma_wait3A_616 : memref<!tpu.dma_semaphore, #tpu.memory_space<semaphore_mem>>) src(%dma_wait3A_614 : memref<1000000x64xf32, #tpu.memory_space<hbm>>) dst(%dma_wait3A_608 : memref<64x64xf32, #tpu.memory_space<vmem>>)
      %mul3A_617 = arith.constant 64 : i32
      %mul3A_618 = arith.muli %add3A_588, %mul3A_617 : i32
      %add3A_619 = arith.addi %mul3A_2, %mul3A_618 : i32
      %run_scoped3A_620 = arith.constant 1 : i32
      "tpu.region"() ({
        %run_scoped3A_1054 = tpu.sem_alloc : memref<!tpu.dma_semaphore, #tpu.memory_space<semaphore_mem>>
        %dma_start3A_1055 = arith.constant 0 : i32
        %dma_start3A_1056 = arith.constant 0 : i32
        %dma_start3A_1057 = tpu.memref_slice %arg8[%run_scoped3A_620, %dma_start3A_1055, %dma_start3A_1056] : memref<8x64x64xf32, #tpu.memory_space<vmem>> -> memref<1x64x64xf32, #tpu.memory_space<vmem>>
        %dma_start3A_1058 = tpu.memref_squeeze %dma_start3A_1057 : memref<1x64x64xf32, #tpu.memory_space<vmem>> -> memref<64x64xf32, #tpu.memory_space<vmem>>
        %dma_start3A_1059 = arith.constant 0 : i32
        %dma_start3A_1060 = tpu.memref_slice %arg5[%add3A_619, %dma_start3A_1059] : memref<163840x128xf32, #tpu.memory_space<hbm>> -> memref<64x64xf32, #tpu.memory_space<hbm>>
        %dma_start3A_1061 = arith.constant 0 : i32
        %dma_start3A_1062 = tpu.memref_slice %arg5[%add3A_619, %dma_start3A_1061] : memref<163840x128xf32, #tpu.memory_space<hbm>> -> memref<64x64xf32, #tpu.memory_space<hbm>>
        %dma_start3A_1063 = arith.constant 0 : i32
        %dma_start3A_1064 = arith.constant 0 : i32
        %dma_start3A_1065 = tpu.memref_slice %arg8[%run_scoped3A_620, %dma_start3A_1063, %dma_start3A_1064] : memref<8x64x64xf32, #tpu.memory_space<vmem>> -> memref<1x64x64xf32, #tpu.memory_space<vmem>>
        %dma_start3A_1066 = tpu.memref_squeeze %dma_start3A_1065 : memref<1x64x64xf32, #tpu.memory_space<vmem>> -> memref<64x64xf32, #tpu.memory_space<vmem>>
        tpu.enqueue_dma source(%dma_start3A_1066 : memref<64x64xf32, #tpu.memory_space<vmem>>) target(%dma_start3A_1062 : memref<64x64xf32, #tpu.memory_space<hbm>>) target_semaphore(%run_scoped3A_1054 : memref<!tpu.dma_semaphore, #tpu.memory_space<semaphore_mem>>)
        %dma_wait3A_1067 = arith.constant 0 : i32
        %dma_wait3A_1068 = arith.constant 0 : i32
        %dma_wait3A_1069 = tpu.memref_slice %arg8[%run_scoped3A_620, %dma_wait3A_1067, %dma_wait3A_1068] : memref<8x64x64xf32, #tpu.memory_space<vmem>> -> memref<1x64x64xf32, #tpu.memory_space<vmem>>
        %dma_wait3A_1070 = tpu.memref_squeeze %dma_wait3A_1069 : memref<1x64x64xf32, #tpu.memory_space<vmem>> -> memref<64x64xf32, #tpu.memory_space<vmem>>
        %dma_wait3A_1071 = arith.constant 0 : i32
        %dma_wait3A_1072 = tpu.memref_slice %arg5[%add3A_619, %dma_wait3A_1071] : memref<163840x128xf32, #tpu.memory_space<hbm>> -> memref<64x64xf32, #tpu.memory_space<hbm>>
        %dma_wait3A_1073 = arith.constant 0 : i32
        %dma_wait3A_1074 = tpu.memref_slice %arg5[%add3A_619, %dma_wait3A_1073] : memref<163840x128xf32, #tpu.memory_space<hbm>> -> memref<64x64xf32, #tpu.memory_space<hbm>>
        %dma_wait3A_1075 = arith.constant 0 : i32
        %dma_wait3A_1076 = arith.constant 0 : i32
        %dma_wait3A_1077 = tpu.memref_slice %arg8[%run_scoped3A_620, %dma_wait3A_1075, %dma_wait3A_1076] : memref<8x64x64xf32, #tpu.memory_space<vmem>> -> memref<1x64x64xf32, #tpu.memory_space<vmem>>
        %dma_wait3A_1078 = tpu.memref_squeeze %dma_wait3A_1077 : memref<1x64x64xf32, #tpu.memory_space<vmem>> -> memref<64x64xf32, #tpu.memory_space<vmem>>
        tpu.wait_dma2 semaphore(%run_scoped3A_1054 : memref<!tpu.dma_semaphore, #tpu.memory_space<semaphore_mem>>) src(%dma_wait3A_1078 : memref<64x64xf32, #tpu.memory_space<vmem>>) dst(%dma_wait3A_1074 : memref<64x64xf32, #tpu.memory_space<hbm>>)
        tpu.yield
      }) : () -> ()
      %run_scoped3A_621 = arith.constant 1 : i32
      "tpu.region"() ({
        %run_scoped3A_1054 = tpu.sem_alloc : memref<!tpu.dma_semaphore, #tpu.memory_space<semaphore_mem>>
        %dma_start3A_1055 = arith.constant 0 : i32
        %dma_start3A_1056 = arith.constant 0 : i32
        %dma_start3A_1057 = tpu.memref_slice %arg9[%run_scoped3A_621, %dma_start3A_1055, %dma_start3A_1056] : memref<8x64x64xf32, #tpu.memory_space<vmem>> -> memref<1x64x64xf32, #tpu.memory_space<vmem>>
        %dma_start3A_1058 = tpu.memref_squeeze %dma_start3A_1057 : memref<1x64x64xf32, #tpu.memory_space<vmem>> -> memref<64x64xf32, #tpu.memory_space<vmem>>
        %dma_start3A_1059 = arith.constant 64 : i32
        %dma_start3A_1060 = tpu.memref_slice %arg5[%add3A_619, %dma_start3A_1059] : memref<163840x128xf32, #tpu.memory_space<hbm>> -> memref<64x64xf32, #tpu.memory_space<hbm>>
        %dma_start3A_1061 = arith.constant 64 : i32
        %dma_start3A_1062 = tpu.memref_slice %arg5[%add3A_619, %dma_start3A_1061] : memref<163840x128xf32, #tpu.memory_space<hbm>> -> memref<64x64xf32, #tpu.memory_space<hbm>>
        %dma_start3A_1063 = arith.constant 0 : i32
        %dma_start3A_1064 = arith.constant 0 : i32
        %dma_start3A_1065 = tpu.memref_slice %arg9[%run_scoped3A_621, %dma_start3A_1063, %dma_start3A_1064] : memref<8x64x64xf32, #tpu.memory_space<vmem>> -> memref<1x64x64xf32, #tpu.memory_space<vmem>>
        %dma_start3A_1066 = tpu.memref_squeeze %dma_start3A_1065 : memref<1x64x64xf32, #tpu.memory_space<vmem>> -> memref<64x64xf32, #tpu.memory_space<vmem>>
        tpu.enqueue_dma source(%dma_start3A_1066 : memref<64x64xf32, #tpu.memory_space<vmem>>) target(%dma_start3A_1062 : memref<64x64xf32, #tpu.memory_space<hbm>>) target_semaphore(%run_scoped3A_1054 : memref<!tpu.dma_semaphore, #tpu.memory_space<semaphore_mem>>)
        %dma_wait3A_1067 = arith.constant 0 : i32
        %dma_wait3A_1068 = arith.constant 0 : i32
        %dma_wait3A_1069 = tpu.memref_slice %arg9[%run_scoped3A_621, %dma_wait3A_1067, %dma_wait3A_1068] : memref<8x64x64xf32, #tpu.memory_space<vmem>> -> memref<1x64x64xf32, #tpu.memory_space<vmem>>
        %dma_wait3A_1070 = tpu.memref_squeeze %dma_wait3A_1069 : memref<1x64x64xf32, #tpu.memory_space<vmem>> -> memref<64x64xf32, #tpu.memory_space<vmem>>
        %dma_wait3A_1071 = arith.constant 64 : i32
        %dma_wait3A_1072 = tpu.memref_slice %arg5[%add3A_619, %dma_wait3A_1071] : memref<163840x128xf32, #tpu.memory_space<hbm>> -> memref<64x64xf32, #tpu.memory_space<hbm>>
        %dma_wait3A_1073 = arith.constant 64 : i32
        %dma_wait3A_1074 = tpu.memref_slice %arg5[%add3A_619, %dma_wait3A_1073] : memref<163840x128xf32, #tpu.memory_space<hbm>> -> memref<64x64xf32, #tpu.memory_space<hbm>>
        %dma_wait3A_1075 = arith.constant 0 : i32
        %dma_wait3A_1076 = arith.constant 0 : i32
        %dma_wait3A_1077 = tpu.memref_slice %arg9[%run_scoped3A_621, %dma_wait3A_1075, %dma_wait3A_1076] : memref<8x64x64xf32, #tpu.memory_space<vmem>> -> memref<1x64x64xf32, #tpu.memory_space<vmem>>
        %dma_wait3A_1078 = tpu.memref_squeeze %dma_wait3A_1077 : memref<1x64x64xf32, #tpu.memory_space<vmem>> -> memref<64x64xf32, #tpu.memory_space<vmem>>
        tpu.wait_dma2 semaphore(%run_scoped3A_1054 : memref<!tpu.dma_semaphore, #tpu.memory_space<semaphore_mem>>) src(%dma_wait3A_1078 : memref<64x64xf32, #tpu.memory_space<vmem>>) dst(%dma_wait3A_1074 : memref<64x64xf32, #tpu.memory_space<hbm>>)
        tpu.yield
      }) : () -> ()
      %add3A_622 = arith.constant 8 : i32
      %add3A_623 = arith.addi %add3A_588, %add3A_622 : i32
      %dma_start3A_624 = arith.constant 1 : i32
      %dma_start3A_625 = arith.constant 1 : i32
      %dma_start3A_626 = arith.constant 0 : i32
      %dma_start3A_627 = arith.constant 0 : i32
      %dma_start3A_628 = tpu.memref_slice %arg8[%dma_start3A_624, %dma_start3A_626, %dma_start3A_627] : memref<8x64x64xf32, #tpu.memory_space<vmem>> -> memref<1x64x64xf32, #tpu.memory_space<vmem>>
      %dma_start3A_629 = tpu.memref_squeeze %dma_start3A_628 : memref<1x64x64xf32, #tpu.memory_space<vmem>> -> memref<64x64xf32, #tpu.memory_space<vmem>>
      %dma_start3A_630 = arith.constant 0 : i32
      %dma_start3A_631 = tpu.memref_slice %arg6[%add3A_623, %dma_start3A_630] : memref<80x64xi32, #tpu.memory_space<vmem>> -> memref<1x64xi32, #tpu.memory_space<vmem>>
      %dma_start3A_632 = tpu.memref_squeeze %dma_start3A_631 : memref<1x64xi32, #tpu.memory_space<vmem>> -> memref<64xi32, #tpu.memory_space<vmem>>
      %dma_start3A_633 = arith.constant 0 : i32
      %dma_start3A_634 = arith.constant 0 : i32
      %dma_start3A_635 = tpu.memref_slice %arg2[%dma_start3A_633, %dma_start3A_634] : memref<1000000x64xf32, #tpu.memory_space<hbm>> -> memref<1000000x64xf32, #tpu.memory_space<hbm>>
      %dma_start3A_636 = tpu.memref_slice %arg10[%dma_start3A_625] : memref<8x!tpu.dma_semaphore, #tpu.memory_space<semaphore_mem>> -> memref<1x!tpu.dma_semaphore, #tpu.memory_space<semaphore_mem>>
      %dma_start3A_637 = tpu.memref_squeeze %dma_start3A_636 : memref<1x!tpu.dma_semaphore, #tpu.memory_space<semaphore_mem>> -> memref<!tpu.dma_semaphore, #tpu.memory_space<semaphore_mem>>
      tpu.enqueue_indirect_dma source(%dma_start3A_635 : memref<1000000x64xf32, #tpu.memory_space<hbm>>) target(%dma_start3A_629 : memref<64x64xf32, #tpu.memory_space<vmem>>) offsets(%dma_start3A_632 : memref<64xi32, #tpu.memory_space<vmem>>) semaphore(%dma_start3A_637 : memref<!tpu.dma_semaphore, #tpu.memory_space<semaphore_mem>>)
      %dma_start3A_638 = arith.constant 1 : i32
      %dma_start3A_639 = arith.constant 1 : i32
      %dma_start3A_640 = arith.constant 0 : i32
      %dma_start3A_641 = arith.constant 0 : i32
      %dma_start3A_642 = tpu.memref_slice %arg9[%dma_start3A_638, %dma_start3A_640, %dma_start3A_641] : memref<8x64x64xf32, #tpu.memory_space<vmem>> -> memref<1x64x64xf32, #tpu.memory_space<vmem>>
      %dma_start3A_643 = tpu.memref_squeeze %dma_start3A_642 : memref<1x64x64xf32, #tpu.memory_space<vmem>> -> memref<64x64xf32, #tpu.memory_space<vmem>>
      %dma_start3A_644 = arith.constant 0 : i32
      %dma_start3A_645 = tpu.memref_slice %arg7[%add3A_623, %dma_start3A_644] : memref<80x64xi32, #tpu.memory_space<vmem>> -> memref<1x64xi32, #tpu.memory_space<vmem>>
      %dma_start3A_646 = tpu.memref_squeeze %dma_start3A_645 : memref<1x64xi32, #tpu.memory_space<vmem>> -> memref<64xi32, #tpu.memory_space<vmem>>
      %dma_start3A_647 = arith.constant 0 : i32
      %dma_start3A_648 = arith.constant 0 : i32
      %dma_start3A_649 = tpu.memref_slice %arg2[%dma_start3A_647, %dma_start3A_648] : memref<1000000x64xf32, #tpu.memory_space<hbm>> -> memref<1000000x64xf32, #tpu.memory_space<hbm>>
      %dma_start3A_650 = tpu.memref_slice %arg10[%dma_start3A_639] : memref<8x!tpu.dma_semaphore, #tpu.memory_space<semaphore_mem>> -> memref<1x!tpu.dma_semaphore, #tpu.memory_space<semaphore_mem>>
      %dma_start3A_651 = tpu.memref_squeeze %dma_start3A_650 : memref<1x!tpu.dma_semaphore, #tpu.memory_space<semaphore_mem>> -> memref<!tpu.dma_semaphore, #tpu.memory_space<semaphore_mem>>
      tpu.enqueue_indirect_dma source(%dma_start3A_649 : memref<1000000x64xf32, #tpu.memory_space<hbm>>) target(%dma_start3A_643 : memref<64x64xf32, #tpu.memory_space<vmem>>) offsets(%dma_start3A_646 : memref<64xi32, #tpu.memory_space<vmem>>) semaphore(%dma_start3A_651 : memref<!tpu.dma_semaphore, #tpu.memory_space<semaphore_mem>>)
      %mul3A_652 = arith.constant 8 : i32
      %mul3A_653 = arith.muli %scan3A_517, %mul3A_652 : i32
      %add3A_654 = arith.constant 2 : i32
      %add3A_655 = arith.addi %mul3A_653, %add3A_654 : i32
      %dma_wait3A_656 = arith.constant 2 : i32
      %dma_wait3A_657 = arith.constant 2 : i32
      %dma_wait3A_658 = arith.constant 0 : i32
      %dma_wait3A_659 = arith.constant 0 : i32
      %dma_wait3A_660 = tpu.memref_slice %arg8[%dma_wait3A_656, %dma_wait3A_658, %dma_wait3A_659] : memref<8x64x64xf32, #tpu.memory_space<vmem>> -> memref<1x64x64xf32, #tpu.memory_space<vmem>>
      %dma_wait3A_661 = tpu.memref_squeeze %dma_wait3A_660 : memref<1x64x64xf32, #tpu.memory_space<vmem>> -> memref<64x64xf32, #tpu.memory_space<vmem>>
      %dma_wait3A_662 = arith.constant 0 : i32
      %dma_wait3A_663 = tpu.memref_slice %arg6[%add3A_655, %dma_wait3A_662] : memref<80x64xi32, #tpu.memory_space<vmem>> -> memref<1x64xi32, #tpu.memory_space<vmem>>
      %dma_wait3A_664 = tpu.memref_squeeze %dma_wait3A_663 : memref<1x64xi32, #tpu.memory_space<vmem>> -> memref<64xi32, #tpu.memory_space<vmem>>
      %dma_wait3A_665 = arith.constant 0 : i32
      %dma_wait3A_666 = arith.constant 0 : i32
      %dma_wait3A_667 = tpu.memref_slice %arg2[%dma_wait3A_665, %dma_wait3A_666] : memref<1000000x64xf32, #tpu.memory_space<hbm>> -> memref<1000000x64xf32, #tpu.memory_space<hbm>>
      %dma_wait3A_668 = tpu.memref_slice %arg10[%dma_wait3A_657] : memref<8x!tpu.dma_semaphore, #tpu.memory_space<semaphore_mem>> -> memref<1x!tpu.dma_semaphore, #tpu.memory_space<semaphore_mem>>
      %dma_wait3A_669 = tpu.memref_squeeze %dma_wait3A_668 : memref<1x!tpu.dma_semaphore, #tpu.memory_space<semaphore_mem>> -> memref<!tpu.dma_semaphore, #tpu.memory_space<semaphore_mem>>
      tpu.wait_indirect_dma semaphore(%dma_wait3A_669 : memref<!tpu.dma_semaphore, #tpu.memory_space<semaphore_mem>>) src(%dma_wait3A_667 : memref<1000000x64xf32, #tpu.memory_space<hbm>>) dst(%dma_wait3A_661 : memref<64x64xf32, #tpu.memory_space<vmem>>)
      %dma_wait3A_670 = arith.constant 2 : i32
      %dma_wait3A_671 = arith.constant 2 : i32
      %dma_wait3A_672 = arith.constant 0 : i32
      %dma_wait3A_673 = arith.constant 0 : i32
      %dma_wait3A_674 = tpu.memref_slice %arg9[%dma_wait3A_670, %dma_wait3A_672, %dma_wait3A_673] : memref<8x64x64xf32, #tpu.memory_space<vmem>> -> memref<1x64x64xf32, #tpu.memory_space<vmem>>
      %dma_wait3A_675 = tpu.memref_squeeze %dma_wait3A_674 : memref<1x64x64xf32, #tpu.memory_space<vmem>> -> memref<64x64xf32, #tpu.memory_space<vmem>>
      %dma_wait3A_676 = arith.constant 0 : i32
      %dma_wait3A_677 = tpu.memref_slice %arg7[%add3A_655, %dma_wait3A_676] : memref<80x64xi32, #tpu.memory_space<vmem>> -> memref<1x64xi32, #tpu.memory_space<vmem>>
      %dma_wait3A_678 = tpu.memref_squeeze %dma_wait3A_677 : memref<1x64xi32, #tpu.memory_space<vmem>> -> memref<64xi32, #tpu.memory_space<vmem>>
      %dma_wait3A_679 = arith.constant 0 : i32
      %dma_wait3A_680 = arith.constant 0 : i32
      %dma_wait3A_681 = tpu.memref_slice %arg2[%dma_wait3A_679, %dma_wait3A_680] : memref<1000000x64xf32, #tpu.memory_space<hbm>> -> memref<1000000x64xf32, #tpu.memory_space<hbm>>
      %dma_wait3A_682 = tpu.memref_slice %arg10[%dma_wait3A_671] : memref<8x!tpu.dma_semaphore, #tpu.memory_space<semaphore_mem>> -> memref<1x!tpu.dma_semaphore, #tpu.memory_space<semaphore_mem>>
      %dma_wait3A_683 = tpu.memref_squeeze %dma_wait3A_682 : memref<1x!tpu.dma_semaphore, #tpu.memory_space<semaphore_mem>> -> memref<!tpu.dma_semaphore, #tpu.memory_space<semaphore_mem>>
      tpu.wait_indirect_dma semaphore(%dma_wait3A_683 : memref<!tpu.dma_semaphore, #tpu.memory_space<semaphore_mem>>) src(%dma_wait3A_681 : memref<1000000x64xf32, #tpu.memory_space<hbm>>) dst(%dma_wait3A_675 : memref<64x64xf32, #tpu.memory_space<vmem>>)
      %mul3A_684 = arith.constant 64 : i32
      %mul3A_685 = arith.muli %add3A_655, %mul3A_684 : i32
      %add3A_686 = arith.addi %mul3A_2, %mul3A_685 : i32
      %run_scoped3A_687 = arith.constant 2 : i32
      "tpu.region"() ({
        %run_scoped3A_1054 = tpu.sem_alloc : memref<!tpu.dma_semaphore, #tpu.memory_space<semaphore_mem>>
        %dma_start3A_1055 = arith.constant 0 : i32
        %dma_start3A_1056 = arith.constant 0 : i32
        %dma_start3A_1057 = tpu.memref_slice %arg8[%run_scoped3A_687, %dma_start3A_1055, %dma_start3A_1056] : memref<8x64x64xf32, #tpu.memory_space<vmem>> -> memref<1x64x64xf32, #tpu.memory_space<vmem>>
        %dma_start3A_1058 = tpu.memref_squeeze %dma_start3A_1057 : memref<1x64x64xf32, #tpu.memory_space<vmem>> -> memref<64x64xf32, #tpu.memory_space<vmem>>
        %dma_start3A_1059 = arith.constant 0 : i32
        %dma_start3A_1060 = tpu.memref_slice %arg5[%add3A_686, %dma_start3A_1059] : memref<163840x128xf32, #tpu.memory_space<hbm>> -> memref<64x64xf32, #tpu.memory_space<hbm>>
        %dma_start3A_1061 = arith.constant 0 : i32
        %dma_start3A_1062 = tpu.memref_slice %arg5[%add3A_686, %dma_start3A_1061] : memref<163840x128xf32, #tpu.memory_space<hbm>> -> memref<64x64xf32, #tpu.memory_space<hbm>>
        %dma_start3A_1063 = arith.constant 0 : i32
        %dma_start3A_1064 = arith.constant 0 : i32
        %dma_start3A_1065 = tpu.memref_slice %arg8[%run_scoped3A_687, %dma_start3A_1063, %dma_start3A_1064] : memref<8x64x64xf32, #tpu.memory_space<vmem>> -> memref<1x64x64xf32, #tpu.memory_space<vmem>>
        %dma_start3A_1066 = tpu.memref_squeeze %dma_start3A_1065 : memref<1x64x64xf32, #tpu.memory_space<vmem>> -> memref<64x64xf32, #tpu.memory_space<vmem>>
        tpu.enqueue_dma source(%dma_start3A_1066 : memref<64x64xf32, #tpu.memory_space<vmem>>) target(%dma_start3A_1062 : memref<64x64xf32, #tpu.memory_space<hbm>>) target_semaphore(%run_scoped3A_1054 : memref<!tpu.dma_semaphore, #tpu.memory_space<semaphore_mem>>)
        %dma_wait3A_1067 = arith.constant 0 : i32
        %dma_wait3A_1068 = arith.constant 0 : i32
        %dma_wait3A_1069 = tpu.memref_slice %arg8[%run_scoped3A_687, %dma_wait3A_1067, %dma_wait3A_1068] : memref<8x64x64xf32, #tpu.memory_space<vmem>> -> memref<1x64x64xf32, #tpu.memory_space<vmem>>
        %dma_wait3A_1070 = tpu.memref_squeeze %dma_wait3A_1069 : memref<1x64x64xf32, #tpu.memory_space<vmem>> -> memref<64x64xf32, #tpu.memory_space<vmem>>
        %dma_wait3A_1071 = arith.constant 0 : i32
        %dma_wait3A_1072 = tpu.memref_slice %arg5[%add3A_686, %dma_wait3A_1071] : memref<163840x128xf32, #tpu.memory_space<hbm>> -> memref<64x64xf32, #tpu.memory_space<hbm>>
        %dma_wait3A_1073 = arith.constant 0 : i32
        %dma_wait3A_1074 = tpu.memref_slice %arg5[%add3A_686, %dma_wait3A_1073] : memref<163840x128xf32, #tpu.memory_space<hbm>> -> memref<64x64xf32, #tpu.memory_space<hbm>>
        %dma_wait3A_1075 = arith.constant 0 : i32
        %dma_wait3A_1076 = arith.constant 0 : i32
        %dma_wait3A_1077 = tpu.memref_slice %arg8[%run_scoped3A_687, %dma_wait3A_1075, %dma_wait3A_1076] : memref<8x64x64xf32, #tpu.memory_space<vmem>> -> memref<1x64x64xf32, #tpu.memory_space<vmem>>
        %dma_wait3A_1078 = tpu.memref_squeeze %dma_wait3A_1077 : memref<1x64x64xf32, #tpu.memory_space<vmem>> -> memref<64x64xf32, #tpu.memory_space<vmem>>
        tpu.wait_dma2 semaphore(%run_scoped3A_1054 : memref<!tpu.dma_semaphore, #tpu.memory_space<semaphore_mem>>) src(%dma_wait3A_1078 : memref<64x64xf32, #tpu.memory_space<vmem>>) dst(%dma_wait3A_1074 : memref<64x64xf32, #tpu.memory_space<hbm>>)
        tpu.yield
      }) : () -> ()
      %run_scoped3A_688 = arith.constant 2 : i32
      "tpu.region"() ({
        %run_scoped3A_1054 = tpu.sem_alloc : memref<!tpu.dma_semaphore, #tpu.memory_space<semaphore_mem>>
        %dma_start3A_1055 = arith.constant 0 : i32
        %dma_start3A_1056 = arith.constant 0 : i32
        %dma_start3A_1057 = tpu.memref_slice %arg9[%run_scoped3A_688, %dma_start3A_1055, %dma_start3A_1056] : memref<8x64x64xf32, #tpu.memory_space<vmem>> -> memref<1x64x64xf32, #tpu.memory_space<vmem>>
        %dma_start3A_1058 = tpu.memref_squeeze %dma_start3A_1057 : memref<1x64x64xf32, #tpu.memory_space<vmem>> -> memref<64x64xf32, #tpu.memory_space<vmem>>
        %dma_start3A_1059 = arith.constant 64 : i32
        %dma_start3A_1060 = tpu.memref_slice %arg5[%add3A_686, %dma_start3A_1059] : memref<163840x128xf32, #tpu.memory_space<hbm>> -> memref<64x64xf32, #tpu.memory_space<hbm>>
        %dma_start3A_1061 = arith.constant 64 : i32
        %dma_start3A_1062 = tpu.memref_slice %arg5[%add3A_686, %dma_start3A_1061] : memref<163840x128xf32, #tpu.memory_space<hbm>> -> memref<64x64xf32, #tpu.memory_space<hbm>>
        %dma_start3A_1063 = arith.constant 0 : i32
        %dma_start3A_1064 = arith.constant 0 : i32
        %dma_start3A_1065 = tpu.memref_slice %arg9[%run_scoped3A_688, %dma_start3A_1063, %dma_start3A_1064] : memref<8x64x64xf32, #tpu.memory_space<vmem>> -> memref<1x64x64xf32, #tpu.memory_space<vmem>>
        %dma_start3A_1066 = tpu.memref_squeeze %dma_start3A_1065 : memref<1x64x64xf32, #tpu.memory_space<vmem>> -> memref<64x64xf32, #tpu.memory_space<vmem>>
        tpu.enqueue_dma source(%dma_start3A_1066 : memref<64x64xf32, #tpu.memory_space<vmem>>) target(%dma_start3A_1062 : memref<64x64xf32, #tpu.memory_space<hbm>>) target_semaphore(%run_scoped3A_1054 : memref<!tpu.dma_semaphore, #tpu.memory_space<semaphore_mem>>)
        %dma_wait3A_1067 = arith.constant 0 : i32
        %dma_wait3A_1068 = arith.constant 0 : i32
        %dma_wait3A_1069 = tpu.memref_slice %arg9[%run_scoped3A_688, %dma_wait3A_1067, %dma_wait3A_1068] : memref<8x64x64xf32, #tpu.memory_space<vmem>> -> memref<1x64x64xf32, #tpu.memory_space<vmem>>
        %dma_wait3A_1070 = tpu.memref_squeeze %dma_wait3A_1069 : memref<1x64x64xf32, #tpu.memory_space<vmem>> -> memref<64x64xf32, #tpu.memory_space<vmem>>
        %dma_wait3A_1071 = arith.constant 64 : i32
        %dma_wait3A_1072 = tpu.memref_slice %arg5[%add3A_686, %dma_wait3A_1071] : memref<163840x128xf32, #tpu.memory_space<hbm>> -> memref<64x64xf32, #tpu.memory_space<hbm>>
        %dma_wait3A_1073 = arith.constant 64 : i32
        %dma_wait3A_1074 = tpu.memref_slice %arg5[%add3A_686, %dma_wait3A_1073] : memref<163840x128xf32, #tpu.memory_space<hbm>> -> memref<64x64xf32, #tpu.memory_space<hbm>>
        %dma_wait3A_1075 = arith.constant 0 : i32
        %dma_wait3A_1076 = arith.constant 0 : i32
        %dma_wait3A_1077 = tpu.memref_slice %arg9[%run_scoped3A_688, %dma_wait3A_1075, %dma_wait3A_1076] : memref<8x64x64xf32, #tpu.memory_space<vmem>> -> memref<1x64x64xf32, #tpu.memory_space<vmem>>
        %dma_wait3A_1078 = tpu.memref_squeeze %dma_wait3A_1077 : memref<1x64x64xf32, #tpu.memory_space<vmem>> -> memref<64x64xf32, #tpu.memory_space<vmem>>
        tpu.wait_dma2 semaphore(%run_scoped3A_1054 : memref<!tpu.dma_semaphore, #tpu.memory_space<semaphore_mem>>) src(%dma_wait3A_1078 : memref<64x64xf32, #tpu.memory_space<vmem>>) dst(%dma_wait3A_1074 : memref<64x64xf32, #tpu.memory_space<hbm>>)
        tpu.yield
      }) : () -> ()
      %add3A_689 = arith.constant 8 : i32
      %add3A_690 = arith.addi %add3A_655, %add3A_689 : i32
      %dma_start3A_691 = arith.constant 2 : i32
      %dma_start3A_692 = arith.constant 2 : i32
      %dma_start3A_693 = arith.constant 0 : i32
      %dma_start3A_694 = arith.constant 0 : i32
      %dma_start3A_695 = tpu.memref_slice %arg8[%dma_start3A_691, %dma_start3A_693, %dma_start3A_694] : memref<8x64x64xf32, #tpu.memory_space<vmem>> -> memref<1x64x64xf32, #tpu.memory_space<vmem>>
      %dma_start3A_696 = tpu.memref_squeeze %dma_start3A_695 : memref<1x64x64xf32, #tpu.memory_space<vmem>> -> memref<64x64xf32, #tpu.memory_space<vmem>>
      %dma_start3A_697 = arith.constant 0 : i32
      %dma_start3A_698 = tpu.memref_slice %arg6[%add3A_690, %dma_start3A_697] : memref<80x64xi32, #tpu.memory_space<vmem>> -> memref<1x64xi32, #tpu.memory_space<vmem>>
      %dma_start3A_699 = tpu.memref_squeeze %dma_start3A_698 : memref<1x64xi32, #tpu.memory_space<vmem>> -> memref<64xi32, #tpu.memory_space<vmem>>
      %dma_start3A_700 = arith.constant 0 : i32
      %dma_start3A_701 = arith.constant 0 : i32
      %dma_start3A_702 = tpu.memref_slice %arg2[%dma_start3A_700, %dma_start3A_701] : memref<1000000x64xf32, #tpu.memory_space<hbm>> -> memref<1000000x64xf32, #tpu.memory_space<hbm>>
      %dma_start3A_703 = tpu.memref_slice %arg10[%dma_start3A_692] : memref<8x!tpu.dma_semaphore, #tpu.memory_space<semaphore_mem>> -> memref<1x!tpu.dma_semaphore, #tpu.memory_space<semaphore_mem>>
      %dma_start3A_704 = tpu.memref_squeeze %dma_start3A_703 : memref<1x!tpu.dma_semaphore, #tpu.memory_space<semaphore_mem>> -> memref<!tpu.dma_semaphore, #tpu.memory_space<semaphore_mem>>
      tpu.enqueue_indirect_dma source(%dma_start3A_702 : memref<1000000x64xf32, #tpu.memory_space<hbm>>) target(%dma_start3A_696 : memref<64x64xf32, #tpu.memory_space<vmem>>) offsets(%dma_start3A_699 : memref<64xi32, #tpu.memory_space<vmem>>) semaphore(%dma_start3A_704 : memref<!tpu.dma_semaphore, #tpu.memory_space<semaphore_mem>>)
      %dma_start3A_705 = arith.constant 2 : i32
      %dma_start3A_706 = arith.constant 2 : i32
      %dma_start3A_707 = arith.constant 0 : i32
      %dma_start3A_708 = arith.constant 0 : i32
      %dma_start3A_709 = tpu.memref_slice %arg9[%dma_start3A_705, %dma_start3A_707, %dma_start3A_708] : memref<8x64x64xf32, #tpu.memory_space<vmem>> -> memref<1x64x64xf32, #tpu.memory_space<vmem>>
      %dma_start3A_710 = tpu.memref_squeeze %dma_start3A_709 : memref<1x64x64xf32, #tpu.memory_space<vmem>> -> memref<64x64xf32, #tpu.memory_space<vmem>>
      %dma_start3A_711 = arith.constant 0 : i32
      %dma_start3A_712 = tpu.memref_slice %arg7[%add3A_690, %dma_start3A_711] : memref<80x64xi32, #tpu.memory_space<vmem>> -> memref<1x64xi32, #tpu.memory_space<vmem>>
      %dma_start3A_713 = tpu.memref_squeeze %dma_start3A_712 : memref<1x64xi32, #tpu.memory_space<vmem>> -> memref<64xi32, #tpu.memory_space<vmem>>
      %dma_start3A_714 = arith.constant 0 : i32
      %dma_start3A_715 = arith.constant 0 : i32
      %dma_start3A_716 = tpu.memref_slice %arg2[%dma_start3A_714, %dma_start3A_715] : memref<1000000x64xf32, #tpu.memory_space<hbm>> -> memref<1000000x64xf32, #tpu.memory_space<hbm>>
      %dma_start3A_717 = tpu.memref_slice %arg10[%dma_start3A_706] : memref<8x!tpu.dma_semaphore, #tpu.memory_space<semaphore_mem>> -> memref<1x!tpu.dma_semaphore, #tpu.memory_space<semaphore_mem>>
      %dma_start3A_718 = tpu.memref_squeeze %dma_start3A_717 : memref<1x!tpu.dma_semaphore, #tpu.memory_space<semaphore_mem>> -> memref<!tpu.dma_semaphore, #tpu.memory_space<semaphore_mem>>
      tpu.enqueue_indirect_dma source(%dma_start3A_716 : memref<1000000x64xf32, #tpu.memory_space<hbm>>) target(%dma_start3A_710 : memref<64x64xf32, #tpu.memory_space<vmem>>) offsets(%dma_start3A_713 : memref<64xi32, #tpu.memory_space<vmem>>) semaphore(%dma_start3A_718 : memref<!tpu.dma_semaphore, #tpu.memory_space<semaphore_mem>>)
      %mul3A_719 = arith.constant 8 : i32
      %mul3A_720 = arith.muli %scan3A_517, %mul3A_719 : i32
      %add3A_721 = arith.constant 3 : i32
      %add3A_722 = arith.addi %mul3A_720, %add3A_721 : i32
      %dma_wait3A_723 = arith.constant 3 : i32
      %dma_wait3A_724 = arith.constant 3 : i32
      %dma_wait3A_725 = arith.constant 0 : i32
      %dma_wait3A_726 = arith.constant 0 : i32
      %dma_wait3A_727 = tpu.memref_slice %arg8[%dma_wait3A_723, %dma_wait3A_725, %dma_wait3A_726] : memref<8x64x64xf32, #tpu.memory_space<vmem>> -> memref<1x64x64xf32, #tpu.memory_space<vmem>>
      %dma_wait3A_728 = tpu.memref_squeeze %dma_wait3A_727 : memref<1x64x64xf32, #tpu.memory_space<vmem>> -> memref<64x64xf32, #tpu.memory_space<vmem>>
      %dma_wait3A_729 = arith.constant 0 : i32
      %dma_wait3A_730 = tpu.memref_slice %arg6[%add3A_722, %dma_wait3A_729] : memref<80x64xi32, #tpu.memory_space<vmem>> -> memref<1x64xi32, #tpu.memory_space<vmem>>
      %dma_wait3A_731 = tpu.memref_squeeze %dma_wait3A_730 : memref<1x64xi32, #tpu.memory_space<vmem>> -> memref<64xi32, #tpu.memory_space<vmem>>
      %dma_wait3A_732 = arith.constant 0 : i32
      %dma_wait3A_733 = arith.constant 0 : i32
      %dma_wait3A_734 = tpu.memref_slice %arg2[%dma_wait3A_732, %dma_wait3A_733] : memref<1000000x64xf32, #tpu.memory_space<hbm>> -> memref<1000000x64xf32, #tpu.memory_space<hbm>>
      %dma_wait3A_735 = tpu.memref_slice %arg10[%dma_wait3A_724] : memref<8x!tpu.dma_semaphore, #tpu.memory_space<semaphore_mem>> -> memref<1x!tpu.dma_semaphore, #tpu.memory_space<semaphore_mem>>
      %dma_wait3A_736 = tpu.memref_squeeze %dma_wait3A_735 : memref<1x!tpu.dma_semaphore, #tpu.memory_space<semaphore_mem>> -> memref<!tpu.dma_semaphore, #tpu.memory_space<semaphore_mem>>
      tpu.wait_indirect_dma semaphore(%dma_wait3A_736 : memref<!tpu.dma_semaphore, #tpu.memory_space<semaphore_mem>>) src(%dma_wait3A_734 : memref<1000000x64xf32, #tpu.memory_space<hbm>>) dst(%dma_wait3A_728 : memref<64x64xf32, #tpu.memory_space<vmem>>)
      %dma_wait3A_737 = arith.constant 3 : i32
      %dma_wait3A_738 = arith.constant 3 : i32
      %dma_wait3A_739 = arith.constant 0 : i32
      %dma_wait3A_740 = arith.constant 0 : i32
      %dma_wait3A_741 = tpu.memref_slice %arg9[%dma_wait3A_737, %dma_wait3A_739, %dma_wait3A_740] : memref<8x64x64xf32, #tpu.memory_space<vmem>> -> memref<1x64x64xf32, #tpu.memory_space<vmem>>
      %dma_wait3A_742 = tpu.memref_squeeze %dma_wait3A_741 : memref<1x64x64xf32, #tpu.memory_space<vmem>> -> memref<64x64xf32, #tpu.memory_space<vmem>>
      %dma_wait3A_743 = arith.constant 0 : i32
      %dma_wait3A_744 = tpu.memref_slice %arg7[%add3A_722, %dma_wait3A_743] : memref<80x64xi32, #tpu.memory_space<vmem>> -> memref<1x64xi32, #tpu.memory_space<vmem>>
      %dma_wait3A_745 = tpu.memref_squeeze %dma_wait3A_744 : memref<1x64xi32, #tpu.memory_space<vmem>> -> memref<64xi32, #tpu.memory_space<vmem>>
      %dma_wait3A_746 = arith.constant 0 : i32
      %dma_wait3A_747 = arith.constant 0 : i32
      %dma_wait3A_748 = tpu.memref_slice %arg2[%dma_wait3A_746, %dma_wait3A_747] : memref<1000000x64xf32, #tpu.memory_space<hbm>> -> memref<1000000x64xf32, #tpu.memory_space<hbm>>
      %dma_wait3A_749 = tpu.memref_slice %arg10[%dma_wait3A_738] : memref<8x!tpu.dma_semaphore, #tpu.memory_space<semaphore_mem>> -> memref<1x!tpu.dma_semaphore, #tpu.memory_space<semaphore_mem>>
      %dma_wait3A_750 = tpu.memref_squeeze %dma_wait3A_749 : memref<1x!tpu.dma_semaphore, #tpu.memory_space<semaphore_mem>> -> memref<!tpu.dma_semaphore, #tpu.memory_space<semaphore_mem>>
      tpu.wait_indirect_dma semaphore(%dma_wait3A_750 : memref<!tpu.dma_semaphore, #tpu.memory_space<semaphore_mem>>) src(%dma_wait3A_748 : memref<1000000x64xf32, #tpu.memory_space<hbm>>) dst(%dma_wait3A_742 : memref<64x64xf32, #tpu.memory_space<vmem>>)
      %mul3A_751 = arith.constant 64 : i32
      %mul3A_752 = arith.muli %add3A_722, %mul3A_751 : i32
      %add3A_753 = arith.addi %mul3A_2, %mul3A_752 : i32
      %run_scoped3A_754 = arith.constant 3 : i32
      "tpu.region"() ({
        %run_scoped3A_1054 = tpu.sem_alloc : memref<!tpu.dma_semaphore, #tpu.memory_space<semaphore_mem>>
        %dma_start3A_1055 = arith.constant 0 : i32
        %dma_start3A_1056 = arith.constant 0 : i32
        %dma_start3A_1057 = tpu.memref_slice %arg8[%run_scoped3A_754, %dma_start3A_1055, %dma_start3A_1056] : memref<8x64x64xf32, #tpu.memory_space<vmem>> -> memref<1x64x64xf32, #tpu.memory_space<vmem>>
        %dma_start3A_1058 = tpu.memref_squeeze %dma_start3A_1057 : memref<1x64x64xf32, #tpu.memory_space<vmem>> -> memref<64x64xf32, #tpu.memory_space<vmem>>
        %dma_start3A_1059 = arith.constant 0 : i32
        %dma_start3A_1060 = tpu.memref_slice %arg5[%add3A_753, %dma_start3A_1059] : memref<163840x128xf32, #tpu.memory_space<hbm>> -> memref<64x64xf32, #tpu.memory_space<hbm>>
        %dma_start3A_1061 = arith.constant 0 : i32
        %dma_start3A_1062 = tpu.memref_slice %arg5[%add3A_753, %dma_start3A_1061] : memref<163840x128xf32, #tpu.memory_space<hbm>> -> memref<64x64xf32, #tpu.memory_space<hbm>>
        %dma_start3A_1063 = arith.constant 0 : i32
        %dma_start3A_1064 = arith.constant 0 : i32
        %dma_start3A_1065 = tpu.memref_slice %arg8[%run_scoped3A_754, %dma_start3A_1063, %dma_start3A_1064] : memref<8x64x64xf32, #tpu.memory_space<vmem>> -> memref<1x64x64xf32, #tpu.memory_space<vmem>>
        %dma_start3A_1066 = tpu.memref_squeeze %dma_start3A_1065 : memref<1x64x64xf32, #tpu.memory_space<vmem>> -> memref<64x64xf32, #tpu.memory_space<vmem>>
        tpu.enqueue_dma source(%dma_start3A_1066 : memref<64x64xf32, #tpu.memory_space<vmem>>) target(%dma_start3A_1062 : memref<64x64xf32, #tpu.memory_space<hbm>>) target_semaphore(%run_scoped3A_1054 : memref<!tpu.dma_semaphore, #tpu.memory_space<semaphore_mem>>)
        %dma_wait3A_1067 = arith.constant 0 : i32
        %dma_wait3A_1068 = arith.constant 0 : i32
        %dma_wait3A_1069 = tpu.memref_slice %arg8[%run_scoped3A_754, %dma_wait3A_1067, %dma_wait3A_1068] : memref<8x64x64xf32, #tpu.memory_space<vmem>> -> memref<1x64x64xf32, #tpu.memory_space<vmem>>
        %dma_wait3A_1070 = tpu.memref_squeeze %dma_wait3A_1069 : memref<1x64x64xf32, #tpu.memory_space<vmem>> -> memref<64x64xf32, #tpu.memory_space<vmem>>
        %dma_wait3A_1071 = arith.constant 0 : i32
        %dma_wait3A_1072 = tpu.memref_slice %arg5[%add3A_753, %dma_wait3A_1071] : memref<163840x128xf32, #tpu.memory_space<hbm>> -> memref<64x64xf32, #tpu.memory_space<hbm>>
        %dma_wait3A_1073 = arith.constant 0 : i32
        %dma_wait3A_1074 = tpu.memref_slice %arg5[%add3A_753, %dma_wait3A_1073] : memref<163840x128xf32, #tpu.memory_space<hbm>> -> memref<64x64xf32, #tpu.memory_space<hbm>>
        %dma_wait3A_1075 = arith.constant 0 : i32
        %dma_wait3A_1076 = arith.constant 0 : i32
        %dma_wait3A_1077 = tpu.memref_slice %arg8[%run_scoped3A_754, %dma_wait3A_1075, %dma_wait3A_1076] : memref<8x64x64xf32, #tpu.memory_space<vmem>> -> memref<1x64x64xf32, #tpu.memory_space<vmem>>
        %dma_wait3A_1078 = tpu.memref_squeeze %dma_wait3A_1077 : memref<1x64x64xf32, #tpu.memory_space<vmem>> -> memref<64x64xf32, #tpu.memory_space<vmem>>
        tpu.wait_dma2 semaphore(%run_scoped3A_1054 : memref<!tpu.dma_semaphore, #tpu.memory_space<semaphore_mem>>) src(%dma_wait3A_1078 : memref<64x64xf32, #tpu.memory_space<vmem>>) dst(%dma_wait3A_1074 : memref<64x64xf32, #tpu.memory_space<hbm>>)
        tpu.yield
      }) : () -> ()
      %run_scoped3A_755 = arith.constant 3 : i32
      "tpu.region"() ({
        %run_scoped3A_1054 = tpu.sem_alloc : memref<!tpu.dma_semaphore, #tpu.memory_space<semaphore_mem>>
        %dma_start3A_1055 = arith.constant 0 : i32
        %dma_start3A_1056 = arith.constant 0 : i32
        %dma_start3A_1057 = tpu.memref_slice %arg9[%run_scoped3A_755, %dma_start3A_1055, %dma_start3A_1056] : memref<8x64x64xf32, #tpu.memory_space<vmem>> -> memref<1x64x64xf32, #tpu.memory_space<vmem>>
        %dma_start3A_1058 = tpu.memref_squeeze %dma_start3A_1057 : memref<1x64x64xf32, #tpu.memory_space<vmem>> -> memref<64x64xf32, #tpu.memory_space<vmem>>
        %dma_start3A_1059 = arith.constant 64 : i32
        %dma_start3A_1060 = tpu.memref_slice %arg5[%add3A_753, %dma_start3A_1059] : memref<163840x128xf32, #tpu.memory_space<hbm>> -> memref<64x64xf32, #tpu.memory_space<hbm>>
        %dma_start3A_1061 = arith.constant 64 : i32
        %dma_start3A_1062 = tpu.memref_slice %arg5[%add3A_753, %dma_start3A_1061] : memref<163840x128xf32, #tpu.memory_space<hbm>> -> memref<64x64xf32, #tpu.memory_space<hbm>>
        %dma_start3A_1063 = arith.constant 0 : i32
        %dma_start3A_1064 = arith.constant 0 : i32
        %dma_start3A_1065 = tpu.memref_slice %arg9[%run_scoped3A_755, %dma_start3A_1063, %dma_start3A_1064] : memref<8x64x64xf32, #tpu.memory_space<vmem>> -> memref<1x64x64xf32, #tpu.memory_space<vmem>>
        %dma_start3A_1066 = tpu.memref_squeeze %dma_start3A_1065 : memref<1x64x64xf32, #tpu.memory_space<vmem>> -> memref<64x64xf32, #tpu.memory_space<vmem>>
        tpu.enqueue_dma source(%dma_start3A_1066 : memref<64x64xf32, #tpu.memory_space<vmem>>) target(%dma_start3A_1062 : memref<64x64xf32, #tpu.memory_space<hbm>>) target_semaphore(%run_scoped3A_1054 : memref<!tpu.dma_semaphore, #tpu.memory_space<semaphore_mem>>)
        %dma_wait3A_1067 = arith.constant 0 : i32
        %dma_wait3A_1068 = arith.constant 0 : i32
        %dma_wait3A_1069 = tpu.memref_slice %arg9[%run_scoped3A_755, %dma_wait3A_1067, %dma_wait3A_1068] : memref<8x64x64xf32, #tpu.memory_space<vmem>> -> memref<1x64x64xf32, #tpu.memory_space<vmem>>
        %dma_wait3A_1070 = tpu.memref_squeeze %dma_wait3A_1069 : memref<1x64x64xf32, #tpu.memory_space<vmem>> -> memref<64x64xf32, #tpu.memory_space<vmem>>
        %dma_wait3A_1071 = arith.constant 64 : i32
        %dma_wait3A_1072 = tpu.memref_slice %arg5[%add3A_753, %dma_wait3A_1071] : memref<163840x128xf32, #tpu.memory_space<hbm>> -> memref<64x64xf32, #tpu.memory_space<hbm>>
        %dma_wait3A_1073 = arith.constant 64 : i32
        %dma_wait3A_1074 = tpu.memref_slice %arg5[%add3A_753, %dma_wait3A_1073] : memref<163840x128xf32, #tpu.memory_space<hbm>> -> memref<64x64xf32, #tpu.memory_space<hbm>>
        %dma_wait3A_1075 = arith.constant 0 : i32
        %dma_wait3A_1076 = arith.constant 0 : i32
        %dma_wait3A_1077 = tpu.memref_slice %arg9[%run_scoped3A_755, %dma_wait3A_1075, %dma_wait3A_1076] : memref<8x64x64xf32, #tpu.memory_space<vmem>> -> memref<1x64x64xf32, #tpu.memory_space<vmem>>
        %dma_wait3A_1078 = tpu.memref_squeeze %dma_wait3A_1077 : memref<1x64x64xf32, #tpu.memory_space<vmem>> -> memref<64x64xf32, #tpu.memory_space<vmem>>
        tpu.wait_dma2 semaphore(%run_scoped3A_1054 : memref<!tpu.dma_semaphore, #tpu.memory_space<semaphore_mem>>) src(%dma_wait3A_1078 : memref<64x64xf32, #tpu.memory_space<vmem>>) dst(%dma_wait3A_1074 : memref<64x64xf32, #tpu.memory_space<hbm>>)
        tpu.yield
      }) : () -> ()
      %add3A_756 = arith.constant 8 : i32
      %add3A_757 = arith.addi %add3A_722, %add3A_756 : i32
      %dma_start3A_758 = arith.constant 3 : i32
      %dma_start3A_759 = arith.constant 3 : i32
      %dma_start3A_760 = arith.constant 0 : i32
      %dma_start3A_761 = arith.constant 0 : i32
      %dma_start3A_762 = tpu.memref_slice %arg8[%dma_start3A_758, %dma_start3A_760, %dma_start3A_761] : memref<8x64x64xf32, #tpu.memory_space<vmem>> -> memref<1x64x64xf32, #tpu.memory_space<vmem>>
      %dma_start3A_763 = tpu.memref_squeeze %dma_start3A_762 : memref<1x64x64xf32, #tpu.memory_space<vmem>> -> memref<64x64xf32, #tpu.memory_space<vmem>>
      %dma_start3A_764 = arith.constant 0 : i32
      %dma_start3A_765 = tpu.memref_slice %arg6[%add3A_757, %dma_start3A_764] : memref<80x64xi32, #tpu.memory_space<vmem>> -> memref<1x64xi32, #tpu.memory_space<vmem>>
      %dma_start3A_766 = tpu.memref_squeeze %dma_start3A_765 : memref<1x64xi32, #tpu.memory_space<vmem>> -> memref<64xi32, #tpu.memory_space<vmem>>
      %dma_start3A_767 = arith.constant 0 : i32
      %dma_start3A_768 = arith.constant 0 : i32
      %dma_start3A_769 = tpu.memref_slice %arg2[%dma_start3A_767, %dma_start3A_768] : memref<1000000x64xf32, #tpu.memory_space<hbm>> -> memref<1000000x64xf32, #tpu.memory_space<hbm>>
      %dma_start3A_770 = tpu.memref_slice %arg10[%dma_start3A_759] : memref<8x!tpu.dma_semaphore, #tpu.memory_space<semaphore_mem>> -> memref<1x!tpu.dma_semaphore, #tpu.memory_space<semaphore_mem>>
      %dma_start3A_771 = tpu.memref_squeeze %dma_start3A_770 : memref<1x!tpu.dma_semaphore, #tpu.memory_space<semaphore_mem>> -> memref<!tpu.dma_semaphore, #tpu.memory_space<semaphore_mem>>
      tpu.enqueue_indirect_dma source(%dma_start3A_769 : memref<1000000x64xf32, #tpu.memory_space<hbm>>) target(%dma_start3A_763 : memref<64x64xf32, #tpu.memory_space<vmem>>) offsets(%dma_start3A_766 : memref<64xi32, #tpu.memory_space<vmem>>) semaphore(%dma_start3A_771 : memref<!tpu.dma_semaphore, #tpu.memory_space<semaphore_mem>>)
      %dma_start3A_772 = arith.constant 3 : i32
      %dma_start3A_773 = arith.constant 3 : i32
      %dma_start3A_774 = arith.constant 0 : i32
      %dma_start3A_775 = arith.constant 0 : i32
      %dma_start3A_776 = tpu.memref_slice %arg9[%dma_start3A_772, %dma_start3A_774, %dma_start3A_775] : memref<8x64x64xf32, #tpu.memory_space<vmem>> -> memref<1x64x64xf32, #tpu.memory_space<vmem>>
      %dma_start3A_777 = tpu.memref_squeeze %dma_start3A_776 : memref<1x64x64xf32, #tpu.memory_space<vmem>> -> memref<64x64xf32, #tpu.memory_space<vmem>>
      %dma_start3A_778 = arith.constant 0 : i32
      %dma_start3A_779 = tpu.memref_slice %arg7[%add3A_757, %dma_start3A_778] : memref<80x64xi32, #tpu.memory_space<vmem>> -> memref<1x64xi32, #tpu.memory_space<vmem>>
      %dma_start3A_780 = tpu.memref_squeeze %dma_start3A_779 : memref<1x64xi32, #tpu.memory_space<vmem>> -> memref<64xi32, #tpu.memory_space<vmem>>
      %dma_start3A_781 = arith.constant 0 : i32
      %dma_start3A_782 = arith.constant 0 : i32
      %dma_start3A_783 = tpu.memref_slice %arg2[%dma_start3A_781, %dma_start3A_782] : memref<1000000x64xf32, #tpu.memory_space<hbm>> -> memref<1000000x64xf32, #tpu.memory_space<hbm>>
      %dma_start3A_784 = tpu.memref_slice %arg10[%dma_start3A_773] : memref<8x!tpu.dma_semaphore, #tpu.memory_space<semaphore_mem>> -> memref<1x!tpu.dma_semaphore, #tpu.memory_space<semaphore_mem>>
      %dma_start3A_785 = tpu.memref_squeeze %dma_start3A_784 : memref<1x!tpu.dma_semaphore, #tpu.memory_space<semaphore_mem>> -> memref<!tpu.dma_semaphore, #tpu.memory_space<semaphore_mem>>
      tpu.enqueue_indirect_dma source(%dma_start3A_783 : memref<1000000x64xf32, #tpu.memory_space<hbm>>) target(%dma_start3A_777 : memref<64x64xf32, #tpu.memory_space<vmem>>) offsets(%dma_start3A_780 : memref<64xi32, #tpu.memory_space<vmem>>) semaphore(%dma_start3A_785 : memref<!tpu.dma_semaphore, #tpu.memory_space<semaphore_mem>>)
      %mul3A_786 = arith.constant 8 : i32
      %mul3A_787 = arith.muli %scan3A_517, %mul3A_786 : i32
      %add3A_788 = arith.constant 4 : i32
      %add3A_789 = arith.addi %mul3A_787, %add3A_788 : i32
      %dma_wait3A_790 = arith.constant 4 : i32
      %dma_wait3A_791 = arith.constant 4 : i32
      %dma_wait3A_792 = arith.constant 0 : i32
      %dma_wait3A_793 = arith.constant 0 : i32
      %dma_wait3A_794 = tpu.memref_slice %arg8[%dma_wait3A_790, %dma_wait3A_792, %dma_wait3A_793] : memref<8x64x64xf32, #tpu.memory_space<vmem>> -> memref<1x64x64xf32, #tpu.memory_space<vmem>>
      %dma_wait3A_795 = tpu.memref_squeeze %dma_wait3A_794 : memref<1x64x64xf32, #tpu.memory_space<vmem>> -> memref<64x64xf32, #tpu.memory_space<vmem>>
      %dma_wait3A_796 = arith.constant 0 : i32
      %dma_wait3A_797 = tpu.memref_slice %arg6[%add3A_789, %dma_wait3A_796] : memref<80x64xi32, #tpu.memory_space<vmem>> -> memref<1x64xi32, #tpu.memory_space<vmem>>
      %dma_wait3A_798 = tpu.memref_squeeze %dma_wait3A_797 : memref<1x64xi32, #tpu.memory_space<vmem>> -> memref<64xi32, #tpu.memory_space<vmem>>
      %dma_wait3A_799 = arith.constant 0 : i32
      %dma_wait3A_800 = arith.constant 0 : i32
      %dma_wait3A_801 = tpu.memref_slice %arg2[%dma_wait3A_799, %dma_wait3A_800] : memref<1000000x64xf32, #tpu.memory_space<hbm>> -> memref<1000000x64xf32, #tpu.memory_space<hbm>>
      %dma_wait3A_802 = tpu.memref_slice %arg10[%dma_wait3A_791] : memref<8x!tpu.dma_semaphore, #tpu.memory_space<semaphore_mem>> -> memref<1x!tpu.dma_semaphore, #tpu.memory_space<semaphore_mem>>
      %dma_wait3A_803 = tpu.memref_squeeze %dma_wait3A_802 : memref<1x!tpu.dma_semaphore, #tpu.memory_space<semaphore_mem>> -> memref<!tpu.dma_semaphore, #tpu.memory_space<semaphore_mem>>
      tpu.wait_indirect_dma semaphore(%dma_wait3A_803 : memref<!tpu.dma_semaphore, #tpu.memory_space<semaphore_mem>>) src(%dma_wait3A_801 : memref<1000000x64xf32, #tpu.memory_space<hbm>>) dst(%dma_wait3A_795 : memref<64x64xf32, #tpu.memory_space<vmem>>)
      %dma_wait3A_804 = arith.constant 4 : i32
      %dma_wait3A_805 = arith.constant 4 : i32
      %dma_wait3A_806 = arith.constant 0 : i32
      %dma_wait3A_807 = arith.constant 0 : i32
      %dma_wait3A_808 = tpu.memref_slice %arg9[%dma_wait3A_804, %dma_wait3A_806, %dma_wait3A_807] : memref<8x64x64xf32, #tpu.memory_space<vmem>> -> memref<1x64x64xf32, #tpu.memory_space<vmem>>
      %dma_wait3A_809 = tpu.memref_squeeze %dma_wait3A_808 : memref<1x64x64xf32, #tpu.memory_space<vmem>> -> memref<64x64xf32, #tpu.memory_space<vmem>>
      %dma_wait3A_810 = arith.constant 0 : i32
      %dma_wait3A_811 = tpu.memref_slice %arg7[%add3A_789, %dma_wait3A_810] : memref<80x64xi32, #tpu.memory_space<vmem>> -> memref<1x64xi32, #tpu.memory_space<vmem>>
      %dma_wait3A_812 = tpu.memref_squeeze %dma_wait3A_811 : memref<1x64xi32, #tpu.memory_space<vmem>> -> memref<64xi32, #tpu.memory_space<vmem>>
      %dma_wait3A_813 = arith.constant 0 : i32
      %dma_wait3A_814 = arith.constant 0 : i32
      %dma_wait3A_815 = tpu.memref_slice %arg2[%dma_wait3A_813, %dma_wait3A_814] : memref<1000000x64xf32, #tpu.memory_space<hbm>> -> memref<1000000x64xf32, #tpu.memory_space<hbm>>
      %dma_wait3A_816 = tpu.memref_slice %arg10[%dma_wait3A_805] : memref<8x!tpu.dma_semaphore, #tpu.memory_space<semaphore_mem>> -> memref<1x!tpu.dma_semaphore, #tpu.memory_space<semaphore_mem>>
      %dma_wait3A_817 = tpu.memref_squeeze %dma_wait3A_816 : memref<1x!tpu.dma_semaphore, #tpu.memory_space<semaphore_mem>> -> memref<!tpu.dma_semaphore, #tpu.memory_space<semaphore_mem>>
      tpu.wait_indirect_dma semaphore(%dma_wait3A_817 : memref<!tpu.dma_semaphore, #tpu.memory_space<semaphore_mem>>) src(%dma_wait3A_815 : memref<1000000x64xf32, #tpu.memory_space<hbm>>) dst(%dma_wait3A_809 : memref<64x64xf32, #tpu.memory_space<vmem>>)
      %mul3A_818 = arith.constant 64 : i32
      %mul3A_819 = arith.muli %add3A_789, %mul3A_818 : i32
      %add3A_820 = arith.addi %mul3A_2, %mul3A_819 : i32
      %run_scoped3A_821 = arith.constant 4 : i32
      "tpu.region"() ({
        %run_scoped3A_1054 = tpu.sem_alloc : memref<!tpu.dma_semaphore, #tpu.memory_space<semaphore_mem>>
        %dma_start3A_1055 = arith.constant 0 : i32
        %dma_start3A_1056 = arith.constant 0 : i32
        %dma_start3A_1057 = tpu.memref_slice %arg8[%run_scoped3A_821, %dma_start3A_1055, %dma_start3A_1056] : memref<8x64x64xf32, #tpu.memory_space<vmem>> -> memref<1x64x64xf32, #tpu.memory_space<vmem>>
        %dma_start3A_1058 = tpu.memref_squeeze %dma_start3A_1057 : memref<1x64x64xf32, #tpu.memory_space<vmem>> -> memref<64x64xf32, #tpu.memory_space<vmem>>
        %dma_start3A_1059 = arith.constant 0 : i32
        %dma_start3A_1060 = tpu.memref_slice %arg5[%add3A_820, %dma_start3A_1059] : memref<163840x128xf32, #tpu.memory_space<hbm>> -> memref<64x64xf32, #tpu.memory_space<hbm>>
        %dma_start3A_1061 = arith.constant 0 : i32
        %dma_start3A_1062 = tpu.memref_slice %arg5[%add3A_820, %dma_start3A_1061] : memref<163840x128xf32, #tpu.memory_space<hbm>> -> memref<64x64xf32, #tpu.memory_space<hbm>>
        %dma_start3A_1063 = arith.constant 0 : i32
        %dma_start3A_1064 = arith.constant 0 : i32
        %dma_start3A_1065 = tpu.memref_slice %arg8[%run_scoped3A_821, %dma_start3A_1063, %dma_start3A_1064] : memref<8x64x64xf32, #tpu.memory_space<vmem>> -> memref<1x64x64xf32, #tpu.memory_space<vmem>>
        %dma_start3A_1066 = tpu.memref_squeeze %dma_start3A_1065 : memref<1x64x64xf32, #tpu.memory_space<vmem>> -> memref<64x64xf32, #tpu.memory_space<vmem>>
        tpu.enqueue_dma source(%dma_start3A_1066 : memref<64x64xf32, #tpu.memory_space<vmem>>) target(%dma_start3A_1062 : memref<64x64xf32, #tpu.memory_space<hbm>>) target_semaphore(%run_scoped3A_1054 : memref<!tpu.dma_semaphore, #tpu.memory_space<semaphore_mem>>)
        %dma_wait3A_1067 = arith.constant 0 : i32
        %dma_wait3A_1068 = arith.constant 0 : i32
        %dma_wait3A_1069 = tpu.memref_slice %arg8[%run_scoped3A_821, %dma_wait3A_1067, %dma_wait3A_1068] : memref<8x64x64xf32, #tpu.memory_space<vmem>> -> memref<1x64x64xf32, #tpu.memory_space<vmem>>
        %dma_wait3A_1070 = tpu.memref_squeeze %dma_wait3A_1069 : memref<1x64x64xf32, #tpu.memory_space<vmem>> -> memref<64x64xf32, #tpu.memory_space<vmem>>
        %dma_wait3A_1071 = arith.constant 0 : i32
        %dma_wait3A_1072 = tpu.memref_slice %arg5[%add3A_820, %dma_wait3A_1071] : memref<163840x128xf32, #tpu.memory_space<hbm>> -> memref<64x64xf32, #tpu.memory_space<hbm>>
        %dma_wait3A_1073 = arith.constant 0 : i32
        %dma_wait3A_1074 = tpu.memref_slice %arg5[%add3A_820, %dma_wait3A_1073] : memref<163840x128xf32, #tpu.memory_space<hbm>> -> memref<64x64xf32, #tpu.memory_space<hbm>>
        %dma_wait3A_1075 = arith.constant 0 : i32
        %dma_wait3A_1076 = arith.constant 0 : i32
        %dma_wait3A_1077 = tpu.memref_slice %arg8[%run_scoped3A_821, %dma_wait3A_1075, %dma_wait3A_1076] : memref<8x64x64xf32, #tpu.memory_space<vmem>> -> memref<1x64x64xf32, #tpu.memory_space<vmem>>
        %dma_wait3A_1078 = tpu.memref_squeeze %dma_wait3A_1077 : memref<1x64x64xf32, #tpu.memory_space<vmem>> -> memref<64x64xf32, #tpu.memory_space<vmem>>
        tpu.wait_dma2 semaphore(%run_scoped3A_1054 : memref<!tpu.dma_semaphore, #tpu.memory_space<semaphore_mem>>) src(%dma_wait3A_1078 : memref<64x64xf32, #tpu.memory_space<vmem>>) dst(%dma_wait3A_1074 : memref<64x64xf32, #tpu.memory_space<hbm>>)
        tpu.yield
      }) : () -> ()
      %run_scoped3A_822 = arith.constant 4 : i32
      "tpu.region"() ({
        %run_scoped3A_1054 = tpu.sem_alloc : memref<!tpu.dma_semaphore, #tpu.memory_space<semaphore_mem>>
        %dma_start3A_1055 = arith.constant 0 : i32
        %dma_start3A_1056 = arith.constant 0 : i32
        %dma_start3A_1057 = tpu.memref_slice %arg9[%run_scoped3A_822, %dma_start3A_1055, %dma_start3A_1056] : memref<8x64x64xf32, #tpu.memory_space<vmem>> -> memref<1x64x64xf32, #tpu.memory_space<vmem>>
        %dma_start3A_1058 = tpu.memref_squeeze %dma_start3A_1057 : memref<1x64x64xf32, #tpu.memory_space<vmem>> -> memref<64x64xf32, #tpu.memory_space<vmem>>
        %dma_start3A_1059 = arith.constant 64 : i32
        %dma_start3A_1060 = tpu.memref_slice %arg5[%add3A_820, %dma_start3A_1059] : memref<163840x128xf32, #tpu.memory_space<hbm>> -> memref<64x64xf32, #tpu.memory_space<hbm>>
        %dma_start3A_1061 = arith.constant 64 : i32
        %dma_start3A_1062 = tpu.memref_slice %arg5[%add3A_820, %dma_start3A_1061] : memref<163840x128xf32, #tpu.memory_space<hbm>> -> memref<64x64xf32, #tpu.memory_space<hbm>>
        %dma_start3A_1063 = arith.constant 0 : i32
        %dma_start3A_1064 = arith.constant 0 : i32
        %dma_start3A_1065 = tpu.memref_slice %arg9[%run_scoped3A_822, %dma_start3A_1063, %dma_start3A_1064] : memref<8x64x64xf32, #tpu.memory_space<vmem>> -> memref<1x64x64xf32, #tpu.memory_space<vmem>>
        %dma_start3A_1066 = tpu.memref_squeeze %dma_start3A_1065 : memref<1x64x64xf32, #tpu.memory_space<vmem>> -> memref<64x64xf32, #tpu.memory_space<vmem>>
        tpu.enqueue_dma source(%dma_start3A_1066 : memref<64x64xf32, #tpu.memory_space<vmem>>) target(%dma_start3A_1062 : memref<64x64xf32, #tpu.memory_space<hbm>>) target_semaphore(%run_scoped3A_1054 : memref<!tpu.dma_semaphore, #tpu.memory_space<semaphore_mem>>)
        %dma_wait3A_1067 = arith.constant 0 : i32
        %dma_wait3A_1068 = arith.constant 0 : i32
        %dma_wait3A_1069 = tpu.memref_slice %arg9[%run_scoped3A_822, %dma_wait3A_1067, %dma_wait3A_1068] : memref<8x64x64xf32, #tpu.memory_space<vmem>> -> memref<1x64x64xf32, #tpu.memory_space<vmem>>
        %dma_wait3A_1070 = tpu.memref_squeeze %dma_wait3A_1069 : memref<1x64x64xf32, #tpu.memory_space<vmem>> -> memref<64x64xf32, #tpu.memory_space<vmem>>
        %dma_wait3A_1071 = arith.constant 64 : i32
        %dma_wait3A_1072 = tpu.memref_slice %arg5[%add3A_820, %dma_wait3A_1071] : memref<163840x128xf32, #tpu.memory_space<hbm>> -> memref<64x64xf32, #tpu.memory_space<hbm>>
        %dma_wait3A_1073 = arith.constant 64 : i32
        %dma_wait3A_1074 = tpu.memref_slice %arg5[%add3A_820, %dma_wait3A_1073] : memref<163840x128xf32, #tpu.memory_space<hbm>> -> memref<64x64xf32, #tpu.memory_space<hbm>>
        %dma_wait3A_1075 = arith.constant 0 : i32
        %dma_wait3A_1076 = arith.constant 0 : i32
        %dma_wait3A_1077 = tpu.memref_slice %arg9[%run_scoped3A_822, %dma_wait3A_1075, %dma_wait3A_1076] : memref<8x64x64xf32, #tpu.memory_space<vmem>> -> memref<1x64x64xf32, #tpu.memory_space<vmem>>
        %dma_wait3A_1078 = tpu.memref_squeeze %dma_wait3A_1077 : memref<1x64x64xf32, #tpu.memory_space<vmem>> -> memref<64x64xf32, #tpu.memory_space<vmem>>
        tpu.wait_dma2 semaphore(%run_scoped3A_1054 : memref<!tpu.dma_semaphore, #tpu.memory_space<semaphore_mem>>) src(%dma_wait3A_1078 : memref<64x64xf32, #tpu.memory_space<vmem>>) dst(%dma_wait3A_1074 : memref<64x64xf32, #tpu.memory_space<hbm>>)
        tpu.yield
      }) : () -> ()
      %add3A_823 = arith.constant 8 : i32
      %add3A_824 = arith.addi %add3A_789, %add3A_823 : i32
      %dma_start3A_825 = arith.constant 4 : i32
      %dma_start3A_826 = arith.constant 4 : i32
      %dma_start3A_827 = arith.constant 0 : i32
      %dma_start3A_828 = arith.constant 0 : i32
      %dma_start3A_829 = tpu.memref_slice %arg8[%dma_start3A_825, %dma_start3A_827, %dma_start3A_828] : memref<8x64x64xf32, #tpu.memory_space<vmem>> -> memref<1x64x64xf32, #tpu.memory_space<vmem>>
      %dma_start3A_830 = tpu.memref_squeeze %dma_start3A_829 : memref<1x64x64xf32, #tpu.memory_space<vmem>> -> memref<64x64xf32, #tpu.memory_space<vmem>>
      %dma_start3A_831 = arith.constant 0 : i32
      %dma_start3A_832 = tpu.memref_slice %arg6[%add3A_824, %dma_start3A_831] : memref<80x64xi32, #tpu.memory_space<vmem>> -> memref<1x64xi32, #tpu.memory_space<vmem>>
      %dma_start3A_833 = tpu.memref_squeeze %dma_start3A_832 : memref<1x64xi32, #tpu.memory_space<vmem>> -> memref<64xi32, #tpu.memory_space<vmem>>
      %dma_start3A_834 = arith.constant 0 : i32
      %dma_start3A_835 = arith.constant 0 : i32
      %dma_start3A_836 = tpu.memref_slice %arg2[%dma_start3A_834, %dma_start3A_835] : memref<1000000x64xf32, #tpu.memory_space<hbm>> -> memref<1000000x64xf32, #tpu.memory_space<hbm>>
      %dma_start3A_837 = tpu.memref_slice %arg10[%dma_start3A_826] : memref<8x!tpu.dma_semaphore, #tpu.memory_space<semaphore_mem>> -> memref<1x!tpu.dma_semaphore, #tpu.memory_space<semaphore_mem>>
      %dma_start3A_838 = tpu.memref_squeeze %dma_start3A_837 : memref<1x!tpu.dma_semaphore, #tpu.memory_space<semaphore_mem>> -> memref<!tpu.dma_semaphore, #tpu.memory_space<semaphore_mem>>
      tpu.enqueue_indirect_dma source(%dma_start3A_836 : memref<1000000x64xf32, #tpu.memory_space<hbm>>) target(%dma_start3A_830 : memref<64x64xf32, #tpu.memory_space<vmem>>) offsets(%dma_start3A_833 : memref<64xi32, #tpu.memory_space<vmem>>) semaphore(%dma_start3A_838 : memref<!tpu.dma_semaphore, #tpu.memory_space<semaphore_mem>>)
      %dma_start3A_839 = arith.constant 4 : i32
      %dma_start3A_840 = arith.constant 4 : i32
      %dma_start3A_841 = arith.constant 0 : i32
      %dma_start3A_842 = arith.constant 0 : i32
      %dma_start3A_843 = tpu.memref_slice %arg9[%dma_start3A_839, %dma_start3A_841, %dma_start3A_842] : memref<8x64x64xf32, #tpu.memory_space<vmem>> -> memref<1x64x64xf32, #tpu.memory_space<vmem>>
      %dma_start3A_844 = tpu.memref_squeeze %dma_start3A_843 : memref<1x64x64xf32, #tpu.memory_space<vmem>> -> memref<64x64xf32, #tpu.memory_space<vmem>>
      %dma_start3A_845 = arith.constant 0 : i32
      %dma_start3A_846 = tpu.memref_slice %arg7[%add3A_824, %dma_start3A_845] : memref<80x64xi32, #tpu.memory_space<vmem>> -> memref<1x64xi32, #tpu.memory_space<vmem>>
      %dma_start3A_847 = tpu.memref_squeeze %dma_start3A_846 : memref<1x64xi32, #tpu.memory_space<vmem>> -> memref<64xi32, #tpu.memory_space<vmem>>
      %dma_start3A_848 = arith.constant 0 : i32
      %dma_start3A_849 = arith.constant 0 : i32
      %dma_start3A_850 = tpu.memref_slice %arg2[%dma_start3A_848, %dma_start3A_849] : memref<1000000x64xf32, #tpu.memory_space<hbm>> -> memref<1000000x64xf32, #tpu.memory_space<hbm>>
      %dma_start3A_851 = tpu.memref_slice %arg10[%dma_start3A_840] : memref<8x!tpu.dma_semaphore, #tpu.memory_space<semaphore_mem>> -> memref<1x!tpu.dma_semaphore, #tpu.memory_space<semaphore_mem>>
      %dma_start3A_852 = tpu.memref_squeeze %dma_start3A_851 : memref<1x!tpu.dma_semaphore, #tpu.memory_space<semaphore_mem>> -> memref<!tpu.dma_semaphore, #tpu.memory_space<semaphore_mem>>
      tpu.enqueue_indirect_dma source(%dma_start3A_850 : memref<1000000x64xf32, #tpu.memory_space<hbm>>) target(%dma_start3A_844 : memref<64x64xf32, #tpu.memory_space<vmem>>) offsets(%dma_start3A_847 : memref<64xi32, #tpu.memory_space<vmem>>) semaphore(%dma_start3A_852 : memref<!tpu.dma_semaphore, #tpu.memory_space<semaphore_mem>>)
      %mul3A_853 = arith.constant 8 : i32
      %mul3A_854 = arith.muli %scan3A_517, %mul3A_853 : i32
      %add3A_855 = arith.constant 5 : i32
      %add3A_856 = arith.addi %mul3A_854, %add3A_855 : i32
      %dma_wait3A_857 = arith.constant 5 : i32
      %dma_wait3A_858 = arith.constant 5 : i32
      %dma_wait3A_859 = arith.constant 0 : i32
      %dma_wait3A_860 = arith.constant 0 : i32
      %dma_wait3A_861 = tpu.memref_slice %arg8[%dma_wait3A_857, %dma_wait3A_859, %dma_wait3A_860] : memref<8x64x64xf32, #tpu.memory_space<vmem>> -> memref<1x64x64xf32, #tpu.memory_space<vmem>>
      %dma_wait3A_862 = tpu.memref_squeeze %dma_wait3A_861 : memref<1x64x64xf32, #tpu.memory_space<vmem>> -> memref<64x64xf32, #tpu.memory_space<vmem>>
      %dma_wait3A_863 = arith.constant 0 : i32
      %dma_wait3A_864 = tpu.memref_slice %arg6[%add3A_856, %dma_wait3A_863] : memref<80x64xi32, #tpu.memory_space<vmem>> -> memref<1x64xi32, #tpu.memory_space<vmem>>
      %dma_wait3A_865 = tpu.memref_squeeze %dma_wait3A_864 : memref<1x64xi32, #tpu.memory_space<vmem>> -> memref<64xi32, #tpu.memory_space<vmem>>
      %dma_wait3A_866 = arith.constant 0 : i32
      %dma_wait3A_867 = arith.constant 0 : i32
      %dma_wait3A_868 = tpu.memref_slice %arg2[%dma_wait3A_866, %dma_wait3A_867] : memref<1000000x64xf32, #tpu.memory_space<hbm>> -> memref<1000000x64xf32, #tpu.memory_space<hbm>>
      %dma_wait3A_869 = tpu.memref_slice %arg10[%dma_wait3A_858] : memref<8x!tpu.dma_semaphore, #tpu.memory_space<semaphore_mem>> -> memref<1x!tpu.dma_semaphore, #tpu.memory_space<semaphore_mem>>
      %dma_wait3A_870 = tpu.memref_squeeze %dma_wait3A_869 : memref<1x!tpu.dma_semaphore, #tpu.memory_space<semaphore_mem>> -> memref<!tpu.dma_semaphore, #tpu.memory_space<semaphore_mem>>
      tpu.wait_indirect_dma semaphore(%dma_wait3A_870 : memref<!tpu.dma_semaphore, #tpu.memory_space<semaphore_mem>>) src(%dma_wait3A_868 : memref<1000000x64xf32, #tpu.memory_space<hbm>>) dst(%dma_wait3A_862 : memref<64x64xf32, #tpu.memory_space<vmem>>)
      %dma_wait3A_871 = arith.constant 5 : i32
      %dma_wait3A_872 = arith.constant 5 : i32
      %dma_wait3A_873 = arith.constant 0 : i32
      %dma_wait3A_874 = arith.constant 0 : i32
      %dma_wait3A_875 = tpu.memref_slice %arg9[%dma_wait3A_871, %dma_wait3A_873, %dma_wait3A_874] : memref<8x64x64xf32, #tpu.memory_space<vmem>> -> memref<1x64x64xf32, #tpu.memory_space<vmem>>
      %dma_wait3A_876 = tpu.memref_squeeze %dma_wait3A_875 : memref<1x64x64xf32, #tpu.memory_space<vmem>> -> memref<64x64xf32, #tpu.memory_space<vmem>>
      %dma_wait3A_877 = arith.constant 0 : i32
      %dma_wait3A_878 = tpu.memref_slice %arg7[%add3A_856, %dma_wait3A_877] : memref<80x64xi32, #tpu.memory_space<vmem>> -> memref<1x64xi32, #tpu.memory_space<vmem>>
      %dma_wait3A_879 = tpu.memref_squeeze %dma_wait3A_878 : memref<1x64xi32, #tpu.memory_space<vmem>> -> memref<64xi32, #tpu.memory_space<vmem>>
      %dma_wait3A_880 = arith.constant 0 : i32
      %dma_wait3A_881 = arith.constant 0 : i32
      %dma_wait3A_882 = tpu.memref_slice %arg2[%dma_wait3A_880, %dma_wait3A_881] : memref<1000000x64xf32, #tpu.memory_space<hbm>> -> memref<1000000x64xf32, #tpu.memory_space<hbm>>
      %dma_wait3A_883 = tpu.memref_slice %arg10[%dma_wait3A_872] : memref<8x!tpu.dma_semaphore, #tpu.memory_space<semaphore_mem>> -> memref<1x!tpu.dma_semaphore, #tpu.memory_space<semaphore_mem>>
      %dma_wait3A_884 = tpu.memref_squeeze %dma_wait3A_883 : memref<1x!tpu.dma_semaphore, #tpu.memory_space<semaphore_mem>> -> memref<!tpu.dma_semaphore, #tpu.memory_space<semaphore_mem>>
      tpu.wait_indirect_dma semaphore(%dma_wait3A_884 : memref<!tpu.dma_semaphore, #tpu.memory_space<semaphore_mem>>) src(%dma_wait3A_882 : memref<1000000x64xf32, #tpu.memory_space<hbm>>) dst(%dma_wait3A_876 : memref<64x64xf32, #tpu.memory_space<vmem>>)
      %mul3A_885 = arith.constant 64 : i32
      %mul3A_886 = arith.muli %add3A_856, %mul3A_885 : i32
      %add3A_887 = arith.addi %mul3A_2, %mul3A_886 : i32
      %run_scoped3A_888 = arith.constant 5 : i32
      "tpu.region"() ({
        %run_scoped3A_1054 = tpu.sem_alloc : memref<!tpu.dma_semaphore, #tpu.memory_space<semaphore_mem>>
        %dma_start3A_1055 = arith.constant 0 : i32
        %dma_start3A_1056 = arith.constant 0 : i32
        %dma_start3A_1057 = tpu.memref_slice %arg8[%run_scoped3A_888, %dma_start3A_1055, %dma_start3A_1056] : memref<8x64x64xf32, #tpu.memory_space<vmem>> -> memref<1x64x64xf32, #tpu.memory_space<vmem>>
        %dma_start3A_1058 = tpu.memref_squeeze %dma_start3A_1057 : memref<1x64x64xf32, #tpu.memory_space<vmem>> -> memref<64x64xf32, #tpu.memory_space<vmem>>
        %dma_start3A_1059 = arith.constant 0 : i32
        %dma_start3A_1060 = tpu.memref_slice %arg5[%add3A_887, %dma_start3A_1059] : memref<163840x128xf32, #tpu.memory_space<hbm>> -> memref<64x64xf32, #tpu.memory_space<hbm>>
        %dma_start3A_1061 = arith.constant 0 : i32
        %dma_start3A_1062 = tpu.memref_slice %arg5[%add3A_887, %dma_start3A_1061] : memref<163840x128xf32, #tpu.memory_space<hbm>> -> memref<64x64xf32, #tpu.memory_space<hbm>>
        %dma_start3A_1063 = arith.constant 0 : i32
        %dma_start3A_1064 = arith.constant 0 : i32
        %dma_start3A_1065 = tpu.memref_slice %arg8[%run_scoped3A_888, %dma_start3A_1063, %dma_start3A_1064] : memref<8x64x64xf32, #tpu.memory_space<vmem>> -> memref<1x64x64xf32, #tpu.memory_space<vmem>>
        %dma_start3A_1066 = tpu.memref_squeeze %dma_start3A_1065 : memref<1x64x64xf32, #tpu.memory_space<vmem>> -> memref<64x64xf32, #tpu.memory_space<vmem>>
        tpu.enqueue_dma source(%dma_start3A_1066 : memref<64x64xf32, #tpu.memory_space<vmem>>) target(%dma_start3A_1062 : memref<64x64xf32, #tpu.memory_space<hbm>>) target_semaphore(%run_scoped3A_1054 : memref<!tpu.dma_semaphore, #tpu.memory_space<semaphore_mem>>)
        %dma_wait3A_1067 = arith.constant 0 : i32
        %dma_wait3A_1068 = arith.constant 0 : i32
        %dma_wait3A_1069 = tpu.memref_slice %arg8[%run_scoped3A_888, %dma_wait3A_1067, %dma_wait3A_1068] : memref<8x64x64xf32, #tpu.memory_space<vmem>> -> memref<1x64x64xf32, #tpu.memory_space<vmem>>
        %dma_wait3A_1070 = tpu.memref_squeeze %dma_wait3A_1069 : memref<1x64x64xf32, #tpu.memory_space<vmem>> -> memref<64x64xf32, #tpu.memory_space<vmem>>
        %dma_wait3A_1071 = arith.constant 0 : i32
        %dma_wait3A_1072 = tpu.memref_slice %arg5[%add3A_887, %dma_wait3A_1071] : memref<163840x128xf32, #tpu.memory_space<hbm>> -> memref<64x64xf32, #tpu.memory_space<hbm>>
        %dma_wait3A_1073 = arith.constant 0 : i32
        %dma_wait3A_1074 = tpu.memref_slice %arg5[%add3A_887, %dma_wait3A_1073] : memref<163840x128xf32, #tpu.memory_space<hbm>> -> memref<64x64xf32, #tpu.memory_space<hbm>>
        %dma_wait3A_1075 = arith.constant 0 : i32
        %dma_wait3A_1076 = arith.constant 0 : i32
        %dma_wait3A_1077 = tpu.memref_slice %arg8[%run_scoped3A_888, %dma_wait3A_1075, %dma_wait3A_1076] : memref<8x64x64xf32, #tpu.memory_space<vmem>> -> memref<1x64x64xf32, #tpu.memory_space<vmem>>
        %dma_wait3A_1078 = tpu.memref_squeeze %dma_wait3A_1077 : memref<1x64x64xf32, #tpu.memory_space<vmem>> -> memref<64x64xf32, #tpu.memory_space<vmem>>
        tpu.wait_dma2 semaphore(%run_scoped3A_1054 : memref<!tpu.dma_semaphore, #tpu.memory_space<semaphore_mem>>) src(%dma_wait3A_1078 : memref<64x64xf32, #tpu.memory_space<vmem>>) dst(%dma_wait3A_1074 : memref<64x64xf32, #tpu.memory_space<hbm>>)
        tpu.yield
      }) : () -> ()
      %run_scoped3A_889 = arith.constant 5 : i32
      "tpu.region"() ({
        %run_scoped3A_1054 = tpu.sem_alloc : memref<!tpu.dma_semaphore, #tpu.memory_space<semaphore_mem>>
        %dma_start3A_1055 = arith.constant 0 : i32
        %dma_start3A_1056 = arith.constant 0 : i32
        %dma_start3A_1057 = tpu.memref_slice %arg9[%run_scoped3A_889, %dma_start3A_1055, %dma_start3A_1056] : memref<8x64x64xf32, #tpu.memory_space<vmem>> -> memref<1x64x64xf32, #tpu.memory_space<vmem>>
        %dma_start3A_1058 = tpu.memref_squeeze %dma_start3A_1057 : memref<1x64x64xf32, #tpu.memory_space<vmem>> -> memref<64x64xf32, #tpu.memory_space<vmem>>
        %dma_start3A_1059 = arith.constant 64 : i32
        %dma_start3A_1060 = tpu.memref_slice %arg5[%add3A_887, %dma_start3A_1059] : memref<163840x128xf32, #tpu.memory_space<hbm>> -> memref<64x64xf32, #tpu.memory_space<hbm>>
        %dma_start3A_1061 = arith.constant 64 : i32
        %dma_start3A_1062 = tpu.memref_slice %arg5[%add3A_887, %dma_start3A_1061] : memref<163840x128xf32, #tpu.memory_space<hbm>> -> memref<64x64xf32, #tpu.memory_space<hbm>>
        %dma_start3A_1063 = arith.constant 0 : i32
        %dma_start3A_1064 = arith.constant 0 : i32
        %dma_start3A_1065 = tpu.memref_slice %arg9[%run_scoped3A_889, %dma_start3A_1063, %dma_start3A_1064] : memref<8x64x64xf32, #tpu.memory_space<vmem>> -> memref<1x64x64xf32, #tpu.memory_space<vmem>>
        %dma_start3A_1066 = tpu.memref_squeeze %dma_start3A_1065 : memref<1x64x64xf32, #tpu.memory_space<vmem>> -> memref<64x64xf32, #tpu.memory_space<vmem>>
        tpu.enqueue_dma source(%dma_start3A_1066 : memref<64x64xf32, #tpu.memory_space<vmem>>) target(%dma_start3A_1062 : memref<64x64xf32, #tpu.memory_space<hbm>>) target_semaphore(%run_scoped3A_1054 : memref<!tpu.dma_semaphore, #tpu.memory_space<semaphore_mem>>)
        %dma_wait3A_1067 = arith.constant 0 : i32
        %dma_wait3A_1068 = arith.constant 0 : i32
        %dma_wait3A_1069 = tpu.memref_slice %arg9[%run_scoped3A_889, %dma_wait3A_1067, %dma_wait3A_1068] : memref<8x64x64xf32, #tpu.memory_space<vmem>> -> memref<1x64x64xf32, #tpu.memory_space<vmem>>
        %dma_wait3A_1070 = tpu.memref_squeeze %dma_wait3A_1069 : memref<1x64x64xf32, #tpu.memory_space<vmem>> -> memref<64x64xf32, #tpu.memory_space<vmem>>
        %dma_wait3A_1071 = arith.constant 64 : i32
        %dma_wait3A_1072 = tpu.memref_slice %arg5[%add3A_887, %dma_wait3A_1071] : memref<163840x128xf32, #tpu.memory_space<hbm>> -> memref<64x64xf32, #tpu.memory_space<hbm>>
        %dma_wait3A_1073 = arith.constant 64 : i32
        %dma_wait3A_1074 = tpu.memref_slice %arg5[%add3A_887, %dma_wait3A_1073] : memref<163840x128xf32, #tpu.memory_space<hbm>> -> memref<64x64xf32, #tpu.memory_space<hbm>>
        %dma_wait3A_1075 = arith.constant 0 : i32
        %dma_wait3A_1076 = arith.constant 0 : i32
        %dma_wait3A_1077 = tpu.memref_slice %arg9[%run_scoped3A_889, %dma_wait3A_1075, %dma_wait3A_1076] : memref<8x64x64xf32, #tpu.memory_space<vmem>> -> memref<1x64x64xf32, #tpu.memory_space<vmem>>
        %dma_wait3A_1078 = tpu.memref_squeeze %dma_wait3A_1077 : memref<1x64x64xf32, #tpu.memory_space<vmem>> -> memref<64x64xf32, #tpu.memory_space<vmem>>
        tpu.wait_dma2 semaphore(%run_scoped3A_1054 : memref<!tpu.dma_semaphore, #tpu.memory_space<semaphore_mem>>) src(%dma_wait3A_1078 : memref<64x64xf32, #tpu.memory_space<vmem>>) dst(%dma_wait3A_1074 : memref<64x64xf32, #tpu.memory_space<hbm>>)
        tpu.yield
      }) : () -> ()
      %add3A_890 = arith.constant 8 : i32
      %add3A_891 = arith.addi %add3A_856, %add3A_890 : i32
      %dma_start3A_892 = arith.constant 5 : i32
      %dma_start3A_893 = arith.constant 5 : i32
      %dma_start3A_894 = arith.constant 0 : i32
      %dma_start3A_895 = arith.constant 0 : i32
      %dma_start3A_896 = tpu.memref_slice %arg8[%dma_start3A_892, %dma_start3A_894, %dma_start3A_895] : memref<8x64x64xf32, #tpu.memory_space<vmem>> -> memref<1x64x64xf32, #tpu.memory_space<vmem>>
      %dma_start3A_897 = tpu.memref_squeeze %dma_start3A_896 : memref<1x64x64xf32, #tpu.memory_space<vmem>> -> memref<64x64xf32, #tpu.memory_space<vmem>>
      %dma_start3A_898 = arith.constant 0 : i32
      %dma_start3A_899 = tpu.memref_slice %arg6[%add3A_891, %dma_start3A_898] : memref<80x64xi32, #tpu.memory_space<vmem>> -> memref<1x64xi32, #tpu.memory_space<vmem>>
      %dma_start3A_900 = tpu.memref_squeeze %dma_start3A_899 : memref<1x64xi32, #tpu.memory_space<vmem>> -> memref<64xi32, #tpu.memory_space<vmem>>
      %dma_start3A_901 = arith.constant 0 : i32
      %dma_start3A_902 = arith.constant 0 : i32
      %dma_start3A_903 = tpu.memref_slice %arg2[%dma_start3A_901, %dma_start3A_902] : memref<1000000x64xf32, #tpu.memory_space<hbm>> -> memref<1000000x64xf32, #tpu.memory_space<hbm>>
      %dma_start3A_904 = tpu.memref_slice %arg10[%dma_start3A_893] : memref<8x!tpu.dma_semaphore, #tpu.memory_space<semaphore_mem>> -> memref<1x!tpu.dma_semaphore, #tpu.memory_space<semaphore_mem>>
      %dma_start3A_905 = tpu.memref_squeeze %dma_start3A_904 : memref<1x!tpu.dma_semaphore, #tpu.memory_space<semaphore_mem>> -> memref<!tpu.dma_semaphore, #tpu.memory_space<semaphore_mem>>
      tpu.enqueue_indirect_dma source(%dma_start3A_903 : memref<1000000x64xf32, #tpu.memory_space<hbm>>) target(%dma_start3A_897 : memref<64x64xf32, #tpu.memory_space<vmem>>) offsets(%dma_start3A_900 : memref<64xi32, #tpu.memory_space<vmem>>) semaphore(%dma_start3A_905 : memref<!tpu.dma_semaphore, #tpu.memory_space<semaphore_mem>>)
      %dma_start3A_906 = arith.constant 5 : i32
      %dma_start3A_907 = arith.constant 5 : i32
      %dma_start3A_908 = arith.constant 0 : i32
      %dma_start3A_909 = arith.constant 0 : i32
      %dma_start3A_910 = tpu.memref_slice %arg9[%dma_start3A_906, %dma_start3A_908, %dma_start3A_909] : memref<8x64x64xf32, #tpu.memory_space<vmem>> -> memref<1x64x64xf32, #tpu.memory_space<vmem>>
      %dma_start3A_911 = tpu.memref_squeeze %dma_start3A_910 : memref<1x64x64xf32, #tpu.memory_space<vmem>> -> memref<64x64xf32, #tpu.memory_space<vmem>>
      %dma_start3A_912 = arith.constant 0 : i32
      %dma_start3A_913 = tpu.memref_slice %arg7[%add3A_891, %dma_start3A_912] : memref<80x64xi32, #tpu.memory_space<vmem>> -> memref<1x64xi32, #tpu.memory_space<vmem>>
      %dma_start3A_914 = tpu.memref_squeeze %dma_start3A_913 : memref<1x64xi32, #tpu.memory_space<vmem>> -> memref<64xi32, #tpu.memory_space<vmem>>
      %dma_start3A_915 = arith.constant 0 : i32
      %dma_start3A_916 = arith.constant 0 : i32
      %dma_start3A_917 = tpu.memref_slice %arg2[%dma_start3A_915, %dma_start3A_916] : memref<1000000x64xf32, #tpu.memory_space<hbm>> -> memref<1000000x64xf32, #tpu.memory_space<hbm>>
      %dma_start3A_918 = tpu.memref_slice %arg10[%dma_start3A_907] : memref<8x!tpu.dma_semaphore, #tpu.memory_space<semaphore_mem>> -> memref<1x!tpu.dma_semaphore, #tpu.memory_space<semaphore_mem>>
      %dma_start3A_919 = tpu.memref_squeeze %dma_start3A_918 : memref<1x!tpu.dma_semaphore, #tpu.memory_space<semaphore_mem>> -> memref<!tpu.dma_semaphore, #tpu.memory_space<semaphore_mem>>
      tpu.enqueue_indirect_dma source(%dma_start3A_917 : memref<1000000x64xf32, #tpu.memory_space<hbm>>) target(%dma_start3A_911 : memref<64x64xf32, #tpu.memory_space<vmem>>) offsets(%dma_start3A_914 : memref<64xi32, #tpu.memory_space<vmem>>) semaphore(%dma_start3A_919 : memref<!tpu.dma_semaphore, #tpu.memory_space<semaphore_mem>>)
      %mul3A_920 = arith.constant 8 : i32
      %mul3A_921 = arith.muli %scan3A_517, %mul3A_920 : i32
      %add3A_922 = arith.constant 6 : i32
      %add3A_923 = arith.addi %mul3A_921, %add3A_922 : i32
      %dma_wait3A_924 = arith.constant 6 : i32
      %dma_wait3A_925 = arith.constant 6 : i32
      %dma_wait3A_926 = arith.constant 0 : i32
      %dma_wait3A_927 = arith.constant 0 : i32
      %dma_wait3A_928 = tpu.memref_slice %arg8[%dma_wait3A_924, %dma_wait3A_926, %dma_wait3A_927] : memref<8x64x64xf32, #tpu.memory_space<vmem>> -> memref<1x64x64xf32, #tpu.memory_space<vmem>>
      %dma_wait3A_929 = tpu.memref_squeeze %dma_wait3A_928 : memref<1x64x64xf32, #tpu.memory_space<vmem>> -> memref<64x64xf32, #tpu.memory_space<vmem>>
      %dma_wait3A_930 = arith.constant 0 : i32
      %dma_wait3A_931 = tpu.memref_slice %arg6[%add3A_923, %dma_wait3A_930] : memref<80x64xi32, #tpu.memory_space<vmem>> -> memref<1x64xi32, #tpu.memory_space<vmem>>
      %dma_wait3A_932 = tpu.memref_squeeze %dma_wait3A_931 : memref<1x64xi32, #tpu.memory_space<vmem>> -> memref<64xi32, #tpu.memory_space<vmem>>
      %dma_wait3A_933 = arith.constant 0 : i32
      %dma_wait3A_934 = arith.constant 0 : i32
      %dma_wait3A_935 = tpu.memref_slice %arg2[%dma_wait3A_933, %dma_wait3A_934] : memref<1000000x64xf32, #tpu.memory_space<hbm>> -> memref<1000000x64xf32, #tpu.memory_space<hbm>>
      %dma_wait3A_936 = tpu.memref_slice %arg10[%dma_wait3A_925] : memref<8x!tpu.dma_semaphore, #tpu.memory_space<semaphore_mem>> -> memref<1x!tpu.dma_semaphore, #tpu.memory_space<semaphore_mem>>
      %dma_wait3A_937 = tpu.memref_squeeze %dma_wait3A_936 : memref<1x!tpu.dma_semaphore, #tpu.memory_space<semaphore_mem>> -> memref<!tpu.dma_semaphore, #tpu.memory_space<semaphore_mem>>
      tpu.wait_indirect_dma semaphore(%dma_wait3A_937 : memref<!tpu.dma_semaphore, #tpu.memory_space<semaphore_mem>>) src(%dma_wait3A_935 : memref<1000000x64xf32, #tpu.memory_space<hbm>>) dst(%dma_wait3A_929 : memref<64x64xf32, #tpu.memory_space<vmem>>)
      %dma_wait3A_938 = arith.constant 6 : i32
      %dma_wait3A_939 = arith.constant 6 : i32
      %dma_wait3A_940 = arith.constant 0 : i32
      %dma_wait3A_941 = arith.constant 0 : i32
      %dma_wait3A_942 = tpu.memref_slice %arg9[%dma_wait3A_938, %dma_wait3A_940, %dma_wait3A_941] : memref<8x64x64xf32, #tpu.memory_space<vmem>> -> memref<1x64x64xf32, #tpu.memory_space<vmem>>
      %dma_wait3A_943 = tpu.memref_squeeze %dma_wait3A_942 : memref<1x64x64xf32, #tpu.memory_space<vmem>> -> memref<64x64xf32, #tpu.memory_space<vmem>>
      %dma_wait3A_944 = arith.constant 0 : i32
      %dma_wait3A_945 = tpu.memref_slice %arg7[%add3A_923, %dma_wait3A_944] : memref<80x64xi32, #tpu.memory_space<vmem>> -> memref<1x64xi32, #tpu.memory_space<vmem>>
      %dma_wait3A_946 = tpu.memref_squeeze %dma_wait3A_945 : memref<1x64xi32, #tpu.memory_space<vmem>> -> memref<64xi32, #tpu.memory_space<vmem>>
      %dma_wait3A_947 = arith.constant 0 : i32
      %dma_wait3A_948 = arith.constant 0 : i32
      %dma_wait3A_949 = tpu.memref_slice %arg2[%dma_wait3A_947, %dma_wait3A_948] : memref<1000000x64xf32, #tpu.memory_space<hbm>> -> memref<1000000x64xf32, #tpu.memory_space<hbm>>
      %dma_wait3A_950 = tpu.memref_slice %arg10[%dma_wait3A_939] : memref<8x!tpu.dma_semaphore, #tpu.memory_space<semaphore_mem>> -> memref<1x!tpu.dma_semaphore, #tpu.memory_space<semaphore_mem>>
      %dma_wait3A_951 = tpu.memref_squeeze %dma_wait3A_950 : memref<1x!tpu.dma_semaphore, #tpu.memory_space<semaphore_mem>> -> memref<!tpu.dma_semaphore, #tpu.memory_space<semaphore_mem>>
      tpu.wait_indirect_dma semaphore(%dma_wait3A_951 : memref<!tpu.dma_semaphore, #tpu.memory_space<semaphore_mem>>) src(%dma_wait3A_949 : memref<1000000x64xf32, #tpu.memory_space<hbm>>) dst(%dma_wait3A_943 : memref<64x64xf32, #tpu.memory_space<vmem>>)
      %mul3A_952 = arith.constant 64 : i32
      %mul3A_953 = arith.muli %add3A_923, %mul3A_952 : i32
      %add3A_954 = arith.addi %mul3A_2, %mul3A_953 : i32
      %run_scoped3A_955 = arith.constant 6 : i32
      "tpu.region"() ({
        %run_scoped3A_1054 = tpu.sem_alloc : memref<!tpu.dma_semaphore, #tpu.memory_space<semaphore_mem>>
        %dma_start3A_1055 = arith.constant 0 : i32
        %dma_start3A_1056 = arith.constant 0 : i32
        %dma_start3A_1057 = tpu.memref_slice %arg8[%run_scoped3A_955, %dma_start3A_1055, %dma_start3A_1056] : memref<8x64x64xf32, #tpu.memory_space<vmem>> -> memref<1x64x64xf32, #tpu.memory_space<vmem>>
        %dma_start3A_1058 = tpu.memref_squeeze %dma_start3A_1057 : memref<1x64x64xf32, #tpu.memory_space<vmem>> -> memref<64x64xf32, #tpu.memory_space<vmem>>
        %dma_start3A_1059 = arith.constant 0 : i32
        %dma_start3A_1060 = tpu.memref_slice %arg5[%add3A_954, %dma_start3A_1059] : memref<163840x128xf32, #tpu.memory_space<hbm>> -> memref<64x64xf32, #tpu.memory_space<hbm>>
        %dma_start3A_1061 = arith.constant 0 : i32
        %dma_start3A_1062 = tpu.memref_slice %arg5[%add3A_954, %dma_start3A_1061] : memref<163840x128xf32, #tpu.memory_space<hbm>> -> memref<64x64xf32, #tpu.memory_space<hbm>>
        %dma_start3A_1063 = arith.constant 0 : i32
        %dma_start3A_1064 = arith.constant 0 : i32
        %dma_start3A_1065 = tpu.memref_slice %arg8[%run_scoped3A_955, %dma_start3A_1063, %dma_start3A_1064] : memref<8x64x64xf32, #tpu.memory_space<vmem>> -> memref<1x64x64xf32, #tpu.memory_space<vmem>>
        %dma_start3A_1066 = tpu.memref_squeeze %dma_start3A_1065 : memref<1x64x64xf32, #tpu.memory_space<vmem>> -> memref<64x64xf32, #tpu.memory_space<vmem>>
        tpu.enqueue_dma source(%dma_start3A_1066 : memref<64x64xf32, #tpu.memory_space<vmem>>) target(%dma_start3A_1062 : memref<64x64xf32, #tpu.memory_space<hbm>>) target_semaphore(%run_scoped3A_1054 : memref<!tpu.dma_semaphore, #tpu.memory_space<semaphore_mem>>)
        %dma_wait3A_1067 = arith.constant 0 : i32
        %dma_wait3A_1068 = arith.constant 0 : i32
        %dma_wait3A_1069 = tpu.memref_slice %arg8[%run_scoped3A_955, %dma_wait3A_1067, %dma_wait3A_1068] : memref<8x64x64xf32, #tpu.memory_space<vmem>> -> memref<1x64x64xf32, #tpu.memory_space<vmem>>
        %dma_wait3A_1070 = tpu.memref_squeeze %dma_wait3A_1069 : memref<1x64x64xf32, #tpu.memory_space<vmem>> -> memref<64x64xf32, #tpu.memory_space<vmem>>
        %dma_wait3A_1071 = arith.constant 0 : i32
        %dma_wait3A_1072 = tpu.memref_slice %arg5[%add3A_954, %dma_wait3A_1071] : memref<163840x128xf32, #tpu.memory_space<hbm>> -> memref<64x64xf32, #tpu.memory_space<hbm>>
        %dma_wait3A_1073 = arith.constant 0 : i32
        %dma_wait3A_1074 = tpu.memref_slice %arg5[%add3A_954, %dma_wait3A_1073] : memref<163840x128xf32, #tpu.memory_space<hbm>> -> memref<64x64xf32, #tpu.memory_space<hbm>>
        %dma_wait3A_1075 = arith.constant 0 : i32
        %dma_wait3A_1076 = arith.constant 0 : i32
        %dma_wait3A_1077 = tpu.memref_slice %arg8[%run_scoped3A_955, %dma_wait3A_1075, %dma_wait3A_1076] : memref<8x64x64xf32, #tpu.memory_space<vmem>> -> memref<1x64x64xf32, #tpu.memory_space<vmem>>
        %dma_wait3A_1078 = tpu.memref_squeeze %dma_wait3A_1077 : memref<1x64x64xf32, #tpu.memory_space<vmem>> -> memref<64x64xf32, #tpu.memory_space<vmem>>
        tpu.wait_dma2 semaphore(%run_scoped3A_1054 : memref<!tpu.dma_semaphore, #tpu.memory_space<semaphore_mem>>) src(%dma_wait3A_1078 : memref<64x64xf32, #tpu.memory_space<vmem>>) dst(%dma_wait3A_1074 : memref<64x64xf32, #tpu.memory_space<hbm>>)
        tpu.yield
      }) : () -> ()
      %run_scoped3A_956 = arith.constant 6 : i32
      "tpu.region"() ({
        %run_scoped3A_1054 = tpu.sem_alloc : memref<!tpu.dma_semaphore, #tpu.memory_space<semaphore_mem>>
        %dma_start3A_1055 = arith.constant 0 : i32
        %dma_start3A_1056 = arith.constant 0 : i32
        %dma_start3A_1057 = tpu.memref_slice %arg9[%run_scoped3A_956, %dma_start3A_1055, %dma_start3A_1056] : memref<8x64x64xf32, #tpu.memory_space<vmem>> -> memref<1x64x64xf32, #tpu.memory_space<vmem>>
        %dma_start3A_1058 = tpu.memref_squeeze %dma_start3A_1057 : memref<1x64x64xf32, #tpu.memory_space<vmem>> -> memref<64x64xf32, #tpu.memory_space<vmem>>
        %dma_start3A_1059 = arith.constant 64 : i32
        %dma_start3A_1060 = tpu.memref_slice %arg5[%add3A_954, %dma_start3A_1059] : memref<163840x128xf32, #tpu.memory_space<hbm>> -> memref<64x64xf32, #tpu.memory_space<hbm>>
        %dma_start3A_1061 = arith.constant 64 : i32
        %dma_start3A_1062 = tpu.memref_slice %arg5[%add3A_954, %dma_start3A_1061] : memref<163840x128xf32, #tpu.memory_space<hbm>> -> memref<64x64xf32, #tpu.memory_space<hbm>>
        %dma_start3A_1063 = arith.constant 0 : i32
        %dma_start3A_1064 = arith.constant 0 : i32
        %dma_start3A_1065 = tpu.memref_slice %arg9[%run_scoped3A_956, %dma_start3A_1063, %dma_start3A_1064] : memref<8x64x64xf32, #tpu.memory_space<vmem>> -> memref<1x64x64xf32, #tpu.memory_space<vmem>>
        %dma_start3A_1066 = tpu.memref_squeeze %dma_start3A_1065 : memref<1x64x64xf32, #tpu.memory_space<vmem>> -> memref<64x64xf32, #tpu.memory_space<vmem>>
        tpu.enqueue_dma source(%dma_start3A_1066 : memref<64x64xf32, #tpu.memory_space<vmem>>) target(%dma_start3A_1062 : memref<64x64xf32, #tpu.memory_space<hbm>>) target_semaphore(%run_scoped3A_1054 : memref<!tpu.dma_semaphore, #tpu.memory_space<semaphore_mem>>)
        %dma_wait3A_1067 = arith.constant 0 : i32
        %dma_wait3A_1068 = arith.constant 0 : i32
        %dma_wait3A_1069 = tpu.memref_slice %arg9[%run_scoped3A_956, %dma_wait3A_1067, %dma_wait3A_1068] : memref<8x64x64xf32, #tpu.memory_space<vmem>> -> memref<1x64x64xf32, #tpu.memory_space<vmem>>
        %dma_wait3A_1070 = tpu.memref_squeeze %dma_wait3A_1069 : memref<1x64x64xf32, #tpu.memory_space<vmem>> -> memref<64x64xf32, #tpu.memory_space<vmem>>
        %dma_wait3A_1071 = arith.constant 64 : i32
        %dma_wait3A_1072 = tpu.memref_slice %arg5[%add3A_954, %dma_wait3A_1071] : memref<163840x128xf32, #tpu.memory_space<hbm>> -> memref<64x64xf32, #tpu.memory_space<hbm>>
        %dma_wait3A_1073 = arith.constant 64 : i32
        %dma_wait3A_1074 = tpu.memref_slice %arg5[%add3A_954, %dma_wait3A_1073] : memref<163840x128xf32, #tpu.memory_space<hbm>> -> memref<64x64xf32, #tpu.memory_space<hbm>>
        %dma_wait3A_1075 = arith.constant 0 : i32
        %dma_wait3A_1076 = arith.constant 0 : i32
        %dma_wait3A_1077 = tpu.memref_slice %arg9[%run_scoped3A_956, %dma_wait3A_1075, %dma_wait3A_1076] : memref<8x64x64xf32, #tpu.memory_space<vmem>> -> memref<1x64x64xf32, #tpu.memory_space<vmem>>
        %dma_wait3A_1078 = tpu.memref_squeeze %dma_wait3A_1077 : memref<1x64x64xf32, #tpu.memory_space<vmem>> -> memref<64x64xf32, #tpu.memory_space<vmem>>
        tpu.wait_dma2 semaphore(%run_scoped3A_1054 : memref<!tpu.dma_semaphore, #tpu.memory_space<semaphore_mem>>) src(%dma_wait3A_1078 : memref<64x64xf32, #tpu.memory_space<vmem>>) dst(%dma_wait3A_1074 : memref<64x64xf32, #tpu.memory_space<hbm>>)
        tpu.yield
      }) : () -> ()
      %add3A_957 = arith.constant 8 : i32
      %add3A_958 = arith.addi %add3A_923, %add3A_957 : i32
      %dma_start3A_959 = arith.constant 6 : i32
      %dma_start3A_960 = arith.constant 6 : i32
      %dma_start3A_961 = arith.constant 0 : i32
      %dma_start3A_962 = arith.constant 0 : i32
      %dma_start3A_963 = tpu.memref_slice %arg8[%dma_start3A_959, %dma_start3A_961, %dma_start3A_962] : memref<8x64x64xf32, #tpu.memory_space<vmem>> -> memref<1x64x64xf32, #tpu.memory_space<vmem>>
      %dma_start3A_964 = tpu.memref_squeeze %dma_start3A_963 : memref<1x64x64xf32, #tpu.memory_space<vmem>> -> memref<64x64xf32, #tpu.memory_space<vmem>>
      %dma_start3A_965 = arith.constant 0 : i32
      %dma_start3A_966 = tpu.memref_slice %arg6[%add3A_958, %dma_start3A_965] : memref<80x64xi32, #tpu.memory_space<vmem>> -> memref<1x64xi32, #tpu.memory_space<vmem>>
      %dma_start3A_967 = tpu.memref_squeeze %dma_start3A_966 : memref<1x64xi32, #tpu.memory_space<vmem>> -> memref<64xi32, #tpu.memory_space<vmem>>
      %dma_start3A_968 = arith.constant 0 : i32
      %dma_start3A_969 = arith.constant 0 : i32
      %dma_start3A_970 = tpu.memref_slice %arg2[%dma_start3A_968, %dma_start3A_969] : memref<1000000x64xf32, #tpu.memory_space<hbm>> -> memref<1000000x64xf32, #tpu.memory_space<hbm>>
      %dma_start3A_971 = tpu.memref_slice %arg10[%dma_start3A_960] : memref<8x!tpu.dma_semaphore, #tpu.memory_space<semaphore_mem>> -> memref<1x!tpu.dma_semaphore, #tpu.memory_space<semaphore_mem>>
      %dma_start3A_972 = tpu.memref_squeeze %dma_start3A_971 : memref<1x!tpu.dma_semaphore, #tpu.memory_space<semaphore_mem>> -> memref<!tpu.dma_semaphore, #tpu.memory_space<semaphore_mem>>
      tpu.enqueue_indirect_dma source(%dma_start3A_970 : memref<1000000x64xf32, #tpu.memory_space<hbm>>) target(%dma_start3A_964 : memref<64x64xf32, #tpu.memory_space<vmem>>) offsets(%dma_start3A_967 : memref<64xi32, #tpu.memory_space<vmem>>) semaphore(%dma_start3A_972 : memref<!tpu.dma_semaphore, #tpu.memory_space<semaphore_mem>>)
      %dma_start3A_973 = arith.constant 6 : i32
      %dma_start3A_974 = arith.constant 6 : i32
      %dma_start3A_975 = arith.constant 0 : i32
      %dma_start3A_976 = arith.constant 0 : i32
      %dma_start3A_977 = tpu.memref_slice %arg9[%dma_start3A_973, %dma_start3A_975, %dma_start3A_976] : memref<8x64x64xf32, #tpu.memory_space<vmem>> -> memref<1x64x64xf32, #tpu.memory_space<vmem>>
      %dma_start3A_978 = tpu.memref_squeeze %dma_start3A_977 : memref<1x64x64xf32, #tpu.memory_space<vmem>> -> memref<64x64xf32, #tpu.memory_space<vmem>>
      %dma_start3A_979 = arith.constant 0 : i32
      %dma_start3A_980 = tpu.memref_slice %arg7[%add3A_958, %dma_start3A_979] : memref<80x64xi32, #tpu.memory_space<vmem>> -> memref<1x64xi32, #tpu.memory_space<vmem>>
      %dma_start3A_981 = tpu.memref_squeeze %dma_start3A_980 : memref<1x64xi32, #tpu.memory_space<vmem>> -> memref<64xi32, #tpu.memory_space<vmem>>
      %dma_start3A_982 = arith.constant 0 : i32
      %dma_start3A_983 = arith.constant 0 : i32
      %dma_start3A_984 = tpu.memref_slice %arg2[%dma_start3A_982, %dma_start3A_983] : memref<1000000x64xf32, #tpu.memory_space<hbm>> -> memref<1000000x64xf32, #tpu.memory_space<hbm>>
      %dma_start3A_985 = tpu.memref_slice %arg10[%dma_start3A_974] : memref<8x!tpu.dma_semaphore, #tpu.memory_space<semaphore_mem>> -> memref<1x!tpu.dma_semaphore, #tpu.memory_space<semaphore_mem>>
      %dma_start3A_986 = tpu.memref_squeeze %dma_start3A_985 : memref<1x!tpu.dma_semaphore, #tpu.memory_space<semaphore_mem>> -> memref<!tpu.dma_semaphore, #tpu.memory_space<semaphore_mem>>
      tpu.enqueue_indirect_dma source(%dma_start3A_984 : memref<1000000x64xf32, #tpu.memory_space<hbm>>) target(%dma_start3A_978 : memref<64x64xf32, #tpu.memory_space<vmem>>) offsets(%dma_start3A_981 : memref<64xi32, #tpu.memory_space<vmem>>) semaphore(%dma_start3A_986 : memref<!tpu.dma_semaphore, #tpu.memory_space<semaphore_mem>>)
      %mul3A_987 = arith.constant 8 : i32
      %mul3A_988 = arith.muli %scan3A_517, %mul3A_987 : i32
      %add3A_989 = arith.constant 7 : i32
      %add3A_990 = arith.addi %mul3A_988, %add3A_989 : i32
      %dma_wait3A_991 = arith.constant 7 : i32
      %dma_wait3A_992 = arith.constant 7 : i32
      %dma_wait3A_993 = arith.constant 0 : i32
      %dma_wait3A_994 = arith.constant 0 : i32
      %dma_wait3A_995 = tpu.memref_slice %arg8[%dma_wait3A_991, %dma_wait3A_993, %dma_wait3A_994] : memref<8x64x64xf32, #tpu.memory_space<vmem>> -> memref<1x64x64xf32, #tpu.memory_space<vmem>>
      %dma_wait3A_996 = tpu.memref_squeeze %dma_wait3A_995 : memref<1x64x64xf32, #tpu.memory_space<vmem>> -> memref<64x64xf32, #tpu.memory_space<vmem>>
      %dma_wait3A_997 = arith.constant 0 : i32
      %dma_wait3A_998 = tpu.memref_slice %arg6[%add3A_990, %dma_wait3A_997] : memref<80x64xi32, #tpu.memory_space<vmem>> -> memref<1x64xi32, #tpu.memory_space<vmem>>
      %dma_wait3A_999 = tpu.memref_squeeze %dma_wait3A_998 : memref<1x64xi32, #tpu.memory_space<vmem>> -> memref<64xi32, #tpu.memory_space<vmem>>
      %dma_wait3A_1000 = arith.constant 0 : i32
      %dma_wait3A_1001 = arith.constant 0 : i32
      %dma_wait3A_1002 = tpu.memref_slice %arg2[%dma_wait3A_1000, %dma_wait3A_1001] : memref<1000000x64xf32, #tpu.memory_space<hbm>> -> memref<1000000x64xf32, #tpu.memory_space<hbm>>
      %dma_wait3A_1003 = tpu.memref_slice %arg10[%dma_wait3A_992] : memref<8x!tpu.dma_semaphore, #tpu.memory_space<semaphore_mem>> -> memref<1x!tpu.dma_semaphore, #tpu.memory_space<semaphore_mem>>
      %dma_wait3A_1004 = tpu.memref_squeeze %dma_wait3A_1003 : memref<1x!tpu.dma_semaphore, #tpu.memory_space<semaphore_mem>> -> memref<!tpu.dma_semaphore, #tpu.memory_space<semaphore_mem>>
      tpu.wait_indirect_dma semaphore(%dma_wait3A_1004 : memref<!tpu.dma_semaphore, #tpu.memory_space<semaphore_mem>>) src(%dma_wait3A_1002 : memref<1000000x64xf32, #tpu.memory_space<hbm>>) dst(%dma_wait3A_996 : memref<64x64xf32, #tpu.memory_space<vmem>>)
      %dma_wait3A_1005 = arith.constant 7 : i32
      %dma_wait3A_1006 = arith.constant 7 : i32
      %dma_wait3A_1007 = arith.constant 0 : i32
      %dma_wait3A_1008 = arith.constant 0 : i32
      %dma_wait3A_1009 = tpu.memref_slice %arg9[%dma_wait3A_1005, %dma_wait3A_1007, %dma_wait3A_1008] : memref<8x64x64xf32, #tpu.memory_space<vmem>> -> memref<1x64x64xf32, #tpu.memory_space<vmem>>
      %dma_wait3A_1010 = tpu.memref_squeeze %dma_wait3A_1009 : memref<1x64x64xf32, #tpu.memory_space<vmem>> -> memref<64x64xf32, #tpu.memory_space<vmem>>
      %dma_wait3A_1011 = arith.constant 0 : i32
      %dma_wait3A_1012 = tpu.memref_slice %arg7[%add3A_990, %dma_wait3A_1011] : memref<80x64xi32, #tpu.memory_space<vmem>> -> memref<1x64xi32, #tpu.memory_space<vmem>>
      %dma_wait3A_1013 = tpu.memref_squeeze %dma_wait3A_1012 : memref<1x64xi32, #tpu.memory_space<vmem>> -> memref<64xi32, #tpu.memory_space<vmem>>
      %dma_wait3A_1014 = arith.constant 0 : i32
      %dma_wait3A_1015 = arith.constant 0 : i32
      %dma_wait3A_1016 = tpu.memref_slice %arg2[%dma_wait3A_1014, %dma_wait3A_1015] : memref<1000000x64xf32, #tpu.memory_space<hbm>> -> memref<1000000x64xf32, #tpu.memory_space<hbm>>
      %dma_wait3A_1017 = tpu.memref_slice %arg10[%dma_wait3A_1006] : memref<8x!tpu.dma_semaphore, #tpu.memory_space<semaphore_mem>> -> memref<1x!tpu.dma_semaphore, #tpu.memory_space<semaphore_mem>>
      %dma_wait3A_1018 = tpu.memref_squeeze %dma_wait3A_1017 : memref<1x!tpu.dma_semaphore, #tpu.memory_space<semaphore_mem>> -> memref<!tpu.dma_semaphore, #tpu.memory_space<semaphore_mem>>
      tpu.wait_indirect_dma semaphore(%dma_wait3A_1018 : memref<!tpu.dma_semaphore, #tpu.memory_space<semaphore_mem>>) src(%dma_wait3A_1016 : memref<1000000x64xf32, #tpu.memory_space<hbm>>) dst(%dma_wait3A_1010 : memref<64x64xf32, #tpu.memory_space<vmem>>)
      %mul3A_1019 = arith.constant 64 : i32
      %mul3A_1020 = arith.muli %add3A_990, %mul3A_1019 : i32
      %add3A_1021 = arith.addi %mul3A_2, %mul3A_1020 : i32
      %run_scoped3A_1022 = arith.constant 7 : i32
      "tpu.region"() ({
        %run_scoped3A_1054 = tpu.sem_alloc : memref<!tpu.dma_semaphore, #tpu.memory_space<semaphore_mem>>
        %dma_start3A_1055 = arith.constant 0 : i32
        %dma_start3A_1056 = arith.constant 0 : i32
        %dma_start3A_1057 = tpu.memref_slice %arg8[%run_scoped3A_1022, %dma_start3A_1055, %dma_start3A_1056] : memref<8x64x64xf32, #tpu.memory_space<vmem>> -> memref<1x64x64xf32, #tpu.memory_space<vmem>>
        %dma_start3A_1058 = tpu.memref_squeeze %dma_start3A_1057 : memref<1x64x64xf32, #tpu.memory_space<vmem>> -> memref<64x64xf32, #tpu.memory_space<vmem>>
        %dma_start3A_1059 = arith.constant 0 : i32
        %dma_start3A_1060 = tpu.memref_slice %arg5[%add3A_1021, %dma_start3A_1059] : memref<163840x128xf32, #tpu.memory_space<hbm>> -> memref<64x64xf32, #tpu.memory_space<hbm>>
        %dma_start3A_1061 = arith.constant 0 : i32
        %dma_start3A_1062 = tpu.memref_slice %arg5[%add3A_1021, %dma_start3A_1061] : memref<163840x128xf32, #tpu.memory_space<hbm>> -> memref<64x64xf32, #tpu.memory_space<hbm>>
        %dma_start3A_1063 = arith.constant 0 : i32
        %dma_start3A_1064 = arith.constant 0 : i32
        %dma_start3A_1065 = tpu.memref_slice %arg8[%run_scoped3A_1022, %dma_start3A_1063, %dma_start3A_1064] : memref<8x64x64xf32, #tpu.memory_space<vmem>> -> memref<1x64x64xf32, #tpu.memory_space<vmem>>
        %dma_start3A_1066 = tpu.memref_squeeze %dma_start3A_1065 : memref<1x64x64xf32, #tpu.memory_space<vmem>> -> memref<64x64xf32, #tpu.memory_space<vmem>>
        tpu.enqueue_dma source(%dma_start3A_1066 : memref<64x64xf32, #tpu.memory_space<vmem>>) target(%dma_start3A_1062 : memref<64x64xf32, #tpu.memory_space<hbm>>) target_semaphore(%run_scoped3A_1054 : memref<!tpu.dma_semaphore, #tpu.memory_space<semaphore_mem>>)
        %dma_wait3A_1067 = arith.constant 0 : i32
        %dma_wait3A_1068 = arith.constant 0 : i32
        %dma_wait3A_1069 = tpu.memref_slice %arg8[%run_scoped3A_1022, %dma_wait3A_1067, %dma_wait3A_1068] : memref<8x64x64xf32, #tpu.memory_space<vmem>> -> memref<1x64x64xf32, #tpu.memory_space<vmem>>
        %dma_wait3A_1070 = tpu.memref_squeeze %dma_wait3A_1069 : memref<1x64x64xf32, #tpu.memory_space<vmem>> -> memref<64x64xf32, #tpu.memory_space<vmem>>
        %dma_wait3A_1071 = arith.constant 0 : i32
        %dma_wait3A_1072 = tpu.memref_slice %arg5[%add3A_1021, %dma_wait3A_1071] : memref<163840x128xf32, #tpu.memory_space<hbm>> -> memref<64x64xf32, #tpu.memory_space<hbm>>
        %dma_wait3A_1073 = arith.constant 0 : i32
        %dma_wait3A_1074 = tpu.memref_slice %arg5[%add3A_1021, %dma_wait3A_1073] : memref<163840x128xf32, #tpu.memory_space<hbm>> -> memref<64x64xf32, #tpu.memory_space<hbm>>
        %dma_wait3A_1075 = arith.constant 0 : i32
        %dma_wait3A_1076 = arith.constant 0 : i32
        %dma_wait3A_1077 = tpu.memref_slice %arg8[%run_scoped3A_1022, %dma_wait3A_1075, %dma_wait3A_1076] : memref<8x64x64xf32, #tpu.memory_space<vmem>> -> memref<1x64x64xf32, #tpu.memory_space<vmem>>
        %dma_wait3A_1078 = tpu.memref_squeeze %dma_wait3A_1077 : memref<1x64x64xf32, #tpu.memory_space<vmem>> -> memref<64x64xf32, #tpu.memory_space<vmem>>
        tpu.wait_dma2 semaphore(%run_scoped3A_1054 : memref<!tpu.dma_semaphore, #tpu.memory_space<semaphore_mem>>) src(%dma_wait3A_1078 : memref<64x64xf32, #tpu.memory_space<vmem>>) dst(%dma_wait3A_1074 : memref<64x64xf32, #tpu.memory_space<hbm>>)
        tpu.yield
      }) : () -> ()
      %run_scoped3A_1023 = arith.constant 7 : i32
      "tpu.region"() ({
        %run_scoped3A_1054 = tpu.sem_alloc : memref<!tpu.dma_semaphore, #tpu.memory_space<semaphore_mem>>
        %dma_start3A_1055 = arith.constant 0 : i32
        %dma_start3A_1056 = arith.constant 0 : i32
        %dma_start3A_1057 = tpu.memref_slice %arg9[%run_scoped3A_1023, %dma_start3A_1055, %dma_start3A_1056] : memref<8x64x64xf32, #tpu.memory_space<vmem>> -> memref<1x64x64xf32, #tpu.memory_space<vmem>>
        %dma_start3A_1058 = tpu.memref_squeeze %dma_start3A_1057 : memref<1x64x64xf32, #tpu.memory_space<vmem>> -> memref<64x64xf32, #tpu.memory_space<vmem>>
        %dma_start3A_1059 = arith.constant 64 : i32
        %dma_start3A_1060 = tpu.memref_slice %arg5[%add3A_1021, %dma_start3A_1059] : memref<163840x128xf32, #tpu.memory_space<hbm>> -> memref<64x64xf32, #tpu.memory_space<hbm>>
        %dma_start3A_1061 = arith.constant 64 : i32
        %dma_start3A_1062 = tpu.memref_slice %arg5[%add3A_1021, %dma_start3A_1061] : memref<163840x128xf32, #tpu.memory_space<hbm>> -> memref<64x64xf32, #tpu.memory_space<hbm>>
        %dma_start3A_1063 = arith.constant 0 : i32
        %dma_start3A_1064 = arith.constant 0 : i32
        %dma_start3A_1065 = tpu.memref_slice %arg9[%run_scoped3A_1023, %dma_start3A_1063, %dma_start3A_1064] : memref<8x64x64xf32, #tpu.memory_space<vmem>> -> memref<1x64x64xf32, #tpu.memory_space<vmem>>
        %dma_start3A_1066 = tpu.memref_squeeze %dma_start3A_1065 : memref<1x64x64xf32, #tpu.memory_space<vmem>> -> memref<64x64xf32, #tpu.memory_space<vmem>>
        tpu.enqueue_dma source(%dma_start3A_1066 : memref<64x64xf32, #tpu.memory_space<vmem>>) target(%dma_start3A_1062 : memref<64x64xf32, #tpu.memory_space<hbm>>) target_semaphore(%run_scoped3A_1054 : memref<!tpu.dma_semaphore, #tpu.memory_space<semaphore_mem>>)
        %dma_wait3A_1067 = arith.constant 0 : i32
        %dma_wait3A_1068 = arith.constant 0 : i32
        %dma_wait3A_1069 = tpu.memref_slice %arg9[%run_scoped3A_1023, %dma_wait3A_1067, %dma_wait3A_1068] : memref<8x64x64xf32, #tpu.memory_space<vmem>> -> memref<1x64x64xf32, #tpu.memory_space<vmem>>
        %dma_wait3A_1070 = tpu.memref_squeeze %dma_wait3A_1069 : memref<1x64x64xf32, #tpu.memory_space<vmem>> -> memref<64x64xf32, #tpu.memory_space<vmem>>
        %dma_wait3A_1071 = arith.constant 64 : i32
        %dma_wait3A_1072 = tpu.memref_slice %arg5[%add3A_1021, %dma_wait3A_1071] : memref<163840x128xf32, #tpu.memory_space<hbm>> -> memref<64x64xf32, #tpu.memory_space<hbm>>
        %dma_wait3A_1073 = arith.constant 64 : i32
        %dma_wait3A_1074 = tpu.memref_slice %arg5[%add3A_1021, %dma_wait3A_1073] : memref<163840x128xf32, #tpu.memory_space<hbm>> -> memref<64x64xf32, #tpu.memory_space<hbm>>
        %dma_wait3A_1075 = arith.constant 0 : i32
        %dma_wait3A_1076 = arith.constant 0 : i32
        %dma_wait3A_1077 = tpu.memref_slice %arg9[%run_scoped3A_1023, %dma_wait3A_1075, %dma_wait3A_1076] : memref<8x64x64xf32, #tpu.memory_space<vmem>> -> memref<1x64x64xf32, #tpu.memory_space<vmem>>
        %dma_wait3A_1078 = tpu.memref_squeeze %dma_wait3A_1077 : memref<1x64x64xf32, #tpu.memory_space<vmem>> -> memref<64x64xf32, #tpu.memory_space<vmem>>
        tpu.wait_dma2 semaphore(%run_scoped3A_1054 : memref<!tpu.dma_semaphore, #tpu.memory_space<semaphore_mem>>) src(%dma_wait3A_1078 : memref<64x64xf32, #tpu.memory_space<vmem>>) dst(%dma_wait3A_1074 : memref<64x64xf32, #tpu.memory_space<hbm>>)
        tpu.yield
      }) : () -> ()
      %add3A_1024 = arith.constant 8 : i32
      %add3A_1025 = arith.addi %add3A_990, %add3A_1024 : i32
      %dma_start3A_1026 = arith.constant 7 : i32
      %dma_start3A_1027 = arith.constant 7 : i32
      %dma_start3A_1028 = arith.constant 0 : i32
      %dma_start3A_1029 = arith.constant 0 : i32
      %dma_start3A_1030 = tpu.memref_slice %arg8[%dma_start3A_1026, %dma_start3A_1028, %dma_start3A_1029] : memref<8x64x64xf32, #tpu.memory_space<vmem>> -> memref<1x64x64xf32, #tpu.memory_space<vmem>>
      %dma_start3A_1031 = tpu.memref_squeeze %dma_start3A_1030 : memref<1x64x64xf32, #tpu.memory_space<vmem>> -> memref<64x64xf32, #tpu.memory_space<vmem>>
      %dma_start3A_1032 = arith.constant 0 : i32
      %dma_start3A_1033 = tpu.memref_slice %arg6[%add3A_1025, %dma_start3A_1032] : memref<80x64xi32, #tpu.memory_space<vmem>> -> memref<1x64xi32, #tpu.memory_space<vmem>>
      %dma_start3A_1034 = tpu.memref_squeeze %dma_start3A_1033 : memref<1x64xi32, #tpu.memory_space<vmem>> -> memref<64xi32, #tpu.memory_space<vmem>>
      %dma_start3A_1035 = arith.constant 0 : i32
      %dma_start3A_1036 = arith.constant 0 : i32
      %dma_start3A_1037 = tpu.memref_slice %arg2[%dma_start3A_1035, %dma_start3A_1036] : memref<1000000x64xf32, #tpu.memory_space<hbm>> -> memref<1000000x64xf32, #tpu.memory_space<hbm>>
      %dma_start3A_1038 = tpu.memref_slice %arg10[%dma_start3A_1027] : memref<8x!tpu.dma_semaphore, #tpu.memory_space<semaphore_mem>> -> memref<1x!tpu.dma_semaphore, #tpu.memory_space<semaphore_mem>>
      %dma_start3A_1039 = tpu.memref_squeeze %dma_start3A_1038 : memref<1x!tpu.dma_semaphore, #tpu.memory_space<semaphore_mem>> -> memref<!tpu.dma_semaphore, #tpu.memory_space<semaphore_mem>>
      tpu.enqueue_indirect_dma source(%dma_start3A_1037 : memref<1000000x64xf32, #tpu.memory_space<hbm>>) target(%dma_start3A_1031 : memref<64x64xf32, #tpu.memory_space<vmem>>) offsets(%dma_start3A_1034 : memref<64xi32, #tpu.memory_space<vmem>>) semaphore(%dma_start3A_1039 : memref<!tpu.dma_semaphore, #tpu.memory_space<semaphore_mem>>)
      %dma_start3A_1040 = arith.constant 7 : i32
      %dma_start3A_1041 = arith.constant 7 : i32
      %dma_start3A_1042 = arith.constant 0 : i32
      %dma_start3A_1043 = arith.constant 0 : i32
      %dma_start3A_1044 = tpu.memref_slice %arg9[%dma_start3A_1040, %dma_start3A_1042, %dma_start3A_1043] : memref<8x64x64xf32, #tpu.memory_space<vmem>> -> memref<1x64x64xf32, #tpu.memory_space<vmem>>
      %dma_start3A_1045 = tpu.memref_squeeze %dma_start3A_1044 : memref<1x64x64xf32, #tpu.memory_space<vmem>> -> memref<64x64xf32, #tpu.memory_space<vmem>>
      %dma_start3A_1046 = arith.constant 0 : i32
      %dma_start3A_1047 = tpu.memref_slice %arg7[%add3A_1025, %dma_start3A_1046] : memref<80x64xi32, #tpu.memory_space<vmem>> -> memref<1x64xi32, #tpu.memory_space<vmem>>
      %dma_start3A_1048 = tpu.memref_squeeze %dma_start3A_1047 : memref<1x64xi32, #tpu.memory_space<vmem>> -> memref<64xi32, #tpu.memory_space<vmem>>
      %dma_start3A_1049 = arith.constant 0 : i32
      %dma_start3A_1050 = arith.constant 0 : i32
      %dma_start3A_1051 = tpu.memref_slice %arg2[%dma_start3A_1049, %dma_start3A_1050] : memref<1000000x64xf32, #tpu.memory_space<hbm>> -> memref<1000000x64xf32, #tpu.memory_space<hbm>>
      %dma_start3A_1052 = tpu.memref_slice %arg10[%dma_start3A_1041] : memref<8x!tpu.dma_semaphore, #tpu.memory_space<semaphore_mem>> -> memref<1x!tpu.dma_semaphore, #tpu.memory_space<semaphore_mem>>
      %dma_start3A_1053 = tpu.memref_squeeze %dma_start3A_1052 : memref<1x!tpu.dma_semaphore, #tpu.memory_space<semaphore_mem>> -> memref<!tpu.dma_semaphore, #tpu.memory_space<semaphore_mem>>
      tpu.enqueue_indirect_dma source(%dma_start3A_1051 : memref<1000000x64xf32, #tpu.memory_space<hbm>>) target(%dma_start3A_1045 : memref<64x64xf32, #tpu.memory_space<vmem>>) offsets(%dma_start3A_1048 : memref<64xi32, #tpu.memory_space<vmem>>) semaphore(%dma_start3A_1053 : memref<!tpu.dma_semaphore, #tpu.memory_space<semaphore_mem>>)
    }
    %scan3A_246 = arith.constant 9 : i32
    %dma_wait3A = arith.constant 72 : i32
    %dma_wait3A_247 = arith.constant 0 : i32
    %dma_wait3A_248 = arith.constant 0 : i32
    %dma_wait3A_249 = arith.constant 0 : i32
    %dma_wait3A_250 = arith.constant 0 : i32
    %dma_wait3A_251 = tpu.memref_slice %arg8[%dma_wait3A_247, %dma_wait3A_249, %dma_wait3A_250] : memref<8x64x64xf32, #tpu.memory_space<vmem>> -> memref<1x64x64xf32, #tpu.memory_space<vmem>>
    %dma_wait3A_252 = tpu.memref_squeeze %dma_wait3A_251 : memref<1x64x64xf32, #tpu.memory_space<vmem>> -> memref<64x64xf32, #tpu.memory_space<vmem>>
    %dma_wait3A_253 = arith.constant 0 : i32
    %dma_wait3A_254 = tpu.memref_slice %arg6[%dma_wait3A, %dma_wait3A_253] : memref<80x64xi32, #tpu.memory_space<vmem>> -> memref<1x64xi32, #tpu.memory_space<vmem>>
    %dma_wait3A_255 = tpu.memref_squeeze %dma_wait3A_254 : memref<1x64xi32, #tpu.memory_space<vmem>> -> memref<64xi32, #tpu.memory_space<vmem>>
    %dma_wait3A_256 = arith.constant 0 : i32
    %dma_wait3A_257 = arith.constant 0 : i32
    %dma_wait3A_258 = tpu.memref_slice %arg2[%dma_wait3A_256, %dma_wait3A_257] : memref<1000000x64xf32, #tpu.memory_space<hbm>> -> memref<1000000x64xf32, #tpu.memory_space<hbm>>
    %dma_wait3A_259 = tpu.memref_slice %arg10[%dma_wait3A_248] : memref<8x!tpu.dma_semaphore, #tpu.memory_space<semaphore_mem>> -> memref<1x!tpu.dma_semaphore, #tpu.memory_space<semaphore_mem>>
    %dma_wait3A_260 = tpu.memref_squeeze %dma_wait3A_259 : memref<1x!tpu.dma_semaphore, #tpu.memory_space<semaphore_mem>> -> memref<!tpu.dma_semaphore, #tpu.memory_space<semaphore_mem>>
    tpu.wait_indirect_dma semaphore(%dma_wait3A_260 : memref<!tpu.dma_semaphore, #tpu.memory_space<semaphore_mem>>) src(%dma_wait3A_258 : memref<1000000x64xf32, #tpu.memory_space<hbm>>) dst(%dma_wait3A_252 : memref<64x64xf32, #tpu.memory_space<vmem>>)
    %dma_wait3A_261 = arith.constant 72 : i32
    %dma_wait3A_262 = arith.constant 0 : i32
    %dma_wait3A_263 = arith.constant 0 : i32
    %dma_wait3A_264 = arith.constant 0 : i32
    %dma_wait3A_265 = arith.constant 0 : i32
    %dma_wait3A_266 = tpu.memref_slice %arg9[%dma_wait3A_262, %dma_wait3A_264, %dma_wait3A_265] : memref<8x64x64xf32, #tpu.memory_space<vmem>> -> memref<1x64x64xf32, #tpu.memory_space<vmem>>
    %dma_wait3A_267 = tpu.memref_squeeze %dma_wait3A_266 : memref<1x64x64xf32, #tpu.memory_space<vmem>> -> memref<64x64xf32, #tpu.memory_space<vmem>>
    %dma_wait3A_268 = arith.constant 0 : i32
    %dma_wait3A_269 = tpu.memref_slice %arg7[%dma_wait3A_261, %dma_wait3A_268] : memref<80x64xi32, #tpu.memory_space<vmem>> -> memref<1x64xi32, #tpu.memory_space<vmem>>
    %dma_wait3A_270 = tpu.memref_squeeze %dma_wait3A_269 : memref<1x64xi32, #tpu.memory_space<vmem>> -> memref<64xi32, #tpu.memory_space<vmem>>
    %dma_wait3A_271 = arith.constant 0 : i32
    %dma_wait3A_272 = arith.constant 0 : i32
    %dma_wait3A_273 = tpu.memref_slice %arg2[%dma_wait3A_271, %dma_wait3A_272] : memref<1000000x64xf32, #tpu.memory_space<hbm>> -> memref<1000000x64xf32, #tpu.memory_space<hbm>>
    %dma_wait3A_274 = tpu.memref_slice %arg10[%dma_wait3A_263] : memref<8x!tpu.dma_semaphore, #tpu.memory_space<semaphore_mem>> -> memref<1x!tpu.dma_semaphore, #tpu.memory_space<semaphore_mem>>
    %dma_wait3A_275 = tpu.memref_squeeze %dma_wait3A_274 : memref<1x!tpu.dma_semaphore, #tpu.memory_space<semaphore_mem>> -> memref<!tpu.dma_semaphore, #tpu.memory_space<semaphore_mem>>
    tpu.wait_indirect_dma semaphore(%dma_wait3A_275 : memref<!tpu.dma_semaphore, #tpu.memory_space<semaphore_mem>>) src(%dma_wait3A_273 : memref<1000000x64xf32, #tpu.memory_space<hbm>>) dst(%dma_wait3A_267 : memref<64x64xf32, #tpu.memory_space<vmem>>)
    %add3A_276 = arith.constant 4608 : i32
    %add3A_277 = arith.addi %mul3A_2, %add3A_276 : i32
    %run_scoped3A = arith.constant 0 : i32
    "tpu.region"() ({
      %run_scoped3A_517 = tpu.sem_alloc : memref<!tpu.dma_semaphore, #tpu.memory_space<semaphore_mem>>
      %dma_start3A_518 = arith.constant 0 : i32
      %dma_start3A_519 = arith.constant 0 : i32
      %dma_start3A_520 = tpu.memref_slice %arg8[%run_scoped3A, %dma_start3A_518, %dma_start3A_519] : memref<8x64x64xf32, #tpu.memory_space<vmem>> -> memref<1x64x64xf32, #tpu.memory_space<vmem>>
      %dma_start3A_521 = tpu.memref_squeeze %dma_start3A_520 : memref<1x64x64xf32, #tpu.memory_space<vmem>> -> memref<64x64xf32, #tpu.memory_space<vmem>>
      %dma_start3A_522 = arith.constant 0 : i32
      %dma_start3A_523 = tpu.memref_slice %arg5[%add3A_277, %dma_start3A_522] : memref<163840x128xf32, #tpu.memory_space<hbm>> -> memref<64x64xf32, #tpu.memory_space<hbm>>
      %dma_start3A_524 = arith.constant 0 : i32
      %dma_start3A_525 = tpu.memref_slice %arg5[%add3A_277, %dma_start3A_524] : memref<163840x128xf32, #tpu.memory_space<hbm>> -> memref<64x64xf32, #tpu.memory_space<hbm>>
      %dma_start3A_526 = arith.constant 0 : i32
      %dma_start3A_527 = arith.constant 0 : i32
      %dma_start3A_528 = tpu.memref_slice %arg8[%run_scoped3A, %dma_start3A_526, %dma_start3A_527] : memref<8x64x64xf32, #tpu.memory_space<vmem>> -> memref<1x64x64xf32, #tpu.memory_space<vmem>>
      %dma_start3A_529 = tpu.memref_squeeze %dma_start3A_528 : memref<1x64x64xf32, #tpu.memory_space<vmem>> -> memref<64x64xf32, #tpu.memory_space<vmem>>
      tpu.enqueue_dma source(%dma_start3A_529 : memref<64x64xf32, #tpu.memory_space<vmem>>) target(%dma_start3A_525 : memref<64x64xf32, #tpu.memory_space<hbm>>) target_semaphore(%run_scoped3A_517 : memref<!tpu.dma_semaphore, #tpu.memory_space<semaphore_mem>>)
      %dma_wait3A_530 = arith.constant 0 : i32
      %dma_wait3A_531 = arith.constant 0 : i32
      %dma_wait3A_532 = tpu.memref_slice %arg8[%run_scoped3A, %dma_wait3A_530, %dma_wait3A_531] : memref<8x64x64xf32, #tpu.memory_space<vmem>> -> memref<1x64x64xf32, #tpu.memory_space<vmem>>
      %dma_wait3A_533 = tpu.memref_squeeze %dma_wait3A_532 : memref<1x64x64xf32, #tpu.memory_space<vmem>> -> memref<64x64xf32, #tpu.memory_space<vmem>>
      %dma_wait3A_534 = arith.constant 0 : i32
      %dma_wait3A_535 = tpu.memref_slice %arg5[%add3A_277, %dma_wait3A_534] : memref<163840x128xf32, #tpu.memory_space<hbm>> -> memref<64x64xf32, #tpu.memory_space<hbm>>
      %dma_wait3A_536 = arith.constant 0 : i32
      %dma_wait3A_537 = tpu.memref_slice %arg5[%add3A_277, %dma_wait3A_536] : memref<163840x128xf32, #tpu.memory_space<hbm>> -> memref<64x64xf32, #tpu.memory_space<hbm>>
      %dma_wait3A_538 = arith.constant 0 : i32
      %dma_wait3A_539 = arith.constant 0 : i32
      %dma_wait3A_540 = tpu.memref_slice %arg8[%run_scoped3A, %dma_wait3A_538, %dma_wait3A_539] : memref<8x64x64xf32, #tpu.memory_space<vmem>> -> memref<1x64x64xf32, #tpu.memory_space<vmem>>
      %dma_wait3A_541 = tpu.memref_squeeze %dma_wait3A_540 : memref<1x64x64xf32, #tpu.memory_space<vmem>> -> memref<64x64xf32, #tpu.memory_space<vmem>>
      tpu.wait_dma2 semaphore(%run_scoped3A_517 : memref<!tpu.dma_semaphore, #tpu.memory_space<semaphore_mem>>) src(%dma_wait3A_541 : memref<64x64xf32, #tpu.memory_space<vmem>>) dst(%dma_wait3A_537 : memref<64x64xf32, #tpu.memory_space<hbm>>)
      tpu.yield
    }) : () -> ()
    %run_scoped3A_278 = arith.constant 0 : i32
    "tpu.region"() ({
      %run_scoped3A_517 = tpu.sem_alloc : memref<!tpu.dma_semaphore, #tpu.memory_space<semaphore_mem>>
      %dma_start3A_518 = arith.constant 0 : i32
      %dma_start3A_519 = arith.constant 0 : i32
      %dma_start3A_520 = tpu.memref_slice %arg9[%run_scoped3A_278, %dma_start3A_518, %dma_start3A_519] : memref<8x64x64xf32, #tpu.memory_space<vmem>> -> memref<1x64x64xf32, #tpu.memory_space<vmem>>
      %dma_start3A_521 = tpu.memref_squeeze %dma_start3A_520 : memref<1x64x64xf32, #tpu.memory_space<vmem>> -> memref<64x64xf32, #tpu.memory_space<vmem>>
      %dma_start3A_522 = arith.constant 64 : i32
      %dma_start3A_523 = tpu.memref_slice %arg5[%add3A_277, %dma_start3A_522] : memref<163840x128xf32, #tpu.memory_space<hbm>> -> memref<64x64xf32, #tpu.memory_space<hbm>>
      %dma_start3A_524 = arith.constant 64 : i32
      %dma_start3A_525 = tpu.memref_slice %arg5[%add3A_277, %dma_start3A_524] : memref<163840x128xf32, #tpu.memory_space<hbm>> -> memref<64x64xf32, #tpu.memory_space<hbm>>
      %dma_start3A_526 = arith.constant 0 : i32
      %dma_start3A_527 = arith.constant 0 : i32
      %dma_start3A_528 = tpu.memref_slice %arg9[%run_scoped3A_278, %dma_start3A_526, %dma_start3A_527] : memref<8x64x64xf32, #tpu.memory_space<vmem>> -> memref<1x64x64xf32, #tpu.memory_space<vmem>>
      %dma_start3A_529 = tpu.memref_squeeze %dma_start3A_528 : memref<1x64x64xf32, #tpu.memory_space<vmem>> -> memref<64x64xf32, #tpu.memory_space<vmem>>
      tpu.enqueue_dma source(%dma_start3A_529 : memref<64x64xf32, #tpu.memory_space<vmem>>) target(%dma_start3A_525 : memref<64x64xf32, #tpu.memory_space<hbm>>) target_semaphore(%run_scoped3A_517 : memref<!tpu.dma_semaphore, #tpu.memory_space<semaphore_mem>>)
      %dma_wait3A_530 = arith.constant 0 : i32
      %dma_wait3A_531 = arith.constant 0 : i32
      %dma_wait3A_532 = tpu.memref_slice %arg9[%run_scoped3A_278, %dma_wait3A_530, %dma_wait3A_531] : memref<8x64x64xf32, #tpu.memory_space<vmem>> -> memref<1x64x64xf32, #tpu.memory_space<vmem>>
      %dma_wait3A_533 = tpu.memref_squeeze %dma_wait3A_532 : memref<1x64x64xf32, #tpu.memory_space<vmem>> -> memref<64x64xf32, #tpu.memory_space<vmem>>
      %dma_wait3A_534 = arith.constant 64 : i32
      %dma_wait3A_535 = tpu.memref_slice %arg5[%add3A_277, %dma_wait3A_534] : memref<163840x128xf32, #tpu.memory_space<hbm>> -> memref<64x64xf32, #tpu.memory_space<hbm>>
      %dma_wait3A_536 = arith.constant 64 : i32
      %dma_wait3A_537 = tpu.memref_slice %arg5[%add3A_277, %dma_wait3A_536] : memref<163840x128xf32, #tpu.memory_space<hbm>> -> memref<64x64xf32, #tpu.memory_space<hbm>>
      %dma_wait3A_538 = arith.constant 0 : i32
      %dma_wait3A_539 = arith.constant 0 : i32
      %dma_wait3A_540 = tpu.memref_slice %arg9[%run_scoped3A_278, %dma_wait3A_538, %dma_wait3A_539] : memref<8x64x64xf32, #tpu.memory_space<vmem>> -> memref<1x64x64xf32, #tpu.memory_space<vmem>>
      %dma_wait3A_541 = tpu.memref_squeeze %dma_wait3A_540 : memref<1x64x64xf32, #tpu.memory_space<vmem>> -> memref<64x64xf32, #tpu.memory_space<vmem>>
      tpu.wait_dma2 semaphore(%run_scoped3A_517 : memref<!tpu.dma_semaphore, #tpu.memory_space<semaphore_mem>>) src(%dma_wait3A_541 : memref<64x64xf32, #tpu.memory_space<vmem>>) dst(%dma_wait3A_537 : memref<64x64xf32, #tpu.memory_space<hbm>>)
      tpu.yield
    }) : () -> ()
    %dma_wait3A_279 = arith.constant 73 : i32
    %dma_wait3A_280 = arith.constant 1 : i32
    %dma_wait3A_281 = arith.constant 1 : i32
    %dma_wait3A_282 = arith.constant 0 : i32
    %dma_wait3A_283 = arith.constant 0 : i32
    %dma_wait3A_284 = tpu.memref_slice %arg8[%dma_wait3A_280, %dma_wait3A_282, %dma_wait3A_283] : memref<8x64x64xf32, #tpu.memory_space<vmem>> -> memref<1x64x64xf32, #tpu.memory_space<vmem>>
    %dma_wait3A_285 = tpu.memref_squeeze %dma_wait3A_284 : memref<1x64x64xf32, #tpu.memory_space<vmem>> -> memref<64x64xf32, #tpu.memory_space<vmem>>
    %dma_wait3A_286 = arith.constant 0 : i32
    %dma_wait3A_287 = tpu.memref_slice %arg6[%dma_wait3A_279, %dma_wait3A_286] : memref<80x64xi32, #tpu.memory_space<vmem>> -> memref<1x64xi32, #tpu.memory_space<vmem>>
    %dma_wait3A_288 = tpu.memref_squeeze %dma_wait3A_287 : memref<1x64xi32, #tpu.memory_space<vmem>> -> memref<64xi32, #tpu.memory_space<vmem>>
    %dma_wait3A_289 = arith.constant 0 : i32
    %dma_wait3A_290 = arith.constant 0 : i32
    %dma_wait3A_291 = tpu.memref_slice %arg2[%dma_wait3A_289, %dma_wait3A_290] : memref<1000000x64xf32, #tpu.memory_space<hbm>> -> memref<1000000x64xf32, #tpu.memory_space<hbm>>
    %dma_wait3A_292 = tpu.memref_slice %arg10[%dma_wait3A_281] : memref<8x!tpu.dma_semaphore, #tpu.memory_space<semaphore_mem>> -> memref<1x!tpu.dma_semaphore, #tpu.memory_space<semaphore_mem>>
    %dma_wait3A_293 = tpu.memref_squeeze %dma_wait3A_292 : memref<1x!tpu.dma_semaphore, #tpu.memory_space<semaphore_mem>> -> memref<!tpu.dma_semaphore, #tpu.memory_space<semaphore_mem>>
    tpu.wait_indirect_dma semaphore(%dma_wait3A_293 : memref<!tpu.dma_semaphore, #tpu.memory_space<semaphore_mem>>) src(%dma_wait3A_291 : memref<1000000x64xf32, #tpu.memory_space<hbm>>) dst(%dma_wait3A_285 : memref<64x64xf32, #tpu.memory_space<vmem>>)
    %dma_wait3A_294 = arith.constant 73 : i32
    %dma_wait3A_295 = arith.constant 1 : i32
    %dma_wait3A_296 = arith.constant 1 : i32
    %dma_wait3A_297 = arith.constant 0 : i32
    %dma_wait3A_298 = arith.constant 0 : i32
    %dma_wait3A_299 = tpu.memref_slice %arg9[%dma_wait3A_295, %dma_wait3A_297, %dma_wait3A_298] : memref<8x64x64xf32, #tpu.memory_space<vmem>> -> memref<1x64x64xf32, #tpu.memory_space<vmem>>
    %dma_wait3A_300 = tpu.memref_squeeze %dma_wait3A_299 : memref<1x64x64xf32, #tpu.memory_space<vmem>> -> memref<64x64xf32, #tpu.memory_space<vmem>>
    %dma_wait3A_301 = arith.constant 0 : i32
    %dma_wait3A_302 = tpu.memref_slice %arg7[%dma_wait3A_294, %dma_wait3A_301] : memref<80x64xi32, #tpu.memory_space<vmem>> -> memref<1x64xi32, #tpu.memory_space<vmem>>
    %dma_wait3A_303 = tpu.memref_squeeze %dma_wait3A_302 : memref<1x64xi32, #tpu.memory_space<vmem>> -> memref<64xi32, #tpu.memory_space<vmem>>
    %dma_wait3A_304 = arith.constant 0 : i32
    %dma_wait3A_305 = arith.constant 0 : i32
    %dma_wait3A_306 = tpu.memref_slice %arg2[%dma_wait3A_304, %dma_wait3A_305] : memref<1000000x64xf32, #tpu.memory_space<hbm>> -> memref<1000000x64xf32, #tpu.memory_space<hbm>>
    %dma_wait3A_307 = tpu.memref_slice %arg10[%dma_wait3A_296] : memref<8x!tpu.dma_semaphore, #tpu.memory_space<semaphore_mem>> -> memref<1x!tpu.dma_semaphore, #tpu.memory_space<semaphore_mem>>
    %dma_wait3A_308 = tpu.memref_squeeze %dma_wait3A_307 : memref<1x!tpu.dma_semaphore, #tpu.memory_space<semaphore_mem>> -> memref<!tpu.dma_semaphore, #tpu.memory_space<semaphore_mem>>
    tpu.wait_indirect_dma semaphore(%dma_wait3A_308 : memref<!tpu.dma_semaphore, #tpu.memory_space<semaphore_mem>>) src(%dma_wait3A_306 : memref<1000000x64xf32, #tpu.memory_space<hbm>>) dst(%dma_wait3A_300 : memref<64x64xf32, #tpu.memory_space<vmem>>)
    %add3A_309 = arith.constant 4672 : i32
    %add3A_310 = arith.addi %mul3A_2, %add3A_309 : i32
    %run_scoped3A_311 = arith.constant 1 : i32
    "tpu.region"() ({
      %run_scoped3A_517 = tpu.sem_alloc : memref<!tpu.dma_semaphore, #tpu.memory_space<semaphore_mem>>
      %dma_start3A_518 = arith.constant 0 : i32
      %dma_start3A_519 = arith.constant 0 : i32
      %dma_start3A_520 = tpu.memref_slice %arg8[%run_scoped3A_311, %dma_start3A_518, %dma_start3A_519] : memref<8x64x64xf32, #tpu.memory_space<vmem>> -> memref<1x64x64xf32, #tpu.memory_space<vmem>>
      %dma_start3A_521 = tpu.memref_squeeze %dma_start3A_520 : memref<1x64x64xf32, #tpu.memory_space<vmem>> -> memref<64x64xf32, #tpu.memory_space<vmem>>
      %dma_start3A_522 = arith.constant 0 : i32
      %dma_start3A_523 = tpu.memref_slice %arg5[%add3A_310, %dma_start3A_522] : memref<163840x128xf32, #tpu.memory_space<hbm>> -> memref<64x64xf32, #tpu.memory_space<hbm>>
      %dma_start3A_524 = arith.constant 0 : i32
      %dma_start3A_525 = tpu.memref_slice %arg5[%add3A_310, %dma_start3A_524] : memref<163840x128xf32, #tpu.memory_space<hbm>> -> memref<64x64xf32, #tpu.memory_space<hbm>>
      %dma_start3A_526 = arith.constant 0 : i32
      %dma_start3A_527 = arith.constant 0 : i32
      %dma_start3A_528 = tpu.memref_slice %arg8[%run_scoped3A_311, %dma_start3A_526, %dma_start3A_527] : memref<8x64x64xf32, #tpu.memory_space<vmem>> -> memref<1x64x64xf32, #tpu.memory_space<vmem>>
      %dma_start3A_529 = tpu.memref_squeeze %dma_start3A_528 : memref<1x64x64xf32, #tpu.memory_space<vmem>> -> memref<64x64xf32, #tpu.memory_space<vmem>>
      tpu.enqueue_dma source(%dma_start3A_529 : memref<64x64xf32, #tpu.memory_space<vmem>>) target(%dma_start3A_525 : memref<64x64xf32, #tpu.memory_space<hbm>>) target_semaphore(%run_scoped3A_517 : memref<!tpu.dma_semaphore, #tpu.memory_space<semaphore_mem>>)
      %dma_wait3A_530 = arith.constant 0 : i32
      %dma_wait3A_531 = arith.constant 0 : i32
      %dma_wait3A_532 = tpu.memref_slice %arg8[%run_scoped3A_311, %dma_wait3A_530, %dma_wait3A_531] : memref<8x64x64xf32, #tpu.memory_space<vmem>> -> memref<1x64x64xf32, #tpu.memory_space<vmem>>
      %dma_wait3A_533 = tpu.memref_squeeze %dma_wait3A_532 : memref<1x64x64xf32, #tpu.memory_space<vmem>> -> memref<64x64xf32, #tpu.memory_space<vmem>>
      %dma_wait3A_534 = arith.constant 0 : i32
      %dma_wait3A_535 = tpu.memref_slice %arg5[%add3A_310, %dma_wait3A_534] : memref<163840x128xf32, #tpu.memory_space<hbm>> -> memref<64x64xf32, #tpu.memory_space<hbm>>
      %dma_wait3A_536 = arith.constant 0 : i32
      %dma_wait3A_537 = tpu.memref_slice %arg5[%add3A_310, %dma_wait3A_536] : memref<163840x128xf32, #tpu.memory_space<hbm>> -> memref<64x64xf32, #tpu.memory_space<hbm>>
      %dma_wait3A_538 = arith.constant 0 : i32
      %dma_wait3A_539 = arith.constant 0 : i32
      %dma_wait3A_540 = tpu.memref_slice %arg8[%run_scoped3A_311, %dma_wait3A_538, %dma_wait3A_539] : memref<8x64x64xf32, #tpu.memory_space<vmem>> -> memref<1x64x64xf32, #tpu.memory_space<vmem>>
      %dma_wait3A_541 = tpu.memref_squeeze %dma_wait3A_540 : memref<1x64x64xf32, #tpu.memory_space<vmem>> -> memref<64x64xf32, #tpu.memory_space<vmem>>
      tpu.wait_dma2 semaphore(%run_scoped3A_517 : memref<!tpu.dma_semaphore, #tpu.memory_space<semaphore_mem>>) src(%dma_wait3A_541 : memref<64x64xf32, #tpu.memory_space<vmem>>) dst(%dma_wait3A_537 : memref<64x64xf32, #tpu.memory_space<hbm>>)
      tpu.yield
    }) : () -> ()
    %run_scoped3A_312 = arith.constant 1 : i32
    "tpu.region"() ({
      %run_scoped3A_517 = tpu.sem_alloc : memref<!tpu.dma_semaphore, #tpu.memory_space<semaphore_mem>>
      %dma_start3A_518 = arith.constant 0 : i32
      %dma_start3A_519 = arith.constant 0 : i32
      %dma_start3A_520 = tpu.memref_slice %arg9[%run_scoped3A_312, %dma_start3A_518, %dma_start3A_519] : memref<8x64x64xf32, #tpu.memory_space<vmem>> -> memref<1x64x64xf32, #tpu.memory_space<vmem>>
      %dma_start3A_521 = tpu.memref_squeeze %dma_start3A_520 : memref<1x64x64xf32, #tpu.memory_space<vmem>> -> memref<64x64xf32, #tpu.memory_space<vmem>>
      %dma_start3A_522 = arith.constant 64 : i32
      %dma_start3A_523 = tpu.memref_slice %arg5[%add3A_310, %dma_start3A_522] : memref<163840x128xf32, #tpu.memory_space<hbm>> -> memref<64x64xf32, #tpu.memory_space<hbm>>
      %dma_start3A_524 = arith.constant 64 : i32
      %dma_start3A_525 = tpu.memref_slice %arg5[%add3A_310, %dma_start3A_524] : memref<163840x128xf32, #tpu.memory_space<hbm>> -> memref<64x64xf32, #tpu.memory_space<hbm>>
      %dma_start3A_526 = arith.constant 0 : i32
      %dma_start3A_527 = arith.constant 0 : i32
      %dma_start3A_528 = tpu.memref_slice %arg9[%run_scoped3A_312, %dma_start3A_526, %dma_start3A_527] : memref<8x64x64xf32, #tpu.memory_space<vmem>> -> memref<1x64x64xf32, #tpu.memory_space<vmem>>
      %dma_start3A_529 = tpu.memref_squeeze %dma_start3A_528 : memref<1x64x64xf32, #tpu.memory_space<vmem>> -> memref<64x64xf32, #tpu.memory_space<vmem>>
      tpu.enqueue_dma source(%dma_start3A_529 : memref<64x64xf32, #tpu.memory_space<vmem>>) target(%dma_start3A_525 : memref<64x64xf32, #tpu.memory_space<hbm>>) target_semaphore(%run_scoped3A_517 : memref<!tpu.dma_semaphore, #tpu.memory_space<semaphore_mem>>)
      %dma_wait3A_530 = arith.constant 0 : i32
      %dma_wait3A_531 = arith.constant 0 : i32
      %dma_wait3A_532 = tpu.memref_slice %arg9[%run_scoped3A_312, %dma_wait3A_530, %dma_wait3A_531] : memref<8x64x64xf32, #tpu.memory_space<vmem>> -> memref<1x64x64xf32, #tpu.memory_space<vmem>>
      %dma_wait3A_533 = tpu.memref_squeeze %dma_wait3A_532 : memref<1x64x64xf32, #tpu.memory_space<vmem>> -> memref<64x64xf32, #tpu.memory_space<vmem>>
      %dma_wait3A_534 = arith.constant 64 : i32
      %dma_wait3A_535 = tpu.memref_slice %arg5[%add3A_310, %dma_wait3A_534] : memref<163840x128xf32, #tpu.memory_space<hbm>> -> memref<64x64xf32, #tpu.memory_space<hbm>>
      %dma_wait3A_536 = arith.constant 64 : i32
      %dma_wait3A_537 = tpu.memref_slice %arg5[%add3A_310, %dma_wait3A_536] : memref<163840x128xf32, #tpu.memory_space<hbm>> -> memref<64x64xf32, #tpu.memory_space<hbm>>
      %dma_wait3A_538 = arith.constant 0 : i32
      %dma_wait3A_539 = arith.constant 0 : i32
      %dma_wait3A_540 = tpu.memref_slice %arg9[%run_scoped3A_312, %dma_wait3A_538, %dma_wait3A_539] : memref<8x64x64xf32, #tpu.memory_space<vmem>> -> memref<1x64x64xf32, #tpu.memory_space<vmem>>
      %dma_wait3A_541 = tpu.memref_squeeze %dma_wait3A_540 : memref<1x64x64xf32, #tpu.memory_space<vmem>> -> memref<64x64xf32, #tpu.memory_space<vmem>>
      tpu.wait_dma2 semaphore(%run_scoped3A_517 : memref<!tpu.dma_semaphore, #tpu.memory_space<semaphore_mem>>) src(%dma_wait3A_541 : memref<64x64xf32, #tpu.memory_space<vmem>>) dst(%dma_wait3A_537 : memref<64x64xf32, #tpu.memory_space<hbm>>)
      tpu.yield
    }) : () -> ()
    %dma_wait3A_313 = arith.constant 74 : i32
    %dma_wait3A_314 = arith.constant 2 : i32
    %dma_wait3A_315 = arith.constant 2 : i32
    %dma_wait3A_316 = arith.constant 0 : i32
    %dma_wait3A_317 = arith.constant 0 : i32
    %dma_wait3A_318 = tpu.memref_slice %arg8[%dma_wait3A_314, %dma_wait3A_316, %dma_wait3A_317] : memref<8x64x64xf32, #tpu.memory_space<vmem>> -> memref<1x64x64xf32, #tpu.memory_space<vmem>>
    %dma_wait3A_319 = tpu.memref_squeeze %dma_wait3A_318 : memref<1x64x64xf32, #tpu.memory_space<vmem>> -> memref<64x64xf32, #tpu.memory_space<vmem>>
    %dma_wait3A_320 = arith.constant 0 : i32
    %dma_wait3A_321 = tpu.memref_slice %arg6[%dma_wait3A_313, %dma_wait3A_320] : memref<80x64xi32, #tpu.memory_space<vmem>> -> memref<1x64xi32, #tpu.memory_space<vmem>>
    %dma_wait3A_322 = tpu.memref_squeeze %dma_wait3A_321 : memref<1x64xi32, #tpu.memory_space<vmem>> -> memref<64xi32, #tpu.memory_space<vmem>>
    %dma_wait3A_323 = arith.constant 0 : i32
    %dma_wait3A_324 = arith.constant 0 : i32
    %dma_wait3A_325 = tpu.memref_slice %arg2[%dma_wait3A_323, %dma_wait3A_324] : memref<1000000x64xf32, #tpu.memory_space<hbm>> -> memref<1000000x64xf32, #tpu.memory_space<hbm>>
    %dma_wait3A_326 = tpu.memref_slice %arg10[%dma_wait3A_315] : memref<8x!tpu.dma_semaphore, #tpu.memory_space<semaphore_mem>> -> memref<1x!tpu.dma_semaphore, #tpu.memory_space<semaphore_mem>>
    %dma_wait3A_327 = tpu.memref_squeeze %dma_wait3A_326 : memref<1x!tpu.dma_semaphore, #tpu.memory_space<semaphore_mem>> -> memref<!tpu.dma_semaphore, #tpu.memory_space<semaphore_mem>>
    tpu.wait_indirect_dma semaphore(%dma_wait3A_327 : memref<!tpu.dma_semaphore, #tpu.memory_space<semaphore_mem>>) src(%dma_wait3A_325 : memref<1000000x64xf32, #tpu.memory_space<hbm>>) dst(%dma_wait3A_319 : memref<64x64xf32, #tpu.memory_space<vmem>>)
    %dma_wait3A_328 = arith.constant 74 : i32
    %dma_wait3A_329 = arith.constant 2 : i32
    %dma_wait3A_330 = arith.constant 2 : i32
    %dma_wait3A_331 = arith.constant 0 : i32
    %dma_wait3A_332 = arith.constant 0 : i32
    %dma_wait3A_333 = tpu.memref_slice %arg9[%dma_wait3A_329, %dma_wait3A_331, %dma_wait3A_332] : memref<8x64x64xf32, #tpu.memory_space<vmem>> -> memref<1x64x64xf32, #tpu.memory_space<vmem>>
    %dma_wait3A_334 = tpu.memref_squeeze %dma_wait3A_333 : memref<1x64x64xf32, #tpu.memory_space<vmem>> -> memref<64x64xf32, #tpu.memory_space<vmem>>
    %dma_wait3A_335 = arith.constant 0 : i32
    %dma_wait3A_336 = tpu.memref_slice %arg7[%dma_wait3A_328, %dma_wait3A_335] : memref<80x64xi32, #tpu.memory_space<vmem>> -> memref<1x64xi32, #tpu.memory_space<vmem>>
    %dma_wait3A_337 = tpu.memref_squeeze %dma_wait3A_336 : memref<1x64xi32, #tpu.memory_space<vmem>> -> memref<64xi32, #tpu.memory_space<vmem>>
    %dma_wait3A_338 = arith.constant 0 : i32
    %dma_wait3A_339 = arith.constant 0 : i32
    %dma_wait3A_340 = tpu.memref_slice %arg2[%dma_wait3A_338, %dma_wait3A_339] : memref<1000000x64xf32, #tpu.memory_space<hbm>> -> memref<1000000x64xf32, #tpu.memory_space<hbm>>
    %dma_wait3A_341 = tpu.memref_slice %arg10[%dma_wait3A_330] : memref<8x!tpu.dma_semaphore, #tpu.memory_space<semaphore_mem>> -> memref<1x!tpu.dma_semaphore, #tpu.memory_space<semaphore_mem>>
    %dma_wait3A_342 = tpu.memref_squeeze %dma_wait3A_341 : memref<1x!tpu.dma_semaphore, #tpu.memory_space<semaphore_mem>> -> memref<!tpu.dma_semaphore, #tpu.memory_space<semaphore_mem>>
    tpu.wait_indirect_dma semaphore(%dma_wait3A_342 : memref<!tpu.dma_semaphore, #tpu.memory_space<semaphore_mem>>) src(%dma_wait3A_340 : memref<1000000x64xf32, #tpu.memory_space<hbm>>) dst(%dma_wait3A_334 : memref<64x64xf32, #tpu.memory_space<vmem>>)
    %add3A_343 = arith.constant 4736 : i32
    %add3A_344 = arith.addi %mul3A_2, %add3A_343 : i32
    %run_scoped3A_345 = arith.constant 2 : i32
    "tpu.region"() ({
      %run_scoped3A_517 = tpu.sem_alloc : memref<!tpu.dma_semaphore, #tpu.memory_space<semaphore_mem>>
      %dma_start3A_518 = arith.constant 0 : i32
      %dma_start3A_519 = arith.constant 0 : i32
      %dma_start3A_520 = tpu.memref_slice %arg8[%run_scoped3A_345, %dma_start3A_518, %dma_start3A_519] : memref<8x64x64xf32, #tpu.memory_space<vmem>> -> memref<1x64x64xf32, #tpu.memory_space<vmem>>
      %dma_start3A_521 = tpu.memref_squeeze %dma_start3A_520 : memref<1x64x64xf32, #tpu.memory_space<vmem>> -> memref<64x64xf32, #tpu.memory_space<vmem>>
      %dma_start3A_522 = arith.constant 0 : i32
      %dma_start3A_523 = tpu.memref_slice %arg5[%add3A_344, %dma_start3A_522] : memref<163840x128xf32, #tpu.memory_space<hbm>> -> memref<64x64xf32, #tpu.memory_space<hbm>>
      %dma_start3A_524 = arith.constant 0 : i32
      %dma_start3A_525 = tpu.memref_slice %arg5[%add3A_344, %dma_start3A_524] : memref<163840x128xf32, #tpu.memory_space<hbm>> -> memref<64x64xf32, #tpu.memory_space<hbm>>
      %dma_start3A_526 = arith.constant 0 : i32
      %dma_start3A_527 = arith.constant 0 : i32
      %dma_start3A_528 = tpu.memref_slice %arg8[%run_scoped3A_345, %dma_start3A_526, %dma_start3A_527] : memref<8x64x64xf32, #tpu.memory_space<vmem>> -> memref<1x64x64xf32, #tpu.memory_space<vmem>>
      %dma_start3A_529 = tpu.memref_squeeze %dma_start3A_528 : memref<1x64x64xf32, #tpu.memory_space<vmem>> -> memref<64x64xf32, #tpu.memory_space<vmem>>
      tpu.enqueue_dma source(%dma_start3A_529 : memref<64x64xf32, #tpu.memory_space<vmem>>) target(%dma_start3A_525 : memref<64x64xf32, #tpu.memory_space<hbm>>) target_semaphore(%run_scoped3A_517 : memref<!tpu.dma_semaphore, #tpu.memory_space<semaphore_mem>>)
      %dma_wait3A_530 = arith.constant 0 : i32
      %dma_wait3A_531 = arith.constant 0 : i32
      %dma_wait3A_532 = tpu.memref_slice %arg8[%run_scoped3A_345, %dma_wait3A_530, %dma_wait3A_531] : memref<8x64x64xf32, #tpu.memory_space<vmem>> -> memref<1x64x64xf32, #tpu.memory_space<vmem>>
      %dma_wait3A_533 = tpu.memref_squeeze %dma_wait3A_532 : memref<1x64x64xf32, #tpu.memory_space<vmem>> -> memref<64x64xf32, #tpu.memory_space<vmem>>
      %dma_wait3A_534 = arith.constant 0 : i32
      %dma_wait3A_535 = tpu.memref_slice %arg5[%add3A_344, %dma_wait3A_534] : memref<163840x128xf32, #tpu.memory_space<hbm>> -> memref<64x64xf32, #tpu.memory_space<hbm>>
      %dma_wait3A_536 = arith.constant 0 : i32
      %dma_wait3A_537 = tpu.memref_slice %arg5[%add3A_344, %dma_wait3A_536] : memref<163840x128xf32, #tpu.memory_space<hbm>> -> memref<64x64xf32, #tpu.memory_space<hbm>>
      %dma_wait3A_538 = arith.constant 0 : i32
      %dma_wait3A_539 = arith.constant 0 : i32
      %dma_wait3A_540 = tpu.memref_slice %arg8[%run_scoped3A_345, %dma_wait3A_538, %dma_wait3A_539] : memref<8x64x64xf32, #tpu.memory_space<vmem>> -> memref<1x64x64xf32, #tpu.memory_space<vmem>>
      %dma_wait3A_541 = tpu.memref_squeeze %dma_wait3A_540 : memref<1x64x64xf32, #tpu.memory_space<vmem>> -> memref<64x64xf32, #tpu.memory_space<vmem>>
      tpu.wait_dma2 semaphore(%run_scoped3A_517 : memref<!tpu.dma_semaphore, #tpu.memory_space<semaphore_mem>>) src(%dma_wait3A_541 : memref<64x64xf32, #tpu.memory_space<vmem>>) dst(%dma_wait3A_537 : memref<64x64xf32, #tpu.memory_space<hbm>>)
      tpu.yield
    }) : () -> ()
    %run_scoped3A_346 = arith.constant 2 : i32
    "tpu.region"() ({
      %run_scoped3A_517 = tpu.sem_alloc : memref<!tpu.dma_semaphore, #tpu.memory_space<semaphore_mem>>
      %dma_start3A_518 = arith.constant 0 : i32
      %dma_start3A_519 = arith.constant 0 : i32
      %dma_start3A_520 = tpu.memref_slice %arg9[%run_scoped3A_346, %dma_start3A_518, %dma_start3A_519] : memref<8x64x64xf32, #tpu.memory_space<vmem>> -> memref<1x64x64xf32, #tpu.memory_space<vmem>>
      %dma_start3A_521 = tpu.memref_squeeze %dma_start3A_520 : memref<1x64x64xf32, #tpu.memory_space<vmem>> -> memref<64x64xf32, #tpu.memory_space<vmem>>
      %dma_start3A_522 = arith.constant 64 : i32
      %dma_start3A_523 = tpu.memref_slice %arg5[%add3A_344, %dma_start3A_522] : memref<163840x128xf32, #tpu.memory_space<hbm>> -> memref<64x64xf32, #tpu.memory_space<hbm>>
      %dma_start3A_524 = arith.constant 64 : i32
      %dma_start3A_525 = tpu.memref_slice %arg5[%add3A_344, %dma_start3A_524] : memref<163840x128xf32, #tpu.memory_space<hbm>> -> memref<64x64xf32, #tpu.memory_space<hbm>>
      %dma_start3A_526 = arith.constant 0 : i32
      %dma_start3A_527 = arith.constant 0 : i32
      %dma_start3A_528 = tpu.memref_slice %arg9[%run_scoped3A_346, %dma_start3A_526, %dma_start3A_527] : memref<8x64x64xf32, #tpu.memory_space<vmem>> -> memref<1x64x64xf32, #tpu.memory_space<vmem>>
      %dma_start3A_529 = tpu.memref_squeeze %dma_start3A_528 : memref<1x64x64xf32, #tpu.memory_space<vmem>> -> memref<64x64xf32, #tpu.memory_space<vmem>>
      tpu.enqueue_dma source(%dma_start3A_529 : memref<64x64xf32, #tpu.memory_space<vmem>>) target(%dma_start3A_525 : memref<64x64xf32, #tpu.memory_space<hbm>>) target_semaphore(%run_scoped3A_517 : memref<!tpu.dma_semaphore, #tpu.memory_space<semaphore_mem>>)
      %dma_wait3A_530 = arith.constant 0 : i32
      %dma_wait3A_531 = arith.constant 0 : i32
      %dma_wait3A_532 = tpu.memref_slice %arg9[%run_scoped3A_346, %dma_wait3A_530, %dma_wait3A_531] : memref<8x64x64xf32, #tpu.memory_space<vmem>> -> memref<1x64x64xf32, #tpu.memory_space<vmem>>
      %dma_wait3A_533 = tpu.memref_squeeze %dma_wait3A_532 : memref<1x64x64xf32, #tpu.memory_space<vmem>> -> memref<64x64xf32, #tpu.memory_space<vmem>>
      %dma_wait3A_534 = arith.constant 64 : i32
      %dma_wait3A_535 = tpu.memref_slice %arg5[%add3A_344, %dma_wait3A_534] : memref<163840x128xf32, #tpu.memory_space<hbm>> -> memref<64x64xf32, #tpu.memory_space<hbm>>
      %dma_wait3A_536 = arith.constant 64 : i32
      %dma_wait3A_537 = tpu.memref_slice %arg5[%add3A_344, %dma_wait3A_536] : memref<163840x128xf32, #tpu.memory_space<hbm>> -> memref<64x64xf32, #tpu.memory_space<hbm>>
      %dma_wait3A_538 = arith.constant 0 : i32
      %dma_wait3A_539 = arith.constant 0 : i32
      %dma_wait3A_540 = tpu.memref_slice %arg9[%run_scoped3A_346, %dma_wait3A_538, %dma_wait3A_539] : memref<8x64x64xf32, #tpu.memory_space<vmem>> -> memref<1x64x64xf32, #tpu.memory_space<vmem>>
      %dma_wait3A_541 = tpu.memref_squeeze %dma_wait3A_540 : memref<1x64x64xf32, #tpu.memory_space<vmem>> -> memref<64x64xf32, #tpu.memory_space<vmem>>
      tpu.wait_dma2 semaphore(%run_scoped3A_517 : memref<!tpu.dma_semaphore, #tpu.memory_space<semaphore_mem>>) src(%dma_wait3A_541 : memref<64x64xf32, #tpu.memory_space<vmem>>) dst(%dma_wait3A_537 : memref<64x64xf32, #tpu.memory_space<hbm>>)
      tpu.yield
    }) : () -> ()
    %dma_wait3A_347 = arith.constant 75 : i32
    %dma_wait3A_348 = arith.constant 3 : i32
    %dma_wait3A_349 = arith.constant 3 : i32
    %dma_wait3A_350 = arith.constant 0 : i32
    %dma_wait3A_351 = arith.constant 0 : i32
    %dma_wait3A_352 = tpu.memref_slice %arg8[%dma_wait3A_348, %dma_wait3A_350, %dma_wait3A_351] : memref<8x64x64xf32, #tpu.memory_space<vmem>> -> memref<1x64x64xf32, #tpu.memory_space<vmem>>
    %dma_wait3A_353 = tpu.memref_squeeze %dma_wait3A_352 : memref<1x64x64xf32, #tpu.memory_space<vmem>> -> memref<64x64xf32, #tpu.memory_space<vmem>>
    %dma_wait3A_354 = arith.constant 0 : i32
    %dma_wait3A_355 = tpu.memref_slice %arg6[%dma_wait3A_347, %dma_wait3A_354] : memref<80x64xi32, #tpu.memory_space<vmem>> -> memref<1x64xi32, #tpu.memory_space<vmem>>
    %dma_wait3A_356 = tpu.memref_squeeze %dma_wait3A_355 : memref<1x64xi32, #tpu.memory_space<vmem>> -> memref<64xi32, #tpu.memory_space<vmem>>
    %dma_wait3A_357 = arith.constant 0 : i32
    %dma_wait3A_358 = arith.constant 0 : i32
    %dma_wait3A_359 = tpu.memref_slice %arg2[%dma_wait3A_357, %dma_wait3A_358] : memref<1000000x64xf32, #tpu.memory_space<hbm>> -> memref<1000000x64xf32, #tpu.memory_space<hbm>>
    %dma_wait3A_360 = tpu.memref_slice %arg10[%dma_wait3A_349] : memref<8x!tpu.dma_semaphore, #tpu.memory_space<semaphore_mem>> -> memref<1x!tpu.dma_semaphore, #tpu.memory_space<semaphore_mem>>
    %dma_wait3A_361 = tpu.memref_squeeze %dma_wait3A_360 : memref<1x!tpu.dma_semaphore, #tpu.memory_space<semaphore_mem>> -> memref<!tpu.dma_semaphore, #tpu.memory_space<semaphore_mem>>
    tpu.wait_indirect_dma semaphore(%dma_wait3A_361 : memref<!tpu.dma_semaphore, #tpu.memory_space<semaphore_mem>>) src(%dma_wait3A_359 : memref<1000000x64xf32, #tpu.memory_space<hbm>>) dst(%dma_wait3A_353 : memref<64x64xf32, #tpu.memory_space<vmem>>)
    %dma_wait3A_362 = arith.constant 75 : i32
    %dma_wait3A_363 = arith.constant 3 : i32
    %dma_wait3A_364 = arith.constant 3 : i32
    %dma_wait3A_365 = arith.constant 0 : i32
    %dma_wait3A_366 = arith.constant 0 : i32
    %dma_wait3A_367 = tpu.memref_slice %arg9[%dma_wait3A_363, %dma_wait3A_365, %dma_wait3A_366] : memref<8x64x64xf32, #tpu.memory_space<vmem>> -> memref<1x64x64xf32, #tpu.memory_space<vmem>>
    %dma_wait3A_368 = tpu.memref_squeeze %dma_wait3A_367 : memref<1x64x64xf32, #tpu.memory_space<vmem>> -> memref<64x64xf32, #tpu.memory_space<vmem>>
    %dma_wait3A_369 = arith.constant 0 : i32
    %dma_wait3A_370 = tpu.memref_slice %arg7[%dma_wait3A_362, %dma_wait3A_369] : memref<80x64xi32, #tpu.memory_space<vmem>> -> memref<1x64xi32, #tpu.memory_space<vmem>>
    %dma_wait3A_371 = tpu.memref_squeeze %dma_wait3A_370 : memref<1x64xi32, #tpu.memory_space<vmem>> -> memref<64xi32, #tpu.memory_space<vmem>>
    %dma_wait3A_372 = arith.constant 0 : i32
    %dma_wait3A_373 = arith.constant 0 : i32
    %dma_wait3A_374 = tpu.memref_slice %arg2[%dma_wait3A_372, %dma_wait3A_373] : memref<1000000x64xf32, #tpu.memory_space<hbm>> -> memref<1000000x64xf32, #tpu.memory_space<hbm>>
    %dma_wait3A_375 = tpu.memref_slice %arg10[%dma_wait3A_364] : memref<8x!tpu.dma_semaphore, #tpu.memory_space<semaphore_mem>> -> memref<1x!tpu.dma_semaphore, #tpu.memory_space<semaphore_mem>>
    %dma_wait3A_376 = tpu.memref_squeeze %dma_wait3A_375 : memref<1x!tpu.dma_semaphore, #tpu.memory_space<semaphore_mem>> -> memref<!tpu.dma_semaphore, #tpu.memory_space<semaphore_mem>>
    tpu.wait_indirect_dma semaphore(%dma_wait3A_376 : memref<!tpu.dma_semaphore, #tpu.memory_space<semaphore_mem>>) src(%dma_wait3A_374 : memref<1000000x64xf32, #tpu.memory_space<hbm>>) dst(%dma_wait3A_368 : memref<64x64xf32, #tpu.memory_space<vmem>>)
    %add3A_377 = arith.constant 4800 : i32
    %add3A_378 = arith.addi %mul3A_2, %add3A_377 : i32
    %run_scoped3A_379 = arith.constant 3 : i32
    "tpu.region"() ({
      %run_scoped3A_517 = tpu.sem_alloc : memref<!tpu.dma_semaphore, #tpu.memory_space<semaphore_mem>>
      %dma_start3A_518 = arith.constant 0 : i32
      %dma_start3A_519 = arith.constant 0 : i32
      %dma_start3A_520 = tpu.memref_slice %arg8[%run_scoped3A_379, %dma_start3A_518, %dma_start3A_519] : memref<8x64x64xf32, #tpu.memory_space<vmem>> -> memref<1x64x64xf32, #tpu.memory_space<vmem>>
      %dma_start3A_521 = tpu.memref_squeeze %dma_start3A_520 : memref<1x64x64xf32, #tpu.memory_space<vmem>> -> memref<64x64xf32, #tpu.memory_space<vmem>>
      %dma_start3A_522 = arith.constant 0 : i32
      %dma_start3A_523 = tpu.memref_slice %arg5[%add3A_378, %dma_start3A_522] : memref<163840x128xf32, #tpu.memory_space<hbm>> -> memref<64x64xf32, #tpu.memory_space<hbm>>
      %dma_start3A_524 = arith.constant 0 : i32
      %dma_start3A_525 = tpu.memref_slice %arg5[%add3A_378, %dma_start3A_524] : memref<163840x128xf32, #tpu.memory_space<hbm>> -> memref<64x64xf32, #tpu.memory_space<hbm>>
      %dma_start3A_526 = arith.constant 0 : i32
      %dma_start3A_527 = arith.constant 0 : i32
      %dma_start3A_528 = tpu.memref_slice %arg8[%run_scoped3A_379, %dma_start3A_526, %dma_start3A_527] : memref<8x64x64xf32, #tpu.memory_space<vmem>> -> memref<1x64x64xf32, #tpu.memory_space<vmem>>
      %dma_start3A_529 = tpu.memref_squeeze %dma_start3A_528 : memref<1x64x64xf32, #tpu.memory_space<vmem>> -> memref<64x64xf32, #tpu.memory_space<vmem>>
      tpu.enqueue_dma source(%dma_start3A_529 : memref<64x64xf32, #tpu.memory_space<vmem>>) target(%dma_start3A_525 : memref<64x64xf32, #tpu.memory_space<hbm>>) target_semaphore(%run_scoped3A_517 : memref<!tpu.dma_semaphore, #tpu.memory_space<semaphore_mem>>)
      %dma_wait3A_530 = arith.constant 0 : i32
      %dma_wait3A_531 = arith.constant 0 : i32
      %dma_wait3A_532 = tpu.memref_slice %arg8[%run_scoped3A_379, %dma_wait3A_530, %dma_wait3A_531] : memref<8x64x64xf32, #tpu.memory_space<vmem>> -> memref<1x64x64xf32, #tpu.memory_space<vmem>>
      %dma_wait3A_533 = tpu.memref_squeeze %dma_wait3A_532 : memref<1x64x64xf32, #tpu.memory_space<vmem>> -> memref<64x64xf32, #tpu.memory_space<vmem>>
      %dma_wait3A_534 = arith.constant 0 : i32
      %dma_wait3A_535 = tpu.memref_slice %arg5[%add3A_378, %dma_wait3A_534] : memref<163840x128xf32, #tpu.memory_space<hbm>> -> memref<64x64xf32, #tpu.memory_space<hbm>>
      %dma_wait3A_536 = arith.constant 0 : i32
      %dma_wait3A_537 = tpu.memref_slice %arg5[%add3A_378, %dma_wait3A_536] : memref<163840x128xf32, #tpu.memory_space<hbm>> -> memref<64x64xf32, #tpu.memory_space<hbm>>
      %dma_wait3A_538 = arith.constant 0 : i32
      %dma_wait3A_539 = arith.constant 0 : i32
      %dma_wait3A_540 = tpu.memref_slice %arg8[%run_scoped3A_379, %dma_wait3A_538, %dma_wait3A_539] : memref<8x64x64xf32, #tpu.memory_space<vmem>> -> memref<1x64x64xf32, #tpu.memory_space<vmem>>
      %dma_wait3A_541 = tpu.memref_squeeze %dma_wait3A_540 : memref<1x64x64xf32, #tpu.memory_space<vmem>> -> memref<64x64xf32, #tpu.memory_space<vmem>>
      tpu.wait_dma2 semaphore(%run_scoped3A_517 : memref<!tpu.dma_semaphore, #tpu.memory_space<semaphore_mem>>) src(%dma_wait3A_541 : memref<64x64xf32, #tpu.memory_space<vmem>>) dst(%dma_wait3A_537 : memref<64x64xf32, #tpu.memory_space<hbm>>)
      tpu.yield
    }) : () -> ()
    %run_scoped3A_380 = arith.constant 3 : i32
    "tpu.region"() ({
      %run_scoped3A_517 = tpu.sem_alloc : memref<!tpu.dma_semaphore, #tpu.memory_space<semaphore_mem>>
      %dma_start3A_518 = arith.constant 0 : i32
      %dma_start3A_519 = arith.constant 0 : i32
      %dma_start3A_520 = tpu.memref_slice %arg9[%run_scoped3A_380, %dma_start3A_518, %dma_start3A_519] : memref<8x64x64xf32, #tpu.memory_space<vmem>> -> memref<1x64x64xf32, #tpu.memory_space<vmem>>
      %dma_start3A_521 = tpu.memref_squeeze %dma_start3A_520 : memref<1x64x64xf32, #tpu.memory_space<vmem>> -> memref<64x64xf32, #tpu.memory_space<vmem>>
      %dma_start3A_522 = arith.constant 64 : i32
      %dma_start3A_523 = tpu.memref_slice %arg5[%add3A_378, %dma_start3A_522] : memref<163840x128xf32, #tpu.memory_space<hbm>> -> memref<64x64xf32, #tpu.memory_space<hbm>>
      %dma_start3A_524 = arith.constant 64 : i32
      %dma_start3A_525 = tpu.memref_slice %arg5[%add3A_378, %dma_start3A_524] : memref<163840x128xf32, #tpu.memory_space<hbm>> -> memref<64x64xf32, #tpu.memory_space<hbm>>
      %dma_start3A_526 = arith.constant 0 : i32
      %dma_start3A_527 = arith.constant 0 : i32
      %dma_start3A_528 = tpu.memref_slice %arg9[%run_scoped3A_380, %dma_start3A_526, %dma_start3A_527] : memref<8x64x64xf32, #tpu.memory_space<vmem>> -> memref<1x64x64xf32, #tpu.memory_space<vmem>>
      %dma_start3A_529 = tpu.memref_squeeze %dma_start3A_528 : memref<1x64x64xf32, #tpu.memory_space<vmem>> -> memref<64x64xf32, #tpu.memory_space<vmem>>
      tpu.enqueue_dma source(%dma_start3A_529 : memref<64x64xf32, #tpu.memory_space<vmem>>) target(%dma_start3A_525 : memref<64x64xf32, #tpu.memory_space<hbm>>) target_semaphore(%run_scoped3A_517 : memref<!tpu.dma_semaphore, #tpu.memory_space<semaphore_mem>>)
      %dma_wait3A_530 = arith.constant 0 : i32
      %dma_wait3A_531 = arith.constant 0 : i32
      %dma_wait3A_532 = tpu.memref_slice %arg9[%run_scoped3A_380, %dma_wait3A_530, %dma_wait3A_531] : memref<8x64x64xf32, #tpu.memory_space<vmem>> -> memref<1x64x64xf32, #tpu.memory_space<vmem>>
      %dma_wait3A_533 = tpu.memref_squeeze %dma_wait3A_532 : memref<1x64x64xf32, #tpu.memory_space<vmem>> -> memref<64x64xf32, #tpu.memory_space<vmem>>
      %dma_wait3A_534 = arith.constant 64 : i32
      %dma_wait3A_535 = tpu.memref_slice %arg5[%add3A_378, %dma_wait3A_534] : memref<163840x128xf32, #tpu.memory_space<hbm>> -> memref<64x64xf32, #tpu.memory_space<hbm>>
      %dma_wait3A_536 = arith.constant 64 : i32
      %dma_wait3A_537 = tpu.memref_slice %arg5[%add3A_378, %dma_wait3A_536] : memref<163840x128xf32, #tpu.memory_space<hbm>> -> memref<64x64xf32, #tpu.memory_space<hbm>>
      %dma_wait3A_538 = arith.constant 0 : i32
      %dma_wait3A_539 = arith.constant 0 : i32
      %dma_wait3A_540 = tpu.memref_slice %arg9[%run_scoped3A_380, %dma_wait3A_538, %dma_wait3A_539] : memref<8x64x64xf32, #tpu.memory_space<vmem>> -> memref<1x64x64xf32, #tpu.memory_space<vmem>>
      %dma_wait3A_541 = tpu.memref_squeeze %dma_wait3A_540 : memref<1x64x64xf32, #tpu.memory_space<vmem>> -> memref<64x64xf32, #tpu.memory_space<vmem>>
      tpu.wait_dma2 semaphore(%run_scoped3A_517 : memref<!tpu.dma_semaphore, #tpu.memory_space<semaphore_mem>>) src(%dma_wait3A_541 : memref<64x64xf32, #tpu.memory_space<vmem>>) dst(%dma_wait3A_537 : memref<64x64xf32, #tpu.memory_space<hbm>>)
      tpu.yield
    }) : () -> ()
    %dma_wait3A_381 = arith.constant 76 : i32
    %dma_wait3A_382 = arith.constant 4 : i32
    %dma_wait3A_383 = arith.constant 4 : i32
    %dma_wait3A_384 = arith.constant 0 : i32
    %dma_wait3A_385 = arith.constant 0 : i32
    %dma_wait3A_386 = tpu.memref_slice %arg8[%dma_wait3A_382, %dma_wait3A_384, %dma_wait3A_385] : memref<8x64x64xf32, #tpu.memory_space<vmem>> -> memref<1x64x64xf32, #tpu.memory_space<vmem>>
    %dma_wait3A_387 = tpu.memref_squeeze %dma_wait3A_386 : memref<1x64x64xf32, #tpu.memory_space<vmem>> -> memref<64x64xf32, #tpu.memory_space<vmem>>
    %dma_wait3A_388 = arith.constant 0 : i32
    %dma_wait3A_389 = tpu.memref_slice %arg6[%dma_wait3A_381, %dma_wait3A_388] : memref<80x64xi32, #tpu.memory_space<vmem>> -> memref<1x64xi32, #tpu.memory_space<vmem>>
    %dma_wait3A_390 = tpu.memref_squeeze %dma_wait3A_389 : memref<1x64xi32, #tpu.memory_space<vmem>> -> memref<64xi32, #tpu.memory_space<vmem>>
    %dma_wait3A_391 = arith.constant 0 : i32
    %dma_wait3A_392 = arith.constant 0 : i32
    %dma_wait3A_393 = tpu.memref_slice %arg2[%dma_wait3A_391, %dma_wait3A_392] : memref<1000000x64xf32, #tpu.memory_space<hbm>> -> memref<1000000x64xf32, #tpu.memory_space<hbm>>
    %dma_wait3A_394 = tpu.memref_slice %arg10[%dma_wait3A_383] : memref<8x!tpu.dma_semaphore, #tpu.memory_space<semaphore_mem>> -> memref<1x!tpu.dma_semaphore, #tpu.memory_space<semaphore_mem>>
    %dma_wait3A_395 = tpu.memref_squeeze %dma_wait3A_394 : memref<1x!tpu.dma_semaphore, #tpu.memory_space<semaphore_mem>> -> memref<!tpu.dma_semaphore, #tpu.memory_space<semaphore_mem>>
    tpu.wait_indirect_dma semaphore(%dma_wait3A_395 : memref<!tpu.dma_semaphore, #tpu.memory_space<semaphore_mem>>) src(%dma_wait3A_393 : memref<1000000x64xf32, #tpu.memory_space<hbm>>) dst(%dma_wait3A_387 : memref<64x64xf32, #tpu.memory_space<vmem>>)
    %dma_wait3A_396 = arith.constant 76 : i32
    %dma_wait3A_397 = arith.constant 4 : i32
    %dma_wait3A_398 = arith.constant 4 : i32
    %dma_wait3A_399 = arith.constant 0 : i32
    %dma_wait3A_400 = arith.constant 0 : i32
    %dma_wait3A_401 = tpu.memref_slice %arg9[%dma_wait3A_397, %dma_wait3A_399, %dma_wait3A_400] : memref<8x64x64xf32, #tpu.memory_space<vmem>> -> memref<1x64x64xf32, #tpu.memory_space<vmem>>
    %dma_wait3A_402 = tpu.memref_squeeze %dma_wait3A_401 : memref<1x64x64xf32, #tpu.memory_space<vmem>> -> memref<64x64xf32, #tpu.memory_space<vmem>>
    %dma_wait3A_403 = arith.constant 0 : i32
    %dma_wait3A_404 = tpu.memref_slice %arg7[%dma_wait3A_396, %dma_wait3A_403] : memref<80x64xi32, #tpu.memory_space<vmem>> -> memref<1x64xi32, #tpu.memory_space<vmem>>
    %dma_wait3A_405 = tpu.memref_squeeze %dma_wait3A_404 : memref<1x64xi32, #tpu.memory_space<vmem>> -> memref<64xi32, #tpu.memory_space<vmem>>
    %dma_wait3A_406 = arith.constant 0 : i32
    %dma_wait3A_407 = arith.constant 0 : i32
    %dma_wait3A_408 = tpu.memref_slice %arg2[%dma_wait3A_406, %dma_wait3A_407] : memref<1000000x64xf32, #tpu.memory_space<hbm>> -> memref<1000000x64xf32, #tpu.memory_space<hbm>>
    %dma_wait3A_409 = tpu.memref_slice %arg10[%dma_wait3A_398] : memref<8x!tpu.dma_semaphore, #tpu.memory_space<semaphore_mem>> -> memref<1x!tpu.dma_semaphore, #tpu.memory_space<semaphore_mem>>
    %dma_wait3A_410 = tpu.memref_squeeze %dma_wait3A_409 : memref<1x!tpu.dma_semaphore, #tpu.memory_space<semaphore_mem>> -> memref<!tpu.dma_semaphore, #tpu.memory_space<semaphore_mem>>
    tpu.wait_indirect_dma semaphore(%dma_wait3A_410 : memref<!tpu.dma_semaphore, #tpu.memory_space<semaphore_mem>>) src(%dma_wait3A_408 : memref<1000000x64xf32, #tpu.memory_space<hbm>>) dst(%dma_wait3A_402 : memref<64x64xf32, #tpu.memory_space<vmem>>)
    %add3A_411 = arith.constant 4864 : i32
    %add3A_412 = arith.addi %mul3A_2, %add3A_411 : i32
    %run_scoped3A_413 = arith.constant 4 : i32
    "tpu.region"() ({
      %run_scoped3A_517 = tpu.sem_alloc : memref<!tpu.dma_semaphore, #tpu.memory_space<semaphore_mem>>
      %dma_start3A_518 = arith.constant 0 : i32
      %dma_start3A_519 = arith.constant 0 : i32
      %dma_start3A_520 = tpu.memref_slice %arg8[%run_scoped3A_413, %dma_start3A_518, %dma_start3A_519] : memref<8x64x64xf32, #tpu.memory_space<vmem>> -> memref<1x64x64xf32, #tpu.memory_space<vmem>>
      %dma_start3A_521 = tpu.memref_squeeze %dma_start3A_520 : memref<1x64x64xf32, #tpu.memory_space<vmem>> -> memref<64x64xf32, #tpu.memory_space<vmem>>
      %dma_start3A_522 = arith.constant 0 : i32
      %dma_start3A_523 = tpu.memref_slice %arg5[%add3A_412, %dma_start3A_522] : memref<163840x128xf32, #tpu.memory_space<hbm>> -> memref<64x64xf32, #tpu.memory_space<hbm>>
      %dma_start3A_524 = arith.constant 0 : i32
      %dma_start3A_525 = tpu.memref_slice %arg5[%add3A_412, %dma_start3A_524] : memref<163840x128xf32, #tpu.memory_space<hbm>> -> memref<64x64xf32, #tpu.memory_space<hbm>>
      %dma_start3A_526 = arith.constant 0 : i32
      %dma_start3A_527 = arith.constant 0 : i32
      %dma_start3A_528 = tpu.memref_slice %arg8[%run_scoped3A_413, %dma_start3A_526, %dma_start3A_527] : memref<8x64x64xf32, #tpu.memory_space<vmem>> -> memref<1x64x64xf32, #tpu.memory_space<vmem>>
      %dma_start3A_529 = tpu.memref_squeeze %dma_start3A_528 : memref<1x64x64xf32, #tpu.memory_space<vmem>> -> memref<64x64xf32, #tpu.memory_space<vmem>>
      tpu.enqueue_dma source(%dma_start3A_529 : memref<64x64xf32, #tpu.memory_space<vmem>>) target(%dma_start3A_525 : memref<64x64xf32, #tpu.memory_space<hbm>>) target_semaphore(%run_scoped3A_517 : memref<!tpu.dma_semaphore, #tpu.memory_space<semaphore_mem>>)
      %dma_wait3A_530 = arith.constant 0 : i32
      %dma_wait3A_531 = arith.constant 0 : i32
      %dma_wait3A_532 = tpu.memref_slice %arg8[%run_scoped3A_413, %dma_wait3A_530, %dma_wait3A_531] : memref<8x64x64xf32, #tpu.memory_space<vmem>> -> memref<1x64x64xf32, #tpu.memory_space<vmem>>
      %dma_wait3A_533 = tpu.memref_squeeze %dma_wait3A_532 : memref<1x64x64xf32, #tpu.memory_space<vmem>> -> memref<64x64xf32, #tpu.memory_space<vmem>>
      %dma_wait3A_534 = arith.constant 0 : i32
      %dma_wait3A_535 = tpu.memref_slice %arg5[%add3A_412, %dma_wait3A_534] : memref<163840x128xf32, #tpu.memory_space<hbm>> -> memref<64x64xf32, #tpu.memory_space<hbm>>
      %dma_wait3A_536 = arith.constant 0 : i32
      %dma_wait3A_537 = tpu.memref_slice %arg5[%add3A_412, %dma_wait3A_536] : memref<163840x128xf32, #tpu.memory_space<hbm>> -> memref<64x64xf32, #tpu.memory_space<hbm>>
      %dma_wait3A_538 = arith.constant 0 : i32
      %dma_wait3A_539 = arith.constant 0 : i32
      %dma_wait3A_540 = tpu.memref_slice %arg8[%run_scoped3A_413, %dma_wait3A_538, %dma_wait3A_539] : memref<8x64x64xf32, #tpu.memory_space<vmem>> -> memref<1x64x64xf32, #tpu.memory_space<vmem>>
      %dma_wait3A_541 = tpu.memref_squeeze %dma_wait3A_540 : memref<1x64x64xf32, #tpu.memory_space<vmem>> -> memref<64x64xf32, #tpu.memory_space<vmem>>
      tpu.wait_dma2 semaphore(%run_scoped3A_517 : memref<!tpu.dma_semaphore, #tpu.memory_space<semaphore_mem>>) src(%dma_wait3A_541 : memref<64x64xf32, #tpu.memory_space<vmem>>) dst(%dma_wait3A_537 : memref<64x64xf32, #tpu.memory_space<hbm>>)
      tpu.yield
    }) : () -> ()
    %run_scoped3A_414 = arith.constant 4 : i32
    "tpu.region"() ({
      %run_scoped3A_517 = tpu.sem_alloc : memref<!tpu.dma_semaphore, #tpu.memory_space<semaphore_mem>>
      %dma_start3A_518 = arith.constant 0 : i32
      %dma_start3A_519 = arith.constant 0 : i32
      %dma_start3A_520 = tpu.memref_slice %arg9[%run_scoped3A_414, %dma_start3A_518, %dma_start3A_519] : memref<8x64x64xf32, #tpu.memory_space<vmem>> -> memref<1x64x64xf32, #tpu.memory_space<vmem>>
      %dma_start3A_521 = tpu.memref_squeeze %dma_start3A_520 : memref<1x64x64xf32, #tpu.memory_space<vmem>> -> memref<64x64xf32, #tpu.memory_space<vmem>>
      %dma_start3A_522 = arith.constant 64 : i32
      %dma_start3A_523 = tpu.memref_slice %arg5[%add3A_412, %dma_start3A_522] : memref<163840x128xf32, #tpu.memory_space<hbm>> -> memref<64x64xf32, #tpu.memory_space<hbm>>
      %dma_start3A_524 = arith.constant 64 : i32
      %dma_start3A_525 = tpu.memref_slice %arg5[%add3A_412, %dma_start3A_524] : memref<163840x128xf32, #tpu.memory_space<hbm>> -> memref<64x64xf32, #tpu.memory_space<hbm>>
      %dma_start3A_526 = arith.constant 0 : i32
      %dma_start3A_527 = arith.constant 0 : i32
      %dma_start3A_528 = tpu.memref_slice %arg9[%run_scoped3A_414, %dma_start3A_526, %dma_start3A_527] : memref<8x64x64xf32, #tpu.memory_space<vmem>> -> memref<1x64x64xf32, #tpu.memory_space<vmem>>
      %dma_start3A_529 = tpu.memref_squeeze %dma_start3A_528 : memref<1x64x64xf32, #tpu.memory_space<vmem>> -> memref<64x64xf32, #tpu.memory_space<vmem>>
      tpu.enqueue_dma source(%dma_start3A_529 : memref<64x64xf32, #tpu.memory_space<vmem>>) target(%dma_start3A_525 : memref<64x64xf32, #tpu.memory_space<hbm>>) target_semaphore(%run_scoped3A_517 : memref<!tpu.dma_semaphore, #tpu.memory_space<semaphore_mem>>)
      %dma_wait3A_530 = arith.constant 0 : i32
      %dma_wait3A_531 = arith.constant 0 : i32
      %dma_wait3A_532 = tpu.memref_slice %arg9[%run_scoped3A_414, %dma_wait3A_530, %dma_wait3A_531] : memref<8x64x64xf32, #tpu.memory_space<vmem>> -> memref<1x64x64xf32, #tpu.memory_space<vmem>>
      %dma_wait3A_533 = tpu.memref_squeeze %dma_wait3A_532 : memref<1x64x64xf32, #tpu.memory_space<vmem>> -> memref<64x64xf32, #tpu.memory_space<vmem>>
      %dma_wait3A_534 = arith.constant 64 : i32
      %dma_wait3A_535 = tpu.memref_slice %arg5[%add3A_412, %dma_wait3A_534] : memref<163840x128xf32, #tpu.memory_space<hbm>> -> memref<64x64xf32, #tpu.memory_space<hbm>>
      %dma_wait3A_536 = arith.constant 64 : i32
      %dma_wait3A_537 = tpu.memref_slice %arg5[%add3A_412, %dma_wait3A_536] : memref<163840x128xf32, #tpu.memory_space<hbm>> -> memref<64x64xf32, #tpu.memory_space<hbm>>
      %dma_wait3A_538 = arith.constant 0 : i32
      %dma_wait3A_539 = arith.constant 0 : i32
      %dma_wait3A_540 = tpu.memref_slice %arg9[%run_scoped3A_414, %dma_wait3A_538, %dma_wait3A_539] : memref<8x64x64xf32, #tpu.memory_space<vmem>> -> memref<1x64x64xf32, #tpu.memory_space<vmem>>
      %dma_wait3A_541 = tpu.memref_squeeze %dma_wait3A_540 : memref<1x64x64xf32, #tpu.memory_space<vmem>> -> memref<64x64xf32, #tpu.memory_space<vmem>>
      tpu.wait_dma2 semaphore(%run_scoped3A_517 : memref<!tpu.dma_semaphore, #tpu.memory_space<semaphore_mem>>) src(%dma_wait3A_541 : memref<64x64xf32, #tpu.memory_space<vmem>>) dst(%dma_wait3A_537 : memref<64x64xf32, #tpu.memory_space<hbm>>)
      tpu.yield
    }) : () -> ()
    %dma_wait3A_415 = arith.constant 77 : i32
    %dma_wait3A_416 = arith.constant 5 : i32
    %dma_wait3A_417 = arith.constant 5 : i32
    %dma_wait3A_418 = arith.constant 0 : i32
    %dma_wait3A_419 = arith.constant 0 : i32
    %dma_wait3A_420 = tpu.memref_slice %arg8[%dma_wait3A_416, %dma_wait3A_418, %dma_wait3A_419] : memref<8x64x64xf32, #tpu.memory_space<vmem>> -> memref<1x64x64xf32, #tpu.memory_space<vmem>>
    %dma_wait3A_421 = tpu.memref_squeeze %dma_wait3A_420 : memref<1x64x64xf32, #tpu.memory_space<vmem>> -> memref<64x64xf32, #tpu.memory_space<vmem>>
    %dma_wait3A_422 = arith.constant 0 : i32
    %dma_wait3A_423 = tpu.memref_slice %arg6[%dma_wait3A_415, %dma_wait3A_422] : memref<80x64xi32, #tpu.memory_space<vmem>> -> memref<1x64xi32, #tpu.memory_space<vmem>>
    %dma_wait3A_424 = tpu.memref_squeeze %dma_wait3A_423 : memref<1x64xi32, #tpu.memory_space<vmem>> -> memref<64xi32, #tpu.memory_space<vmem>>
    %dma_wait3A_425 = arith.constant 0 : i32
    %dma_wait3A_426 = arith.constant 0 : i32
    %dma_wait3A_427 = tpu.memref_slice %arg2[%dma_wait3A_425, %dma_wait3A_426] : memref<1000000x64xf32, #tpu.memory_space<hbm>> -> memref<1000000x64xf32, #tpu.memory_space<hbm>>
    %dma_wait3A_428 = tpu.memref_slice %arg10[%dma_wait3A_417] : memref<8x!tpu.dma_semaphore, #tpu.memory_space<semaphore_mem>> -> memref<1x!tpu.dma_semaphore, #tpu.memory_space<semaphore_mem>>
    %dma_wait3A_429 = tpu.memref_squeeze %dma_wait3A_428 : memref<1x!tpu.dma_semaphore, #tpu.memory_space<semaphore_mem>> -> memref<!tpu.dma_semaphore, #tpu.memory_space<semaphore_mem>>
    tpu.wait_indirect_dma semaphore(%dma_wait3A_429 : memref<!tpu.dma_semaphore, #tpu.memory_space<semaphore_mem>>) src(%dma_wait3A_427 : memref<1000000x64xf32, #tpu.memory_space<hbm>>) dst(%dma_wait3A_421 : memref<64x64xf32, #tpu.memory_space<vmem>>)
    %dma_wait3A_430 = arith.constant 77 : i32
    %dma_wait3A_431 = arith.constant 5 : i32
    %dma_wait3A_432 = arith.constant 5 : i32
    %dma_wait3A_433 = arith.constant 0 : i32
    %dma_wait3A_434 = arith.constant 0 : i32
    %dma_wait3A_435 = tpu.memref_slice %arg9[%dma_wait3A_431, %dma_wait3A_433, %dma_wait3A_434] : memref<8x64x64xf32, #tpu.memory_space<vmem>> -> memref<1x64x64xf32, #tpu.memory_space<vmem>>
    %dma_wait3A_436 = tpu.memref_squeeze %dma_wait3A_435 : memref<1x64x64xf32, #tpu.memory_space<vmem>> -> memref<64x64xf32, #tpu.memory_space<vmem>>
    %dma_wait3A_437 = arith.constant 0 : i32
    %dma_wait3A_438 = tpu.memref_slice %arg7[%dma_wait3A_430, %dma_wait3A_437] : memref<80x64xi32, #tpu.memory_space<vmem>> -> memref<1x64xi32, #tpu.memory_space<vmem>>
    %dma_wait3A_439 = tpu.memref_squeeze %dma_wait3A_438 : memref<1x64xi32, #tpu.memory_space<vmem>> -> memref<64xi32, #tpu.memory_space<vmem>>
    %dma_wait3A_440 = arith.constant 0 : i32
    %dma_wait3A_441 = arith.constant 0 : i32
    %dma_wait3A_442 = tpu.memref_slice %arg2[%dma_wait3A_440, %dma_wait3A_441] : memref<1000000x64xf32, #tpu.memory_space<hbm>> -> memref<1000000x64xf32, #tpu.memory_space<hbm>>
    %dma_wait3A_443 = tpu.memref_slice %arg10[%dma_wait3A_432] : memref<8x!tpu.dma_semaphore, #tpu.memory_space<semaphore_mem>> -> memref<1x!tpu.dma_semaphore, #tpu.memory_space<semaphore_mem>>
    %dma_wait3A_444 = tpu.memref_squeeze %dma_wait3A_443 : memref<1x!tpu.dma_semaphore, #tpu.memory_space<semaphore_mem>> -> memref<!tpu.dma_semaphore, #tpu.memory_space<semaphore_mem>>
    tpu.wait_indirect_dma semaphore(%dma_wait3A_444 : memref<!tpu.dma_semaphore, #tpu.memory_space<semaphore_mem>>) src(%dma_wait3A_442 : memref<1000000x64xf32, #tpu.memory_space<hbm>>) dst(%dma_wait3A_436 : memref<64x64xf32, #tpu.memory_space<vmem>>)
    %add3A_445 = arith.constant 4928 : i32
    %add3A_446 = arith.addi %mul3A_2, %add3A_445 : i32
    %run_scoped3A_447 = arith.constant 5 : i32
    "tpu.region"() ({
      %run_scoped3A_517 = tpu.sem_alloc : memref<!tpu.dma_semaphore, #tpu.memory_space<semaphore_mem>>
      %dma_start3A_518 = arith.constant 0 : i32
      %dma_start3A_519 = arith.constant 0 : i32
      %dma_start3A_520 = tpu.memref_slice %arg8[%run_scoped3A_447, %dma_start3A_518, %dma_start3A_519] : memref<8x64x64xf32, #tpu.memory_space<vmem>> -> memref<1x64x64xf32, #tpu.memory_space<vmem>>
      %dma_start3A_521 = tpu.memref_squeeze %dma_start3A_520 : memref<1x64x64xf32, #tpu.memory_space<vmem>> -> memref<64x64xf32, #tpu.memory_space<vmem>>
      %dma_start3A_522 = arith.constant 0 : i32
      %dma_start3A_523 = tpu.memref_slice %arg5[%add3A_446, %dma_start3A_522] : memref<163840x128xf32, #tpu.memory_space<hbm>> -> memref<64x64xf32, #tpu.memory_space<hbm>>
      %dma_start3A_524 = arith.constant 0 : i32
      %dma_start3A_525 = tpu.memref_slice %arg5[%add3A_446, %dma_start3A_524] : memref<163840x128xf32, #tpu.memory_space<hbm>> -> memref<64x64xf32, #tpu.memory_space<hbm>>
      %dma_start3A_526 = arith.constant 0 : i32
      %dma_start3A_527 = arith.constant 0 : i32
      %dma_start3A_528 = tpu.memref_slice %arg8[%run_scoped3A_447, %dma_start3A_526, %dma_start3A_527] : memref<8x64x64xf32, #tpu.memory_space<vmem>> -> memref<1x64x64xf32, #tpu.memory_space<vmem>>
      %dma_start3A_529 = tpu.memref_squeeze %dma_start3A_528 : memref<1x64x64xf32, #tpu.memory_space<vmem>> -> memref<64x64xf32, #tpu.memory_space<vmem>>
      tpu.enqueue_dma source(%dma_start3A_529 : memref<64x64xf32, #tpu.memory_space<vmem>>) target(%dma_start3A_525 : memref<64x64xf32, #tpu.memory_space<hbm>>) target_semaphore(%run_scoped3A_517 : memref<!tpu.dma_semaphore, #tpu.memory_space<semaphore_mem>>)
      %dma_wait3A_530 = arith.constant 0 : i32
      %dma_wait3A_531 = arith.constant 0 : i32
      %dma_wait3A_532 = tpu.memref_slice %arg8[%run_scoped3A_447, %dma_wait3A_530, %dma_wait3A_531] : memref<8x64x64xf32, #tpu.memory_space<vmem>> -> memref<1x64x64xf32, #tpu.memory_space<vmem>>
      %dma_wait3A_533 = tpu.memref_squeeze %dma_wait3A_532 : memref<1x64x64xf32, #tpu.memory_space<vmem>> -> memref<64x64xf32, #tpu.memory_space<vmem>>
      %dma_wait3A_534 = arith.constant 0 : i32
      %dma_wait3A_535 = tpu.memref_slice %arg5[%add3A_446, %dma_wait3A_534] : memref<163840x128xf32, #tpu.memory_space<hbm>> -> memref<64x64xf32, #tpu.memory_space<hbm>>
      %dma_wait3A_536 = arith.constant 0 : i32
      %dma_wait3A_537 = tpu.memref_slice %arg5[%add3A_446, %dma_wait3A_536] : memref<163840x128xf32, #tpu.memory_space<hbm>> -> memref<64x64xf32, #tpu.memory_space<hbm>>
      %dma_wait3A_538 = arith.constant 0 : i32
      %dma_wait3A_539 = arith.constant 0 : i32
      %dma_wait3A_540 = tpu.memref_slice %arg8[%run_scoped3A_447, %dma_wait3A_538, %dma_wait3A_539] : memref<8x64x64xf32, #tpu.memory_space<vmem>> -> memref<1x64x64xf32, #tpu.memory_space<vmem>>
      %dma_wait3A_541 = tpu.memref_squeeze %dma_wait3A_540 : memref<1x64x64xf32, #tpu.memory_space<vmem>> -> memref<64x64xf32, #tpu.memory_space<vmem>>
      tpu.wait_dma2 semaphore(%run_scoped3A_517 : memref<!tpu.dma_semaphore, #tpu.memory_space<semaphore_mem>>) src(%dma_wait3A_541 : memref<64x64xf32, #tpu.memory_space<vmem>>) dst(%dma_wait3A_537 : memref<64x64xf32, #tpu.memory_space<hbm>>)
      tpu.yield
    }) : () -> ()
    %run_scoped3A_448 = arith.constant 5 : i32
    "tpu.region"() ({
      %run_scoped3A_517 = tpu.sem_alloc : memref<!tpu.dma_semaphore, #tpu.memory_space<semaphore_mem>>
      %dma_start3A_518 = arith.constant 0 : i32
      %dma_start3A_519 = arith.constant 0 : i32
      %dma_start3A_520 = tpu.memref_slice %arg9[%run_scoped3A_448, %dma_start3A_518, %dma_start3A_519] : memref<8x64x64xf32, #tpu.memory_space<vmem>> -> memref<1x64x64xf32, #tpu.memory_space<vmem>>
      %dma_start3A_521 = tpu.memref_squeeze %dma_start3A_520 : memref<1x64x64xf32, #tpu.memory_space<vmem>> -> memref<64x64xf32, #tpu.memory_space<vmem>>
      %dma_start3A_522 = arith.constant 64 : i32
      %dma_start3A_523 = tpu.memref_slice %arg5[%add3A_446, %dma_start3A_522] : memref<163840x128xf32, #tpu.memory_space<hbm>> -> memref<64x64xf32, #tpu.memory_space<hbm>>
      %dma_start3A_524 = arith.constant 64 : i32
      %dma_start3A_525 = tpu.memref_slice %arg5[%add3A_446, %dma_start3A_524] : memref<163840x128xf32, #tpu.memory_space<hbm>> -> memref<64x64xf32, #tpu.memory_space<hbm>>
      %dma_start3A_526 = arith.constant 0 : i32
      %dma_start3A_527 = arith.constant 0 : i32
      %dma_start3A_528 = tpu.memref_slice %arg9[%run_scoped3A_448, %dma_start3A_526, %dma_start3A_527] : memref<8x64x64xf32, #tpu.memory_space<vmem>> -> memref<1x64x64xf32, #tpu.memory_space<vmem>>
      %dma_start3A_529 = tpu.memref_squeeze %dma_start3A_528 : memref<1x64x64xf32, #tpu.memory_space<vmem>> -> memref<64x64xf32, #tpu.memory_space<vmem>>
      tpu.enqueue_dma source(%dma_start3A_529 : memref<64x64xf32, #tpu.memory_space<vmem>>) target(%dma_start3A_525 : memref<64x64xf32, #tpu.memory_space<hbm>>) target_semaphore(%run_scoped3A_517 : memref<!tpu.dma_semaphore, #tpu.memory_space<semaphore_mem>>)
      %dma_wait3A_530 = arith.constant 0 : i32
      %dma_wait3A_531 = arith.constant 0 : i32
      %dma_wait3A_532 = tpu.memref_slice %arg9[%run_scoped3A_448, %dma_wait3A_530, %dma_wait3A_531] : memref<8x64x64xf32, #tpu.memory_space<vmem>> -> memref<1x64x64xf32, #tpu.memory_space<vmem>>
      %dma_wait3A_533 = tpu.memref_squeeze %dma_wait3A_532 : memref<1x64x64xf32, #tpu.memory_space<vmem>> -> memref<64x64xf32, #tpu.memory_space<vmem>>
      %dma_wait3A_534 = arith.constant 64 : i32
      %dma_wait3A_535 = tpu.memref_slice %arg5[%add3A_446, %dma_wait3A_534] : memref<163840x128xf32, #tpu.memory_space<hbm>> -> memref<64x64xf32, #tpu.memory_space<hbm>>
      %dma_wait3A_536 = arith.constant 64 : i32
      %dma_wait3A_537 = tpu.memref_slice %arg5[%add3A_446, %dma_wait3A_536] : memref<163840x128xf32, #tpu.memory_space<hbm>> -> memref<64x64xf32, #tpu.memory_space<hbm>>
      %dma_wait3A_538 = arith.constant 0 : i32
      %dma_wait3A_539 = arith.constant 0 : i32
      %dma_wait3A_540 = tpu.memref_slice %arg9[%run_scoped3A_448, %dma_wait3A_538, %dma_wait3A_539] : memref<8x64x64xf32, #tpu.memory_space<vmem>> -> memref<1x64x64xf32, #tpu.memory_space<vmem>>
      %dma_wait3A_541 = tpu.memref_squeeze %dma_wait3A_540 : memref<1x64x64xf32, #tpu.memory_space<vmem>> -> memref<64x64xf32, #tpu.memory_space<vmem>>
      tpu.wait_dma2 semaphore(%run_scoped3A_517 : memref<!tpu.dma_semaphore, #tpu.memory_space<semaphore_mem>>) src(%dma_wait3A_541 : memref<64x64xf32, #tpu.memory_space<vmem>>) dst(%dma_wait3A_537 : memref<64x64xf32, #tpu.memory_space<hbm>>)
      tpu.yield
    }) : () -> ()
    %dma_wait3A_449 = arith.constant 78 : i32
    %dma_wait3A_450 = arith.constant 6 : i32
    %dma_wait3A_451 = arith.constant 6 : i32
    %dma_wait3A_452 = arith.constant 0 : i32
    %dma_wait3A_453 = arith.constant 0 : i32
    %dma_wait3A_454 = tpu.memref_slice %arg8[%dma_wait3A_450, %dma_wait3A_452, %dma_wait3A_453] : memref<8x64x64xf32, #tpu.memory_space<vmem>> -> memref<1x64x64xf32, #tpu.memory_space<vmem>>
    %dma_wait3A_455 = tpu.memref_squeeze %dma_wait3A_454 : memref<1x64x64xf32, #tpu.memory_space<vmem>> -> memref<64x64xf32, #tpu.memory_space<vmem>>
    %dma_wait3A_456 = arith.constant 0 : i32
    %dma_wait3A_457 = tpu.memref_slice %arg6[%dma_wait3A_449, %dma_wait3A_456] : memref<80x64xi32, #tpu.memory_space<vmem>> -> memref<1x64xi32, #tpu.memory_space<vmem>>
    %dma_wait3A_458 = tpu.memref_squeeze %dma_wait3A_457 : memref<1x64xi32, #tpu.memory_space<vmem>> -> memref<64xi32, #tpu.memory_space<vmem>>
    %dma_wait3A_459 = arith.constant 0 : i32
    %dma_wait3A_460 = arith.constant 0 : i32
    %dma_wait3A_461 = tpu.memref_slice %arg2[%dma_wait3A_459, %dma_wait3A_460] : memref<1000000x64xf32, #tpu.memory_space<hbm>> -> memref<1000000x64xf32, #tpu.memory_space<hbm>>
    %dma_wait3A_462 = tpu.memref_slice %arg10[%dma_wait3A_451] : memref<8x!tpu.dma_semaphore, #tpu.memory_space<semaphore_mem>> -> memref<1x!tpu.dma_semaphore, #tpu.memory_space<semaphore_mem>>
    %dma_wait3A_463 = tpu.memref_squeeze %dma_wait3A_462 : memref<1x!tpu.dma_semaphore, #tpu.memory_space<semaphore_mem>> -> memref<!tpu.dma_semaphore, #tpu.memory_space<semaphore_mem>>
    tpu.wait_indirect_dma semaphore(%dma_wait3A_463 : memref<!tpu.dma_semaphore, #tpu.memory_space<semaphore_mem>>) src(%dma_wait3A_461 : memref<1000000x64xf32, #tpu.memory_space<hbm>>) dst(%dma_wait3A_455 : memref<64x64xf32, #tpu.memory_space<vmem>>)
    %dma_wait3A_464 = arith.constant 78 : i32
    %dma_wait3A_465 = arith.constant 6 : i32
    %dma_wait3A_466 = arith.constant 6 : i32
    %dma_wait3A_467 = arith.constant 0 : i32
    %dma_wait3A_468 = arith.constant 0 : i32
    %dma_wait3A_469 = tpu.memref_slice %arg9[%dma_wait3A_465, %dma_wait3A_467, %dma_wait3A_468] : memref<8x64x64xf32, #tpu.memory_space<vmem>> -> memref<1x64x64xf32, #tpu.memory_space<vmem>>
    %dma_wait3A_470 = tpu.memref_squeeze %dma_wait3A_469 : memref<1x64x64xf32, #tpu.memory_space<vmem>> -> memref<64x64xf32, #tpu.memory_space<vmem>>
    %dma_wait3A_471 = arith.constant 0 : i32
    %dma_wait3A_472 = tpu.memref_slice %arg7[%dma_wait3A_464, %dma_wait3A_471] : memref<80x64xi32, #tpu.memory_space<vmem>> -> memref<1x64xi32, #tpu.memory_space<vmem>>
    %dma_wait3A_473 = tpu.memref_squeeze %dma_wait3A_472 : memref<1x64xi32, #tpu.memory_space<vmem>> -> memref<64xi32, #tpu.memory_space<vmem>>
    %dma_wait3A_474 = arith.constant 0 : i32
    %dma_wait3A_475 = arith.constant 0 : i32
    %dma_wait3A_476 = tpu.memref_slice %arg2[%dma_wait3A_474, %dma_wait3A_475] : memref<1000000x64xf32, #tpu.memory_space<hbm>> -> memref<1000000x64xf32, #tpu.memory_space<hbm>>
    %dma_wait3A_477 = tpu.memref_slice %arg10[%dma_wait3A_466] : memref<8x!tpu.dma_semaphore, #tpu.memory_space<semaphore_mem>> -> memref<1x!tpu.dma_semaphore, #tpu.memory_space<semaphore_mem>>
    %dma_wait3A_478 = tpu.memref_squeeze %dma_wait3A_477 : memref<1x!tpu.dma_semaphore, #tpu.memory_space<semaphore_mem>> -> memref<!tpu.dma_semaphore, #tpu.memory_space<semaphore_mem>>
    tpu.wait_indirect_dma semaphore(%dma_wait3A_478 : memref<!tpu.dma_semaphore, #tpu.memory_space<semaphore_mem>>) src(%dma_wait3A_476 : memref<1000000x64xf32, #tpu.memory_space<hbm>>) dst(%dma_wait3A_470 : memref<64x64xf32, #tpu.memory_space<vmem>>)
    %add3A_479 = arith.constant 4992 : i32
    %add3A_480 = arith.addi %mul3A_2, %add3A_479 : i32
    %run_scoped3A_481 = arith.constant 6 : i32
    "tpu.region"() ({
      %run_scoped3A_517 = tpu.sem_alloc : memref<!tpu.dma_semaphore, #tpu.memory_space<semaphore_mem>>
      %dma_start3A_518 = arith.constant 0 : i32
      %dma_start3A_519 = arith.constant 0 : i32
      %dma_start3A_520 = tpu.memref_slice %arg8[%run_scoped3A_481, %dma_start3A_518, %dma_start3A_519] : memref<8x64x64xf32, #tpu.memory_space<vmem>> -> memref<1x64x64xf32, #tpu.memory_space<vmem>>
      %dma_start3A_521 = tpu.memref_squeeze %dma_start3A_520 : memref<1x64x64xf32, #tpu.memory_space<vmem>> -> memref<64x64xf32, #tpu.memory_space<vmem>>
      %dma_start3A_522 = arith.constant 0 : i32
      %dma_start3A_523 = tpu.memref_slice %arg5[%add3A_480, %dma_start3A_522] : memref<163840x128xf32, #tpu.memory_space<hbm>> -> memref<64x64xf32, #tpu.memory_space<hbm>>
      %dma_start3A_524 = arith.constant 0 : i32
      %dma_start3A_525 = tpu.memref_slice %arg5[%add3A_480, %dma_start3A_524] : memref<163840x128xf32, #tpu.memory_space<hbm>> -> memref<64x64xf32, #tpu.memory_space<hbm>>
      %dma_start3A_526 = arith.constant 0 : i32
      %dma_start3A_527 = arith.constant 0 : i32
      %dma_start3A_528 = tpu.memref_slice %arg8[%run_scoped3A_481, %dma_start3A_526, %dma_start3A_527] : memref<8x64x64xf32, #tpu.memory_space<vmem>> -> memref<1x64x64xf32, #tpu.memory_space<vmem>>
      %dma_start3A_529 = tpu.memref_squeeze %dma_start3A_528 : memref<1x64x64xf32, #tpu.memory_space<vmem>> -> memref<64x64xf32, #tpu.memory_space<vmem>>
      tpu.enqueue_dma source(%dma_start3A_529 : memref<64x64xf32, #tpu.memory_space<vmem>>) target(%dma_start3A_525 : memref<64x64xf32, #tpu.memory_space<hbm>>) target_semaphore(%run_scoped3A_517 : memref<!tpu.dma_semaphore, #tpu.memory_space<semaphore_mem>>)
      %dma_wait3A_530 = arith.constant 0 : i32
      %dma_wait3A_531 = arith.constant 0 : i32
      %dma_wait3A_532 = tpu.memref_slice %arg8[%run_scoped3A_481, %dma_wait3A_530, %dma_wait3A_531] : memref<8x64x64xf32, #tpu.memory_space<vmem>> -> memref<1x64x64xf32, #tpu.memory_space<vmem>>
      %dma_wait3A_533 = tpu.memref_squeeze %dma_wait3A_532 : memref<1x64x64xf32, #tpu.memory_space<vmem>> -> memref<64x64xf32, #tpu.memory_space<vmem>>
      %dma_wait3A_534 = arith.constant 0 : i32
      %dma_wait3A_535 = tpu.memref_slice %arg5[%add3A_480, %dma_wait3A_534] : memref<163840x128xf32, #tpu.memory_space<hbm>> -> memref<64x64xf32, #tpu.memory_space<hbm>>
      %dma_wait3A_536 = arith.constant 0 : i32
      %dma_wait3A_537 = tpu.memref_slice %arg5[%add3A_480, %dma_wait3A_536] : memref<163840x128xf32, #tpu.memory_space<hbm>> -> memref<64x64xf32, #tpu.memory_space<hbm>>
      %dma_wait3A_538 = arith.constant 0 : i32
      %dma_wait3A_539 = arith.constant 0 : i32
      %dma_wait3A_540 = tpu.memref_slice %arg8[%run_scoped3A_481, %dma_wait3A_538, %dma_wait3A_539] : memref<8x64x64xf32, #tpu.memory_space<vmem>> -> memref<1x64x64xf32, #tpu.memory_space<vmem>>
      %dma_wait3A_541 = tpu.memref_squeeze %dma_wait3A_540 : memref<1x64x64xf32, #tpu.memory_space<vmem>> -> memref<64x64xf32, #tpu.memory_space<vmem>>
      tpu.wait_dma2 semaphore(%run_scoped3A_517 : memref<!tpu.dma_semaphore, #tpu.memory_space<semaphore_mem>>) src(%dma_wait3A_541 : memref<64x64xf32, #tpu.memory_space<vmem>>) dst(%dma_wait3A_537 : memref<64x64xf32, #tpu.memory_space<hbm>>)
      tpu.yield
    }) : () -> ()
    %run_scoped3A_482 = arith.constant 6 : i32
    "tpu.region"() ({
      %run_scoped3A_517 = tpu.sem_alloc : memref<!tpu.dma_semaphore, #tpu.memory_space<semaphore_mem>>
      %dma_start3A_518 = arith.constant 0 : i32
      %dma_start3A_519 = arith.constant 0 : i32
      %dma_start3A_520 = tpu.memref_slice %arg9[%run_scoped3A_482, %dma_start3A_518, %dma_start3A_519] : memref<8x64x64xf32, #tpu.memory_space<vmem>> -> memref<1x64x64xf32, #tpu.memory_space<vmem>>
      %dma_start3A_521 = tpu.memref_squeeze %dma_start3A_520 : memref<1x64x64xf32, #tpu.memory_space<vmem>> -> memref<64x64xf32, #tpu.memory_space<vmem>>
      %dma_start3A_522 = arith.constant 64 : i32
      %dma_start3A_523 = tpu.memref_slice %arg5[%add3A_480, %dma_start3A_522] : memref<163840x128xf32, #tpu.memory_space<hbm>> -> memref<64x64xf32, #tpu.memory_space<hbm>>
      %dma_start3A_524 = arith.constant 64 : i32
      %dma_start3A_525 = tpu.memref_slice %arg5[%add3A_480, %dma_start3A_524] : memref<163840x128xf32, #tpu.memory_space<hbm>> -> memref<64x64xf32, #tpu.memory_space<hbm>>
      %dma_start3A_526 = arith.constant 0 : i32
      %dma_start3A_527 = arith.constant 0 : i32
      %dma_start3A_528 = tpu.memref_slice %arg9[%run_scoped3A_482, %dma_start3A_526, %dma_start3A_527] : memref<8x64x64xf32, #tpu.memory_space<vmem>> -> memref<1x64x64xf32, #tpu.memory_space<vmem>>
      %dma_start3A_529 = tpu.memref_squeeze %dma_start3A_528 : memref<1x64x64xf32, #tpu.memory_space<vmem>> -> memref<64x64xf32, #tpu.memory_space<vmem>>
      tpu.enqueue_dma source(%dma_start3A_529 : memref<64x64xf32, #tpu.memory_space<vmem>>) target(%dma_start3A_525 : memref<64x64xf32, #tpu.memory_space<hbm>>) target_semaphore(%run_scoped3A_517 : memref<!tpu.dma_semaphore, #tpu.memory_space<semaphore_mem>>)
      %dma_wait3A_530 = arith.constant 0 : i32
      %dma_wait3A_531 = arith.constant 0 : i32
      %dma_wait3A_532 = tpu.memref_slice %arg9[%run_scoped3A_482, %dma_wait3A_530, %dma_wait3A_531] : memref<8x64x64xf32, #tpu.memory_space<vmem>> -> memref<1x64x64xf32, #tpu.memory_space<vmem>>
      %dma_wait3A_533 = tpu.memref_squeeze %dma_wait3A_532 : memref<1x64x64xf32, #tpu.memory_space<vmem>> -> memref<64x64xf32, #tpu.memory_space<vmem>>
      %dma_wait3A_534 = arith.constant 64 : i32
      %dma_wait3A_535 = tpu.memref_slice %arg5[%add3A_480, %dma_wait3A_534] : memref<163840x128xf32, #tpu.memory_space<hbm>> -> memref<64x64xf32, #tpu.memory_space<hbm>>
      %dma_wait3A_536 = arith.constant 64 : i32
      %dma_wait3A_537 = tpu.memref_slice %arg5[%add3A_480, %dma_wait3A_536] : memref<163840x128xf32, #tpu.memory_space<hbm>> -> memref<64x64xf32, #tpu.memory_space<hbm>>
      %dma_wait3A_538 = arith.constant 0 : i32
      %dma_wait3A_539 = arith.constant 0 : i32
      %dma_wait3A_540 = tpu.memref_slice %arg9[%run_scoped3A_482, %dma_wait3A_538, %dma_wait3A_539] : memref<8x64x64xf32, #tpu.memory_space<vmem>> -> memref<1x64x64xf32, #tpu.memory_space<vmem>>
      %dma_wait3A_541 = tpu.memref_squeeze %dma_wait3A_540 : memref<1x64x64xf32, #tpu.memory_space<vmem>> -> memref<64x64xf32, #tpu.memory_space<vmem>>
      tpu.wait_dma2 semaphore(%run_scoped3A_517 : memref<!tpu.dma_semaphore, #tpu.memory_space<semaphore_mem>>) src(%dma_wait3A_541 : memref<64x64xf32, #tpu.memory_space<vmem>>) dst(%dma_wait3A_537 : memref<64x64xf32, #tpu.memory_space<hbm>>)
      tpu.yield
    }) : () -> ()
    %dma_wait3A_483 = arith.constant 79 : i32
    %dma_wait3A_484 = arith.constant 7 : i32
    %dma_wait3A_485 = arith.constant 7 : i32
    %dma_wait3A_486 = arith.constant 0 : i32
    %dma_wait3A_487 = arith.constant 0 : i32
    %dma_wait3A_488 = tpu.memref_slice %arg8[%dma_wait3A_484, %dma_wait3A_486, %dma_wait3A_487] : memref<8x64x64xf32, #tpu.memory_space<vmem>> -> memref<1x64x64xf32, #tpu.memory_space<vmem>>
    %dma_wait3A_489 = tpu.memref_squeeze %dma_wait3A_488 : memref<1x64x64xf32, #tpu.memory_space<vmem>> -> memref<64x64xf32, #tpu.memory_space<vmem>>
    %dma_wait3A_490 = arith.constant 0 : i32
    %dma_wait3A_491 = tpu.memref_slice %arg6[%dma_wait3A_483, %dma_wait3A_490] : memref<80x64xi32, #tpu.memory_space<vmem>> -> memref<1x64xi32, #tpu.memory_space<vmem>>
    %dma_wait3A_492 = tpu.memref_squeeze %dma_wait3A_491 : memref<1x64xi32, #tpu.memory_space<vmem>> -> memref<64xi32, #tpu.memory_space<vmem>>
    %dma_wait3A_493 = arith.constant 0 : i32
    %dma_wait3A_494 = arith.constant 0 : i32
    %dma_wait3A_495 = tpu.memref_slice %arg2[%dma_wait3A_493, %dma_wait3A_494] : memref<1000000x64xf32, #tpu.memory_space<hbm>> -> memref<1000000x64xf32, #tpu.memory_space<hbm>>
    %dma_wait3A_496 = tpu.memref_slice %arg10[%dma_wait3A_485] : memref<8x!tpu.dma_semaphore, #tpu.memory_space<semaphore_mem>> -> memref<1x!tpu.dma_semaphore, #tpu.memory_space<semaphore_mem>>
    %dma_wait3A_497 = tpu.memref_squeeze %dma_wait3A_496 : memref<1x!tpu.dma_semaphore, #tpu.memory_space<semaphore_mem>> -> memref<!tpu.dma_semaphore, #tpu.memory_space<semaphore_mem>>
    tpu.wait_indirect_dma semaphore(%dma_wait3A_497 : memref<!tpu.dma_semaphore, #tpu.memory_space<semaphore_mem>>) src(%dma_wait3A_495 : memref<1000000x64xf32, #tpu.memory_space<hbm>>) dst(%dma_wait3A_489 : memref<64x64xf32, #tpu.memory_space<vmem>>)
    %dma_wait3A_498 = arith.constant 79 : i32
    %dma_wait3A_499 = arith.constant 7 : i32
    %dma_wait3A_500 = arith.constant 7 : i32
    %dma_wait3A_501 = arith.constant 0 : i32
    %dma_wait3A_502 = arith.constant 0 : i32
    %dma_wait3A_503 = tpu.memref_slice %arg9[%dma_wait3A_499, %dma_wait3A_501, %dma_wait3A_502] : memref<8x64x64xf32, #tpu.memory_space<vmem>> -> memref<1x64x64xf32, #tpu.memory_space<vmem>>
    %dma_wait3A_504 = tpu.memref_squeeze %dma_wait3A_503 : memref<1x64x64xf32, #tpu.memory_space<vmem>> -> memref<64x64xf32, #tpu.memory_space<vmem>>
    %dma_wait3A_505 = arith.constant 0 : i32
    %dma_wait3A_506 = tpu.memref_slice %arg7[%dma_wait3A_498, %dma_wait3A_505] : memref<80x64xi32, #tpu.memory_space<vmem>> -> memref<1x64xi32, #tpu.memory_space<vmem>>
    %dma_wait3A_507 = tpu.memref_squeeze %dma_wait3A_506 : memref<1x64xi32, #tpu.memory_space<vmem>> -> memref<64xi32, #tpu.memory_space<vmem>>
    %dma_wait3A_508 = arith.constant 0 : i32
    %dma_wait3A_509 = arith.constant 0 : i32
    %dma_wait3A_510 = tpu.memref_slice %arg2[%dma_wait3A_508, %dma_wait3A_509] : memref<1000000x64xf32, #tpu.memory_space<hbm>> -> memref<1000000x64xf32, #tpu.memory_space<hbm>>
    %dma_wait3A_511 = tpu.memref_slice %arg10[%dma_wait3A_500] : memref<8x!tpu.dma_semaphore, #tpu.memory_space<semaphore_mem>> -> memref<1x!tpu.dma_semaphore, #tpu.memory_space<semaphore_mem>>
    %dma_wait3A_512 = tpu.memref_squeeze %dma_wait3A_511 : memref<1x!tpu.dma_semaphore, #tpu.memory_space<semaphore_mem>> -> memref<!tpu.dma_semaphore, #tpu.memory_space<semaphore_mem>>
    tpu.wait_indirect_dma semaphore(%dma_wait3A_512 : memref<!tpu.dma_semaphore, #tpu.memory_space<semaphore_mem>>) src(%dma_wait3A_510 : memref<1000000x64xf32, #tpu.memory_space<hbm>>) dst(%dma_wait3A_504 : memref<64x64xf32, #tpu.memory_space<vmem>>)
    %add3A_513 = arith.constant 5056 : i32
    %add3A_514 = arith.addi %mul3A_2, %add3A_513 : i32
    %run_scoped3A_515 = arith.constant 7 : i32
    "tpu.region"() ({
      %run_scoped3A_517 = tpu.sem_alloc : memref<!tpu.dma_semaphore, #tpu.memory_space<semaphore_mem>>
      %dma_start3A_518 = arith.constant 0 : i32
      %dma_start3A_519 = arith.constant 0 : i32
      %dma_start3A_520 = tpu.memref_slice %arg8[%run_scoped3A_515, %dma_start3A_518, %dma_start3A_519] : memref<8x64x64xf32, #tpu.memory_space<vmem>> -> memref<1x64x64xf32, #tpu.memory_space<vmem>>
      %dma_start3A_521 = tpu.memref_squeeze %dma_start3A_520 : memref<1x64x64xf32, #tpu.memory_space<vmem>> -> memref<64x64xf32, #tpu.memory_space<vmem>>
      %dma_start3A_522 = arith.constant 0 : i32
      %dma_start3A_523 = tpu.memref_slice %arg5[%add3A_514, %dma_start3A_522] : memref<163840x128xf32, #tpu.memory_space<hbm>> -> memref<64x64xf32, #tpu.memory_space<hbm>>
      %dma_start3A_524 = arith.constant 0 : i32
      %dma_start3A_525 = tpu.memref_slice %arg5[%add3A_514, %dma_start3A_524] : memref<163840x128xf32, #tpu.memory_space<hbm>> -> memref<64x64xf32, #tpu.memory_space<hbm>>
      %dma_start3A_526 = arith.constant 0 : i32
      %dma_start3A_527 = arith.constant 0 : i32
      %dma_start3A_528 = tpu.memref_slice %arg8[%run_scoped3A_515, %dma_start3A_526, %dma_start3A_527] : memref<8x64x64xf32, #tpu.memory_space<vmem>> -> memref<1x64x64xf32, #tpu.memory_space<vmem>>
      %dma_start3A_529 = tpu.memref_squeeze %dma_start3A_528 : memref<1x64x64xf32, #tpu.memory_space<vmem>> -> memref<64x64xf32, #tpu.memory_space<vmem>>
      tpu.enqueue_dma source(%dma_start3A_529 : memref<64x64xf32, #tpu.memory_space<vmem>>) target(%dma_start3A_525 : memref<64x64xf32, #tpu.memory_space<hbm>>) target_semaphore(%run_scoped3A_517 : memref<!tpu.dma_semaphore, #tpu.memory_space<semaphore_mem>>)
      %dma_wait3A_530 = arith.constant 0 : i32
      %dma_wait3A_531 = arith.constant 0 : i32
      %dma_wait3A_532 = tpu.memref_slice %arg8[%run_scoped3A_515, %dma_wait3A_530, %dma_wait3A_531] : memref<8x64x64xf32, #tpu.memory_space<vmem>> -> memref<1x64x64xf32, #tpu.memory_space<vmem>>
      %dma_wait3A_533 = tpu.memref_squeeze %dma_wait3A_532 : memref<1x64x64xf32, #tpu.memory_space<vmem>> -> memref<64x64xf32, #tpu.memory_space<vmem>>
      %dma_wait3A_534 = arith.constant 0 : i32
      %dma_wait3A_535 = tpu.memref_slice %arg5[%add3A_514, %dma_wait3A_534] : memref<163840x128xf32, #tpu.memory_space<hbm>> -> memref<64x64xf32, #tpu.memory_space<hbm>>
      %dma_wait3A_536 = arith.constant 0 : i32
      %dma_wait3A_537 = tpu.memref_slice %arg5[%add3A_514, %dma_wait3A_536] : memref<163840x128xf32, #tpu.memory_space<hbm>> -> memref<64x64xf32, #tpu.memory_space<hbm>>
      %dma_wait3A_538 = arith.constant 0 : i32
      %dma_wait3A_539 = arith.constant 0 : i32
      %dma_wait3A_540 = tpu.memref_slice %arg8[%run_scoped3A_515, %dma_wait3A_538, %dma_wait3A_539] : memref<8x64x64xf32, #tpu.memory_space<vmem>> -> memref<1x64x64xf32, #tpu.memory_space<vmem>>
      %dma_wait3A_541 = tpu.memref_squeeze %dma_wait3A_540 : memref<1x64x64xf32, #tpu.memory_space<vmem>> -> memref<64x64xf32, #tpu.memory_space<vmem>>
      tpu.wait_dma2 semaphore(%run_scoped3A_517 : memref<!tpu.dma_semaphore, #tpu.memory_space<semaphore_mem>>) src(%dma_wait3A_541 : memref<64x64xf32, #tpu.memory_space<vmem>>) dst(%dma_wait3A_537 : memref<64x64xf32, #tpu.memory_space<hbm>>)
      tpu.yield
    }) : () -> ()
    %run_scoped3A_516 = arith.constant 7 : i32
    "tpu.region"() ({
      %run_scoped3A_517 = tpu.sem_alloc : memref<!tpu.dma_semaphore, #tpu.memory_space<semaphore_mem>>
      %dma_start3A_518 = arith.constant 0 : i32
      %dma_start3A_519 = arith.constant 0 : i32
      %dma_start3A_520 = tpu.memref_slice %arg9[%run_scoped3A_516, %dma_start3A_518, %dma_start3A_519] : memref<8x64x64xf32, #tpu.memory_space<vmem>> -> memref<1x64x64xf32, #tpu.memory_space<vmem>>
      %dma_start3A_521 = tpu.memref_squeeze %dma_start3A_520 : memref<1x64x64xf32, #tpu.memory_space<vmem>> -> memref<64x64xf32, #tpu.memory_space<vmem>>
      %dma_start3A_522 = arith.constant 64 : i32
      %dma_start3A_523 = tpu.memref_slice %arg5[%add3A_514, %dma_start3A_522] : memref<163840x128xf32, #tpu.memory_space<hbm>> -> memref<64x64xf32, #tpu.memory_space<hbm>>
      %dma_start3A_524 = arith.constant 64 : i32
      %dma_start3A_525 = tpu.memref_slice %arg5[%add3A_514, %dma_start3A_524] : memref<163840x128xf32, #tpu.memory_space<hbm>> -> memref<64x64xf32, #tpu.memory_space<hbm>>
      %dma_start3A_526 = arith.constant 0 : i32
      %dma_start3A_527 = arith.constant 0 : i32
      %dma_start3A_528 = tpu.memref_slice %arg9[%run_scoped3A_516, %dma_start3A_526, %dma_start3A_527] : memref<8x64x64xf32, #tpu.memory_space<vmem>> -> memref<1x64x64xf32, #tpu.memory_space<vmem>>
      %dma_start3A_529 = tpu.memref_squeeze %dma_start3A_528 : memref<1x64x64xf32, #tpu.memory_space<vmem>> -> memref<64x64xf32, #tpu.memory_space<vmem>>
      tpu.enqueue_dma source(%dma_start3A_529 : memref<64x64xf32, #tpu.memory_space<vmem>>) target(%dma_start3A_525 : memref<64x64xf32, #tpu.memory_space<hbm>>) target_semaphore(%run_scoped3A_517 : memref<!tpu.dma_semaphore, #tpu.memory_space<semaphore_mem>>)
      %dma_wait3A_530 = arith.constant 0 : i32
      %dma_wait3A_531 = arith.constant 0 : i32
      %dma_wait3A_532 = tpu.memref_slice %arg9[%run_scoped3A_516, %dma_wait3A_530, %dma_wait3A_531] : memref<8x64x64xf32, #tpu.memory_space<vmem>> -> memref<1x64x64xf32, #tpu.memory_space<vmem>>
      %dma_wait3A_533 = tpu.memref_squeeze %dma_wait3A_532 : memref<1x64x64xf32, #tpu.memory_space<vmem>> -> memref<64x64xf32, #tpu.memory_space<vmem>>
      %dma_wait3A_534 = arith.constant 64 : i32
      %dma_wait3A_535 = tpu.memref_slice %arg5[%add3A_514, %dma_wait3A_534] : memref<163840x128xf32, #tpu.memory_space<hbm>> -> memref<64x64xf32, #tpu.memory_space<hbm>>
      %dma_wait3A_536 = arith.constant 64 : i32
      %dma_wait3A_537 = tpu.memref_slice %arg5[%add3A_514, %dma_wait3A_536] : memref<163840x128xf32, #tpu.memory_space<hbm>> -> memref<64x64xf32, #tpu.memory_space<hbm>>
      %dma_wait3A_538 = arith.constant 0 : i32
      %dma_wait3A_539 = arith.constant 0 : i32
      %dma_wait3A_540 = tpu.memref_slice %arg9[%run_scoped3A_516, %dma_wait3A_538, %dma_wait3A_539] : memref<8x64x64xf32, #tpu.memory_space<vmem>> -> memref<1x64x64xf32, #tpu.memory_space<vmem>>
      %dma_wait3A_541 = tpu.memref_squeeze %dma_wait3A_540 : memref<1x64x64xf32, #tpu.memory_space<vmem>> -> memref<64x64xf32, #tpu.memory_space<vmem>>
      tpu.wait_dma2 semaphore(%run_scoped3A_517 : memref<!tpu.dma_semaphore, #tpu.memory_space<semaphore_mem>>) src(%dma_wait3A_541 : memref<64x64xf32, #tpu.memory_space<vmem>>) dst(%dma_wait3A_537 : memref<64x64xf32, #tpu.memory_space<hbm>>)
      tpu.yield
    }) : () -> ()
    return
  }
}

</mosaic_0001>

<sc_bundles>
// kernel: _gather.3.cloned.1.call-start
scs
__scs_entry_jumppad:
0x0: {  	(pc) =	sbr.rel $0x88, $3  }
0x1: {  	(tag) =	ssettag $0x0;
	lr =	simm.s32 $0x1  }
0x2: {  	[smem:$0x3F9E] =	sst lr;
	_ =	strace $0xD0000000  }
0x3: {  	_ = 	snop  }
0x4: {  	_ = 	snop  }
0x5: {  	_ = 	snop  }
0x6: {  	_ = 	snop  }
0x7: {  	_ = 	snop  }
__scs_overlays_trampoline_lowered:
0x8: {  	[smem:$0x3FAD] =	sst s0  }
0x9: {  	[smem:$0x3FAE] =	sst s1  }
0xa: {  	[smem:$0x3FAF] =	sst s2  }
0xb: {  	[smem:$0x3FB0] =	sst s3  }
0xc: {  	[smem:$0x3FB1] =	sst s4  }
0xd: {  	[smem:$0x3FB2] =	sst s5  }
0xe: {  	[smem:$0x3FB3] =	sst s6  }
0xf: {  	[smem:$0x3FB4] =	sst s7  }
0x10: {  	[smem:$0x3FB5] =	sst s8  }
0x11: {  	[smem:$0x3FB6] =	sst s9;
	s0 =	simm.s32 @!p0 $0x0  }
0x12: {  	s1 =	sld [smem:$0x3F9C];
	s0 =	simm.s32 @p0 $0x1  }
0x13: {  	[smem:$0x3FB7] =	sst s0;
	s0 =	simm.s32 @!p1 $0x0  }
0x14: {  	s2 =	sld [smem:$0x3F9B];
	s0 =	simm.s32 @p1 $0x1  }
0x15: {  	[smem:$0x3FB8] =	sst s0;
	s0 =	simm.s32 @!p2 $0x0  }
0x16: {  	s3 =	sld [smem:$0x3FDB];
	s0 =	simm.s32 @p2 $0x1  }
0x17: {  	s4 =	simm.s32 $0x1BF5;
	[smem:$0x3FBA] =	sst s0  }
0x18: {  	s0 =	sld [smem:$0x3F9D];
	_ =	swait.ge [sflag:s4], $0x0  }
0x19: {  	s7 =	sld [smem:$0x3F9E]  }
0x1a: {  	s8 =	sadd.s32 $0xFFFFE003, lr  }
0x1b: {  	s9 =	sadd.s32 $0xFFFFFEF7, lr;
	s5 =	simm.s32 $0xFFFFFFFF;
	p2 =	slt.u32 s8, $0xFFFFF086  }
0x1c: {  	p1 =	slt.u32 s9, $0xF7A;
	s5 =	simm.s32 @!p2 $0x0  }
0x1d: {  	s5 =	simm.s32 @p1 $0x1;
	p0 =	seq.s32 s7, s2  }
0x1e: {  	s7 =	smul.u32 @!p0 $0xF7A, s2;
	p2 =	seq.s32 @!p0 s5, $0x0  }
0x1f: {  	s9 =	smul.u32 $0xF7A, s1;
	s8 =	simm.s32 @!p0 $0x1BF5;
	p2 =	por !p2, p0  }
0x20: {  	[sflag:s8] =	ssyncset.s32 @!p0 $0xFFFFF086;
	s6 =	sadd.s32 @!p0 s3, s7;
	s7 =	simm.s32 @!p0 $0x108  }
0x21: {  	s3 =	sadd.s32 s3, s9;
	s6 =	sadd.s32 @!p0 $0x88, s6;
	s7 =	simm.s32 @p2 $0x1082  }
0x22: {  	[simem:s7], [sflag:s8] =	dma.local @!p0 [hbm:s6], $0xF7A  }
0x23: {  	s9 =	sor.u32 $0xD0000000, s2;
	s6 =	simm.s32 $0x108;
	_ =	swait.ge @!p0 [sflag:s8], $0x0  }
0x24: {  	s3 =	sadd.s32 $0x88, s3;
	s6 =	simm.s32 @!p1 $0x1082;
	[sflag:s4] =	ssyncset.s32 $0xFFFFF086  }
0x25: {  	[simem:s6], [sflag:s4] =	dma.local [hbm:s3], $0xF7A  }
0x26: {  	[smem:$0x3F9E] =	sst s1;
	(tag) =	ssettag s2;
	_ =	strace s9  }
0x27: {  	s1 =	sld [smem:$0x3FAE]  }
0x28: {  	s2 =	sld [smem:$0x3FAF]  }
0x29: {  	s4 =	sld [smem:$0x3FB1]  }
0x2a: {  	p0 =	seq.s32 s5, $0x0;
	s5 =	sld [smem:$0x3FB2]  }
0x2b: {  	s6 =	sld [smem:$0x3FB3]  }
0x2c: {  	s7 =	sld [smem:$0x3FB4]  }
0x2d: {  	s3 =	simm.s32 $0x108;
	s8 =	sld [smem:$0x3FB5]  }
0x2e: {  	s3 =	simm.s32 @!p0 $0x1082;
	s9 =	sld [smem:$0x3FB6]  }
0x2f: {  	lr =	sadd.s32 s0, s3;
	s0 =	sld [smem:$0x3FAD]  }
0x30: {  	s3 =	sld [smem:$0x3FB0]  }
0x31: {  	[smem:$0x3FB9] =	sst s10  }
0x32: {  	s10 =	sld [smem:$0x3FB7];
	_ =	sdelay $0x3  }
0x33: {  	p0 =	seq.s32 s10, $0x1;
	s10 =	sld [smem:$0x3FB9];
	_ =	sdelay $0x3  }
0x34: {  	[smem:$0x3FB9] =	sst s10  }
0x35: {  	s10 =	sld [smem:$0x3FB8];
	_ =	sdelay $0x3  }
0x36: {  	p1 =	seq.s32 s10, $0x1;
	s10 =	sld [smem:$0x3FB9];
	_ =	sdelay $0x3  }
0x37: {  	[smem:$0x3FB9] =	sst s10  }
0x38: {  	s10 =	sld [smem:$0x3FBA]  }
0x39: {  	_ = 	snop;
	(pc) =	sbr.ind lr, $3  }
0x3a: {  	_ = 	snop  }
0x3b: {  	_ = 	snop  }
0x3c: {  	p2 =	seq.s32 s10, $0x1;
	s10 =	sld [smem:$0x3FB9]  }
0x3d: {  	_ =	shalt  }
0x3e: {  	_ =	shalt  }
0x3f: {  	_ =	shalt  }
0x40: {  	_ =	shalt  }
0x41: {  	_ =	shalt  }
0x42: {  	_ =	shalt  }
0x43: {  	_ =	shalt  }
0x44: {  	_ =	shalt  }
0x45: {  	_ =	shalt  }
0x46: {  	_ =	shalt  }
0x47: {  	_ =	shalt  }
0x48: {  	_ =	shalt  }
0x49: {  	_ =	shalt  }
0x4a: {  	_ =	shalt  }
0x4b: {  	_ =	shalt  }
0x4c: {  	_ =	shalt  }
0x4d: {  	_ =	shalt  }
0x4e: {  	_ =	shalt  }
0x4f: {  	_ =	shalt  }
0x50: {  	_ =	shalt  }
0x51: {  	_ =	shalt  }
0x52: {  	_ =	shalt  }
0x53: {  	_ =	shalt  }
0x54: {  	_ =	shalt  }
0x55: {  	_ =	shalt  }
0x56: {  	_ =	shalt  }
0x57: {  	_ =	shalt  }
0x58: {  	_ =	shalt  }
0x59: {  	_ =	shalt  }
0x5a: {  	_ =	shalt  }
0x5b: {  	_ =	shalt  }
0x5c: {  	_ =	shalt  }
0x5d: {  	_ =	shalt  }
0x5e: {  	_ =	shalt  }
0x5f: {  	_ =	shalt  }
0x60: {  	_ =	shalt  }
0x61: {  	_ =	shalt  }
0x62: {  	_ =	shalt  }
0x63: {  	_ =	shalt  }
0x64: {  	_ =	shalt  }
0x65: {  	_ =	shalt  }
0x66: {  	_ =	shalt  }
0x67: {  	_ =	shalt  }
0x68: {  	_ =	shalt  }
0x69: {  	_ =	shalt  }
0x6a: {  	_ =	shalt  }
0x6b: {  	_ =	shalt  }
0x6c: {  	_ =	shalt  }
0x6d: {  	_ =	shalt  }
0x6e: {  	_ =	shalt  }
0x6f: {  	_ =	shalt  }
0x70: {  	_ =	shalt  }
0x71: {  	_ =	shalt  }
0x72: {  	_ =	shalt  }
0x73: {  	_ =	shalt  }
0x74: {  	_ =	shalt  }
0x75: {  	_ =	shalt  }
0x76: {  	_ =	shalt  }
0x77: {  	_ =	shalt  }
0x78: {  	_ =	shalt  }
0x79: {  	_ =	shalt  }
0x7a: {  	_ =	shalt  }
0x7b: {  	_ =	shalt  }
0x7c: {  	_ =	shalt  }
0x7d: {  	_ =	shalt  }
0x7e: {  	_ =	shalt  }
0x7f: {  	_ =	shalt  }
0x80: {  	_ =	shalt  }
0x81: {  	_ =	shalt  }
0x82: {  	_ =	shalt  }
0x83: {  	_ =	shalt  }
0x84: {  	_ =	shalt  }
0x85: {  	_ =	shalt  }
0x86: {  	_ =	shalt  }
0x87: {  	_ =	shalt  }
.Lfunc_end0:
.L_simem_size_0:
called_computation_lowered:
.L_overlay_start_0:
0x88: {  	s2 =	sld [smem:$0x3FD9]  }
0x89: {  	s3 =	sld [smem:$0x3FFE];
	_ =	sdelay $0x1  }
0x8a: {  	s1 =	srdreg.scid  }
0x8b: {  	s0 =	sand.u32 $0x1, s1  }
0x8c: {  	s17 =	sshll.u32 s0, $0xA;
	s2 =	sadd.s32 s3, s2  }
0x8d: {  	s2 =	sadd.s32 s2, s17  }
0x8e: {  	[smem:$0x3FC5] =	sst s2  }
0x8f: {  	_ = 	snop  }
0x90: {  	s2 =	sld [smem:$0x3FD0];
	(tm) =	ssettm $0x1  }
0x91: {  	s18 =	sld [smem:$0x3FFB];
	_ =	sdelay $0x3  }
0x92: {  	_ =	strace s18  }
0x93: {  	s3 =	sld [smem:$0x3FFC];
	_ =	sdelay $0x3  }
0x94: {  	_ =	strace s3  }
0x95: {  	s3 =	sld [smem:$0x3FFD];
	_ =	sdelay $0x3  }
0x96: {  	_ =	strace s3  }
0x97: {  	_ =	strace $0x8FFFFFFF  }
0x98: {  	s19 =	sld [smem:$0x3FDB];
	_ =	sdelay $0x1  }
0x99: {  	s4 =	simm.s32 $_scs_section_size  }
0x9a: {  	s5 =	simm.s32 $_size__tile_overlayer_lowered;
	s6 =	simm.s32 $_tile_overlayer_lowered  }
0x9b: {  	s22 =	simm.s32 $0x1BFF;
	s21 =	sshll.u32 s6, $0x1;
	s3 =	sadd.s32 s4, s19  }
0x9c: {  	s7 =	simm.s32 $0x0;
	s20 =	sshll.u32 s5, $0x1;
	s5 =	sadd.s32 s21, s3  }
0x9d: {  	[timem:s7], [sflag:s22] =	dma.local [hbm:s5], s20  }
0x9e: {  	_ =	swait.ge [sflag:s22], s20  }
0x9f: {  	s4 =	ssub.s32 $0x0, s20;
	[sflag:s22] =	ssyncset.done $0x0  }
0xa0: {  	[sflag:s22] =	ssyncadd.s32 s4;
	_ =	sdelay $0x1  }
0xa1: {  	s23 =	simm.s32 $0x1B8B  }
0xa2: {  	_ =	swait.ge [sflag:s23], $0x1  }
0xa3: {  	[sflag:s23] =	ssyncset.done $0x0  }
0xa4: {  	s25 =	simm.s32 $0x1B8E;
	s24 =	sld [smem:$0x3FFE];
	[sflag:s23] =	ssyncadd.s32 $0xFFFFFFFF  }
0xa5: {  	s26 =	simm.s32 $execute0_lowered;
	[smem:$0x3FD2] =	sst s25  }
0xa6: {  	s5 =	sshll.u32 s26, $0x1;
	_ =	strace $0x80000046;
	[dreg:$0x1] =	wrdreg $0xFFFFFFFF  }
0xa7: {  	s28 =	simm.s32 $_size_execute0_lowered;
	s3 =	sadd.s32 s3, s5;
	[dreg:$0x0] =	wrdreg $0x0  }
0xa8: {  	s5 =	sshll.u32 s28, $0x1;
	[dreg:$0x2] =	wrdreg s3  }
0xa9: {  	[dreg:$0x3] =	wrdreg s5  }
0xaa: {  	[dreg:$0x4] =	wrdreg $0xC0  }
0xab: {  	_ =	task [dreg:s7], $0x5FFFF  }
0xac: {  	[dreg:$0x1] =	wrdreg $0xFFFFFFFF  }
0xad: {  	[dreg:$0x0] =	wrdreg $0x60  }
0xae: {  	[dreg:$0x2] =	wrdreg s24  }
0xaf: {  	[dreg:$0x3] =	wrdreg s2  }
0xb0: {  	[dreg:$0x4] =	wrdreg $0x9  }
0xb1: {  	_ =	task.clear_ibuf [dreg:s7], $0x5FFFF;
	_ =	strace $0x90000046  }
0xb2: {  	s29 =	simm.s32 $0x9;
	_ =	strace $0x80000048  }
0xb3: {  	_ =	swait.ge [sflag:s29], $0x1  }
0xb4: {  	[sflag:s29] =	ssyncadd.s32 $0xFFFFFFFF  }
0xb5: {  	_ =	strace $0x90000048  }
0xb6: {  	_ =	sfence  }
0xb7: {  	s30 =	sld [smem:$0x0];
	_ =	sdelay $0x2  }
0xb8: {  	s31 =	sshll.u32 s1, $0xD;
	s1 =	sshrl.u32 s1, $0x2  }
0xb9: {  	s3 =	sand.u32 $0x4000, s31;
	s1 =	sadd.s32 s1, s30  }
0xba: {  	s0 =	sor.u32 s3, s0;
	s1 =	sshll.u32 s1, $0x11  }
0xbb: {  	s0 =	sor.u32 s1, s0  }
0xbc: {  	s0 =	sadd.s32 $0x8F2B, s0  }
0xbd: {  	[sflag:s0] =	ssyncadd.remote.s32 $0x1  }
0xbe: {  	_ =	sfence.sel $0xFFFF  }
0xbf: {  	[dreg:$0x0] =	wrdreg $0xFFFFFFFF;
	(pc) =	sbr.abs _section_cstart, $3  }
0xc0: {  	[dreg:$0x1] =	wrdreg $0xFFFFFFFF  }
0xc1: {  	_ =	task.clear_ibuf [dreg:s7], $0x2FFFF;
	_ =	strace $0x9FFFFFFF  }
0xc2: {  	(tm) =	ssettm $0x7FFFFFFF  }
0xc3: {  	_ =	shalt  }
tec
execute0_lowered:
.L_overlay_start_1:
0x0: {  	(tag) =	ssettag $0x1  }
0x1: {  	s1 =	srdreg.scid;
	s8 =	stileid.u32  }
0x2: {  	s1 =	sand.u32 $0x1, s1;
	s3 =	sshll.u32 s8, $0x1  }
0x3: {  	s0 =	rddreg [dreg:$0x0];
	s4 =	simm.s32 $0x0;
	s3 =	sor.u32 s1, s3  }
0x4: {  	[smem:$0x7FF] =	sst s4;
	s5 =	ssub.s32 $0x2, s1;
	s30 =	smul.u32 $0x1400, s3  }
0x5: {  	s2 =	rddreg [dreg:$0x1];
	_ =	strace $0x80000047;
	s7 =	sshrl.u32 s5, $0x1  }
0x6: {  	s6 =	smul.u32 $0xA0000, s3;
	s31 =	ssub.s32 s5, s7;
	s4 =	sshrl.u32 s30, $0x3  }
0x7: {  	s3 =	sadd.s32 $0xF42C00, s0;
	s30 =	smax.u32 s31, $0x1;
	s0 =	sadd.s32 s4, s0  }
0x8: {  	s7 =	sshrl.u32 s6, $0x3;
	[dreg:$0x17] =	wrdreg s30;
	s9 =	sadd.s32 $0x5800, s0  }
0x9: {  	s10 =	sadd.s32 s2, s7;
	s0 =	sadd.s32 $0x800, s0;
	[dreg:$0x5] =	wrdreg s9  }
0xa: {  	s5 =	sadd.s32 $0x12000, s10;
	[dreg:$0x6] =	wrdreg s0  }
0xb: {  	s11 =	sadd.s32 $0x12008, s10;
	[dreg:$0x7] =	wrdreg s5  }
0xc: {  	s12 =	sadd.s32 $0x12400, s10;
	[dreg:$0x8] =	wrdreg s11  }
0xd: {  	s13 =	sadd.s32 $0x12408, s10;
	[dreg:$0x9] =	wrdreg s12  }
0xe: {  	s14 =	sadd.s32 $0x12800, s10;
	[dreg:$0xa] =	wrdreg s13  }
0xf: {  	s16 =	sadd.s32 $0x12808, s10;
	[dreg:$0xb] =	wrdreg s14  }
0x10: {  	s17 =	sadd.s32 $0x12C00, s10;
	[dreg:$0xc] =	wrdreg s16  }
0x11: {  	s19 =	sadd.s32 $0x12C08, s10;
	[dreg:$0xd] =	wrdreg s17  }
0x12: {  	s20 =	sadd.s32 $0x13000, s10;
	[dreg:$0xe] =	wrdreg s19  }
0x13: {  	s29 =	simm.s32 $0x2800;
	s21 =	sadd.s32 $0x13008, s10;
	[dreg:$0xf] =	wrdreg s20  }
0x14: {  	s15 =	smul.u32 $0x140000, s8;
	s22 =	sadd.s32 $0x13400, s10;
	[dreg:$0x10] =	wrdreg s21  }
0x15: {  	s25 =	smul.u32 $0x28000, s8;
	s23 =	sadd.s32 $0x13408, s10;
	[dreg:$0x11] =	wrdreg s22  }
0x16: {  	s18 =	smul.u32 $0xA0000, s1;
	s24 =	sadd.s32 $0x13800, s10;
	[dreg:$0x12] =	wrdreg s23  }
0x17: {  	s1 =	smul.u32 $0x14000, s1;
	s26 =	sadd.s32 $0x13808, s10;
	[dreg:$0x13] =	wrdreg s24  }
0x18: {  	s28 =	sadd.s32 $0x13C00, s10;
	s5 =	sadd.s32 s18, s15;
	[dreg:$0x14] =	wrdreg s26  }
0x19: {  	[dreg:$0x15] =	wrdreg s28;
	s0 =	sadd.s32 $0x13C08, s10;
	s23 =	simm.s32 $0x9  }
0x1a: {  	s17 =	simm.s32 $0x4;
	s18 =	simm.s32 $0x5;
	s19 =	simm.s32 $0x6  }
0x1b: {  	s24 =	simm.s32 $0x7;
	s20 =	simm.s32 $0x8;
	s5 =	sshrl.u32 s5, $0x3  }
0x1c: {  	[dreg:$0x16] =	wrdreg s0;
	s5 =	sadd.s32 s5, s2;
	s2 =	sadd.s32 s25, s2  }
0x1d: {  	s0 =	simm.s32 $0x0;
	[dreg:$0x3] =	wrdreg s5;
	s31 =	sadd.s32 s1, s2  }
0x1e: {  	s25 =	simm.s32 $0x40;
	s1 =	simm.s32 $0x80;
	[dreg:$0x4] =	wrdreg s31  }
.LBB2_1:
0x1f: {  	[dreg:$0x18] =	wrdreg s0  }
0x20: {  	s2 =	simm.s32 $0x0;
	s21 =	rddreg [dreg:$0x5]  }
0x21: {  	[tilespmem:s2], [sflag:$0x9] =	stream.linear.gather [hbm4b:s21+s2], $0x1400, $0x38;
	[tilespmem:$0x12800] =	vst v63  }
0x22: {  	_ =	swait.ge [sflag:s23], $0x1400  }
0x23: {  	[sflag:s23] =	ssyncset.done $0x0  }
0x24: {  	s22 =	simm.s32 $0x1400;
	s6 =	rddreg [dreg:$0x6];
	[sflag:s23] =	ssyncadd.s32 $0xFFFFEC00  }
0x25: {  	[tilespmem:s22], [sflag:$0x9] =	stream.linear.gather [hbm4b:s6+s2], $0x1400, $0x38;
	[tilespmem:$0x12800] =	vst v63  }
0x26: {  	_ =	swait.ge [sflag:s23], $0x1400  }
0x27: {  	[sflag:s23] =	ssyncset.done $0x0  }
0x28: {  	s21 =	simm.s32 $0x2800;
	[sflag:s23] =	ssyncadd.s32 $0xFFFFEC00  }
0x29: {  	[tilespmem:s21], [sflag:$0x1] =	stream.indirect.gather [hbm4b:s3+s25], $0x40, s2, s25, $0xb8;
	[tilespmem:$0x12800] =	vst v63  }
0x2a: {  	s26 =	simm.s32 $0xA800  }
0x2b: {  	[tilespmem:s26], [sflag:$0x1] =	stream.indirect.gather [hbm4b:s3+s25], $0x40, s22, s25, $0xb8;
	[tilespmem:$0x12800] =	vst v63  }
0x2c: {  	s0 =	simm.s32 $0x3800  }
0x2d: {  	[tilespmem:s0], [sflag:$0x2] =	stream.indirect.gather [hbm4b:s3+s25], $0x40, s25, s25, $0xb8;
	[tilespmem:$0x12800] =	vst v63  }
0x2e: {  	s7 =	simm.s32 $0x1440;
	s22 =	simm.s32 $0xB800  }
0x2f: {  	[tilespmem:s22], [sflag:$0x2] =	stream.indirect.gather [hbm4b:s3+s25], $0x40, s7, s25, $0xb8;
	[tilespmem:$0x12800] =	vst v63  }
0x30: {  	s4 =	simm.s32 $0x4800  }
0x31: {  	[tilespmem:s4], [sflag:$0x3] =	stream.indirect.gather [hbm4b:s3+s25], $0x40, s1, s25, $0xb8;
	[tilespmem:$0x12800] =	vst v63  }
0x32: {  	s8 =	simm.s32 $0x1480;
	s5 =	simm.s32 $0xC800  }
0x33: {  	[tilespmem:s5], [sflag:$0x3] =	stream.indirect.gather [hbm4b:s3+s25], $0x40, s8, s25, $0xb8;
	[tilespmem:$0x12800] =	vst v63  }
0x34: {  	s9 =	simm.s32 $0xC0;
	s6 =	simm.s32 $0x5800  }
0x35: {  	[tilespmem:s6], [sflag:$0x4] =	stream.indirect.gather [hbm4b:s3+s25], $0x40, s9, s25, $0xb8;
	[tilespmem:$0x12800] =	vst v63  }
0x36: {  	s10 =	simm.s32 $0x14C0;
	s7 =	simm.s32 $0xD800  }
0x37: {  	[tilespmem:s7], [sflag:$0x4] =	stream.indirect.gather [hbm4b:s3+s25], $0x40, s10, s25, $0xb8;
	[tilespmem:$0x12800] =	vst v63  }
0x38: {  	s11 =	simm.s32 $0x100;
	s8 =	simm.s32 $0x6800  }
0x39: {  	[tilespmem:s8], [sflag:$0x5] =	stream.indirect.gather [hbm4b:s3+s25], $0x40, s11, s25, $0xb8;
	[tilespmem:$0x12800] =	vst v63  }
0x3a: {  	s12 =	simm.s32 $0x1500;
	s9 =	simm.s32 $0xE800  }
0x3b: {  	[tilespmem:s9], [sflag:$0x5] =	stream.indirect.gather [hbm4b:s3+s25], $0x40, s12, s25, $0xb8;
	[tilespmem:$0x12800] =	vst v63  }
0x3c: {  	s13 =	simm.s32 $0x140;
	s10 =	simm.s32 $0x7800  }
0x3d: {  	[tilespmem:s10], [sflag:$0x6] =	stream.indirect.gather [hbm4b:s3+s25], $0x40, s13, s25, $0xb8;
	[tilespmem:$0x12800] =	vst v63  }
0x3e: {  	s14 =	simm.s32 $0x1540;
	s11 =	simm.s32 $0xF800  }
0x3f: {  	[tilespmem:s11], [sflag:$0x6] =	stream.indirect.gather [hbm4b:s3+s25], $0x40, s14, s25, $0xb8;
	[tilespmem:$0x12800] =	vst v63  }
0x40: {  	s15 =	simm.s32 $0x180;
	s12 =	simm.s32 $0x8800  }
0x41: {  	[tilespmem:s12], [sflag:$0x7] =	stream.indirect.gather [hbm4b:s3+s25], $0x40, s15, s25, $0xb8;
	[tilespmem:$0x12800] =	vst v63  }
0x42: {  	s16 =	simm.s32 $0x1580;
	s13 =	simm.s32 $0x10800  }
0x43: {  	[tilespmem:s13], [sflag:$0x7] =	stream.indirect.gather [hbm4b:s3+s25], $0x40, s16, s25, $0xb8;
	[tilespmem:$0x12800] =	vst v63  }
0x44: {  	s28 =	simm.s32 $0x1C0;
	s14 =	simm.s32 $0x9800  }
0x45: {  	[tilespmem:s14], [sflag:$0x8] =	stream.indirect.gather [hbm4b:s3+s25], $0x40, s28, s25, $0xb8;
	[tilespmem:$0x12800] =	vst v63  }
0x46: {  	s30 =	simm.s32 $0x15C0;
	s15 =	simm.s32 $0x11800;
	s16 =	simm.s32 $0x1  }
0x47: {  	[tilespmem:s15], [sflag:$0x8] =	stream.indirect.gather [hbm4b:s3+s25], $0x40, s30, s25, $0xb8;
	[tilespmem:$0x12800] =	vst v63  }
0x48: {  	_ =	swait.ge [sflag:s16], $0x1000  }
0x49: {  	[sflag:s16] =	ssyncset.done $0x0  }
0x4a: {  	[sflag:s16] =	ssyncadd.s32 $0xFFFFF000  }
0x4b: {  	_ =	swait.ge [sflag:s16], $0x1000  }
0x4c: {  	s31 =	rddreg [dreg:$0x3];
	[sflag:s16] =	ssyncset.done $0x0  }
0x4d: {  	[sflag:s16] =	ssyncadd.s32 $0xFFFFF000;
	s2 =	sadd.s32 $0x0, s31  }
0x4e: {  	[hbm4b:s2+s25] =	stream.strided.scatter [tilespmem:s21], [sflag:$0x9], $0x1000, s1, s25, $0x38;
	[tilespmem:$0x12800] =	vst v63  }
0x4f: {  	_ =	swait.ge [sflag:s23], $0x1000  }
0x50: {  	[sflag:s23] =	ssyncset.done $0x0  }
0x51: {  	s2 =	sadd.s32 $0x8, s2;
	[sflag:s23] =	ssyncadd.s32 $0xFFFFF000  }
0x52: {  	[hbm4b:s2+s25] =	stream.strided.scatter [tilespmem:s26], [sflag:$0x9], $0x1000, s1, s25, $0x38;
	[tilespmem:$0x12800] =	vst v63  }
0x53: {  	_ =	swait.ge [sflag:s23], $0x1000  }
0x54: {  	[sflag:s23] =	ssyncset.done $0x0  }
0x55: {  	s16 =	simm.s32 $0x200;
	[sflag:s23] =	ssyncadd.s32 $0xFFFFF000  }
0x56: {  	[tilespmem:s21], [sflag:$0x1] =	stream.indirect.gather [hbm4b:s3+s25], $0x40, s16, s25, $0xb8;
	[tilespmem:$0x12800] =	vst v63  }
0x57: {  	s28 =	simm.s32 $0x2;
	s21 =	simm.s32 $0x1600  }
0x58: {  	[tilespmem:s26], [sflag:$0x1] =	stream.indirect.gather [hbm4b:s3+s25], $0x40, s21, s25, $0xb8;
	[tilespmem:$0x12800] =	vst v63  }
0x59: {  	_ =	swait.ge [sflag:s28], $0x1000  }
0x5a: {  	[sflag:s28] =	ssyncset.done $0x0  }
0x5b: {  	[sflag:s28] =	ssyncadd.s32 $0xFFFFF000  }
0x5c: {  	_ =	swait.ge [sflag:s28], $0x1000  }
0x5d: {  	s30 =	rddreg [dreg:$0x4]  }
0x5e: {  	[sflag:s28] =	ssyncset.done $0x0;
	s2 =	sadd.s32 $0x0, s30  }
0x5f: {  	[sflag:s28] =	ssyncadd.s32 $0xFFFFF000;
	s31 =	sadd.s32 $0x400, s2  }
0x60: {  	[hbm4b:s31+s25] =	stream.strided.scatter [tilespmem:s0], [sflag:$0x9], $0x1000, s1, s25, $0x38;
	[tilespmem:$0x12800] =	vst v63  }
0x61: {  	_ =	swait.ge [sflag:s23], $0x1000  }
0x62: {  	[sflag:s23] =	ssyncset.done $0x0  }
0x63: {  	s16 =	sadd.s32 $0x408, s2;
	[sflag:s23] =	ssyncadd.s32 $0xFFFFF000  }
0x64: {  	[hbm4b:s16+s25] =	stream.strided.scatter [tilespmem:s22], [sflag:$0x9], $0x1000, s1, s25, $0x38;
	[tilespmem:$0x12800] =	vst v63  }
0x65: {  	_ =	swait.ge [sflag:s23], $0x1000  }
0x66: {  	[sflag:s23] =	ssyncset.done $0x0  }
0x67: {  	s26 =	simm.s32 $0x240;
	[sflag:s23] =	ssyncadd.s32 $0xFFFFF000  }
0x68: {  	[tilespmem:s0], [sflag:$0x2] =	stream.indirect.gather [hbm4b:s3+s25], $0x40, s26, s25, $0xb8;
	[tilespmem:$0x12800] =	vst v63  }
0x69: {  	s28 =	simm.s32 $0x1640;
	s30 =	simm.s32 $0x3  }
0x6a: {  	[tilespmem:s22], [sflag:$0x2] =	stream.indirect.gather [hbm4b:s3+s25], $0x40, s28, s25, $0xb8;
	[tilespmem:$0x12800] =	vst v63  }
0x6b: {  	_ =	swait.ge [sflag:s30], $0x1000  }
0x6c: {  	[sflag:s30] =	ssyncset.done $0x0  }
0x6d: {  	[sflag:s30] =	ssyncadd.s32 $0xFFFFF000  }
0x6e: {  	_ =	swait.ge [sflag:s30], $0x1000  }
0x6f: {  	[sflag:s30] =	ssyncset.done $0x0  }
0x70: {  	s31 =	sadd.s32 $0x800, s2;
	[sflag:s30] =	ssyncadd.s32 $0xFFFFF000  }
0x71: {  	[hbm4b:s31+s25] =	stream.strided.scatter [tilespmem:s4], [sflag:$0x9], $0x1000, s1, s25, $0x38;
	[tilespmem:$0x12800] =	vst v63  }
0x72: {  	_ =	swait.ge [sflag:s23], $0x1000  }
0x73: {  	[sflag:s23] =	ssyncset.done $0x0  }
0x74: {  	s0 =	sadd.s32 $0x808, s2;
	[sflag:s23] =	ssyncadd.s32 $0xFFFFF000  }
0x75: {  	[hbm4b:s0+s25] =	stream.strided.scatter [tilespmem:s5], [sflag:$0x9], $0x1000, s1, s25, $0x38;
	[tilespmem:$0x12800] =	vst v63  }
0x76: {  	_ =	swait.ge [sflag:s23], $0x1000  }
0x77: {  	[sflag:s23] =	ssyncset.done $0x0  }
0x78: {  	s16 =	simm.s32 $0x280;
	[sflag:s23] =	ssyncadd.s32 $0xFFFFF000  }
0x79: {  	[tilespmem:s4], [sflag:$0x3] =	stream.indirect.gather [hbm4b:s3+s25], $0x40, s16, s25, $0xb8;
	[tilespmem:$0x12800] =	vst v63  }
0x7a: {  	s22 =	simm.s32 $0x1680  }
0x7b: {  	[tilespmem:s5], [sflag:$0x3] =	stream.indirect.gather [hbm4b:s3+s25], $0x40, s22, s25, $0xb8;
	[tilespmem:$0x12800] =	vst v63  }
0x7c: {  	_ =	swait.ge [sflag:s17], $0x1000  }
0x7d: {  	[sflag:s17] =	ssyncset.done $0x0  }
0x7e: {  	[sflag:s17] =	ssyncadd.s32 $0xFFFFF000  }
0x7f: {  	_ =	swait.ge [sflag:s17], $0x1000  }
0x80: {  	[sflag:s17] =	ssyncset.done $0x0  }
0x81: {  	s26 =	sadd.s32 $0xC00, s2;
	[sflag:s17] =	ssyncadd.s32 $0xFFFFF000  }
0x82: {  	[hbm4b:s26+s25] =	stream.strided.scatter [tilespmem:s6], [sflag:$0x9], $0x1000, s1, s25, $0x38;
	[tilespmem:$0x12800] =	vst v63  }
0x83: {  	_ =	swait.ge [sflag:s23], $0x1000  }
0x84: {  	[sflag:s23] =	ssyncset.done $0x0  }
0x85: {  	s28 =	sadd.s32 $0xC08, s2;
	[sflag:s23] =	ssyncadd.s32 $0xFFFFF000  }
0x86: {  	[hbm4b:s28+s25] =	stream.strided.scatter [tilespmem:s7], [sflag:$0x9], $0x1000, s1, s25, $0x38;
	[tilespmem:$0x12800] =	vst v63  }
0x87: {  	_ =	swait.ge [sflag:s23], $0x1000  }
0x88: {  	[sflag:s23] =	ssyncset.done $0x0  }
0x89: {  	s30 =	simm.s32 $0x2C0;
	[sflag:s23] =	ssyncadd.s32 $0xFFFFF000  }
0x8a: {  	[tilespmem:s6], [sflag:$0x4] =	stream.indirect.gather [hbm4b:s3+s25], $0x40, s30, s25, $0xb8;
	[tilespmem:$0x12800] =	vst v63  }
0x8b: {  	s31 =	simm.s32 $0x16C0  }
0x8c: {  	[tilespmem:s7], [sflag:$0x4] =	stream.indirect.gather [hbm4b:s3+s25], $0x40, s31, s25, $0xb8;
	[tilespmem:$0x12800] =	vst v63  }
0x8d: {  	_ =	swait.ge [sflag:s18], $0x1000  }
0x8e: {  	[sflag:s18] =	ssyncset.done $0x0  }
0x8f: {  	[sflag:s18] =	ssyncadd.s32 $0xFFFFF000  }
0x90: {  	_ =	swait.ge [sflag:s18], $0x1000  }
0x91: {  	[sflag:s18] =	ssyncset.done $0x0  }
0x92: {  	s0 =	sadd.s32 $0x1000, s2;
	[sflag:s18] =	ssyncadd.s32 $0xFFFFF000  }
0x93: {  	[hbm4b:s0+s25] =	stream.strided.scatter [tilespmem:s8], [sflag:$0x9], $0x1000, s1, s25, $0x38;
	[tilespmem:$0x12800] =	vst v63  }
0x94: {  	_ =	swait.ge [sflag:s23], $0x1000  }
0x95: {  	[sflag:s23] =	ssyncset.done $0x0  }
0x96: {  	s4 =	sadd.s32 $0x1008, s2;
	[sflag:s23] =	ssyncadd.s32 $0xFFFFF000  }
0x97: {  	[hbm4b:s4+s25] =	stream.strided.scatter [tilespmem:s9], [sflag:$0x9], $0x1000, s1, s25, $0x38;
	[tilespmem:$0x12800] =	vst v63  }
0x98: {  	_ =	swait.ge [sflag:s23], $0x1000  }
0x99: {  	[sflag:s23] =	ssyncset.done $0x0  }
0x9a: {  	s5 =	simm.s32 $0x300;
	[sflag:s23] =	ssyncadd.s32 $0xFFFFF000  }
0x9b: {  	[tilespmem:s8], [sflag:$0x5] =	stream.indirect.gather [hbm4b:s3+s25], $0x40, s5, s25, $0xb8;
	[tilespmem:$0x12800] =	vst v63  }
0x9c: {  	s6 =	simm.s32 $0x1700  }
0x9d: {  	[tilespmem:s9], [sflag:$0x5] =	stream.indirect.gather [hbm4b:s3+s25], $0x40, s6, s25, $0xb8;
	[tilespmem:$0x12800] =	vst v63  }
0x9e: {  	_ =	swait.ge [sflag:s19], $0x1000  }
0x9f: {  	[sflag:s19] =	ssyncset.done $0x0  }
0xa0: {  	[sflag:s19] =	ssyncadd.s32 $0xFFFFF000  }
0xa1: {  	_ =	swait.ge [sflag:s19], $0x1000  }
0xa2: {  	[sflag:s19] =	ssyncset.done $0x0  }
0xa3: {  	s7 =	sadd.s32 $0x1400, s2;
	[sflag:s19] =	ssyncadd.s32 $0xFFFFF000  }
0xa4: {  	[hbm4b:s7+s25] =	stream.strided.scatter [tilespmem:s10], [sflag:$0x9], $0x1000, s1, s25, $0x38;
	[tilespmem:$0x12800] =	vst v63  }
0xa5: {  	_ =	swait.ge [sflag:s23], $0x1000  }
0xa6: {  	[sflag:s23] =	ssyncset.done $0x0  }
0xa7: {  	s8 =	sadd.s32 $0x1408, s2;
	[sflag:s23] =	ssyncadd.s32 $0xFFFFF000  }
0xa8: {  	[hbm4b:s8+s25] =	stream.strided.scatter [tilespmem:s11], [sflag:$0x9], $0x1000, s1, s25, $0x38;
	[tilespmem:$0x12800] =	vst v63  }
0xa9: {  	_ =	swait.ge [sflag:s23], $0x1000  }
0xaa: {  	[sflag:s23] =	ssyncset.done $0x0  }
0xab: {  	s9 =	simm.s32 $0x340;
	[sflag:s23] =	ssyncadd.s32 $0xFFFFF000  }
0xac: {  	[tilespmem:s10], [sflag:$0x6] =	stream.indirect.gather [hbm4b:s3+s25], $0x40, s9, s25, $0xb8;
	[tilespmem:$0x12800] =	vst v63  }
0xad: {  	s10 =	simm.s32 $0x1740  }
0xae: {  	[tilespmem:s11], [sflag:$0x6] =	stream.indirect.gather [hbm4b:s3+s25], $0x40, s10, s25, $0xb8;
	[tilespmem:$0x12800] =	vst v63  }
0xaf: {  	_ =	swait.ge [sflag:s24], $0x1000  }
0xb0: {  	[sflag:s24] =	ssyncset.done $0x0  }
0xb1: {  	[sflag:s24] =	ssyncadd.s32 $0xFFFFF000  }
0xb2: {  	_ =	swait.ge [sflag:s24], $0x1000  }
0xb3: {  	[sflag:s24] =	ssyncset.done $0x0  }
0xb4: {  	s16 =	sadd.s32 $0x1800, s2;
	[sflag:s24] =	ssyncadd.s32 $0xFFFFF000  }
0xb5: {  	[hbm4b:s16+s25] =	stream.strided.scatter [tilespmem:s12], [sflag:$0x9], $0x1000, s1, s25, $0x38;
	[tilespmem:$0x12800] =	vst v63  }
0xb6: {  	_ =	swait.ge [sflag:s23], $0x1000  }
0xb7: {  	[sflag:s23] =	ssyncset.done $0x0  }
0xb8: {  	s22 =	sadd.s32 $0x1808, s2;
	[sflag:s23] =	ssyncadd.s32 $0xFFFFF000  }
0xb9: {  	[hbm4b:s22+s25] =	stream.strided.scatter [tilespmem:s13], [sflag:$0x9], $0x1000, s1, s25, $0x38;
	[tilespmem:$0x12800] =	vst v63  }
0xba: {  	_ =	swait.ge [sflag:s23], $0x1000  }
0xbb: {  	[sflag:s23] =	ssyncset.done $0x0  }
0xbc: {  	s26 =	simm.s32 $0x380;
	[sflag:s23] =	ssyncadd.s32 $0xFFFFF000  }
0xbd: {  	[tilespmem:s12], [sflag:$0x7] =	stream.indirect.gather [hbm4b:s3+s25], $0x40, s26, s25, $0xb8;
	[tilespmem:$0x12800] =	vst v63  }
0xbe: {  	s28 =	simm.s32 $0x1780  }
0xbf: {  	[tilespmem:s13], [sflag:$0x7] =	stream.indirect.gather [hbm4b:s3+s25], $0x40, s28, s25, $0xb8;
	[tilespmem:$0x12800] =	vst v63  }
0xc0: {  	_ =	swait.ge [sflag:s20], $0x1000  }
0xc1: {  	[sflag:s20] =	ssyncset.done $0x0  }
0xc2: {  	[sflag:s20] =	ssyncadd.s32 $0xFFFFF000  }
0xc3: {  	_ =	swait.ge [sflag:s20], $0x1000  }
0xc4: {  	[sflag:s20] =	ssyncset.done $0x0  }
0xc5: {  	s30 =	sadd.s32 $0x1C00, s2;
	[sflag:s20] =	ssyncadd.s32 $0xFFFFF000  }
0xc6: {  	[hbm4b:s30+s25] =	stream.strided.scatter [tilespmem:s14], [sflag:$0x9], $0x1000, s1, s25, $0x38;
	[tilespmem:$0x12800] =	vst v63  }
0xc7: {  	_ =	swait.ge [sflag:s23], $0x1000  }
0xc8: {  	[sflag:s23] =	ssyncset.done $0x0  }
0xc9: {  	s2 =	sadd.s32 $0x1C08, s2;
	[sflag:s23] =	ssyncadd.s32 $0xFFFFF000  }
0xca: {  	[hbm4b:s2+s25] =	stream.strided.scatter [tilespmem:s15], [sflag:$0x9], $0x1000, s1, s25, $0x38;
	[tilespmem:$0x12800] =	vst v63  }
0xcb: {  	_ =	swait.ge [sflag:s23], $0x1000  }
0xcc: {  	s21 =	simm.s32 $0x17C0;
	s31 =	simm.s32 $0x3C0;
	[sflag:s23] =	ssyncset.done $0x0  }
0xcd: {  	s22 =	simm.s32 $0x2000;
	s2 =	simm.s32 $0x800;
	[sflag:s23] =	ssyncadd.s32 $0xFFFFF000  }
0xce: {  	[tilespmem:s14], [sflag:$0x8] =	stream.indirect.gather [hbm4b:s3+s25], $0x40, s31, s25, $0xb8;
	[tilespmem:$0x12800] =	vst v63  }
.LBB2_2:
0xcf: {  	s16 =	simm.s32 $0x11800;
	s0 =	simm.s32 $0x1  }
0xd0: {  	[tilespmem:s16], [sflag:$0x8] =	stream.indirect.gather [hbm4b:s3+s25], $0x40, s21, s25, $0xb8;
	[tilespmem:$0x12800] =	vst v63  }
0xd1: {  	_ =	swait.ge [sflag:s0], $0x1000  }
0xd2: {  	[sflag:s0] =	ssyncset.done $0x0  }
0xd3: {  	[sflag:s0] =	ssyncadd.s32 $0xFFFFF000  }
0xd4: {  	_ =	swait.ge [sflag:s0], $0x1000  }
0xd5: {  	s26 =	smov.u32 s22;
	s14 =	rddreg [dreg:$0x3];
	[sflag:s0] =	ssyncset.done $0x0  }
0xd6: {  	s31 =	simm.s32 $0x2800;
	[sflag:s0] =	ssyncadd.s32 $0xFFFFF000;
	s21 =	sadd.s32 s26, s14  }
0xd7: {  	[hbm4b:s21+s25] =	stream.strided.scatter [tilespmem:s31], [sflag:$0x9], $0x1000, s1, s25, $0x38;
	[tilespmem:$0x12800] =	vst v63  }
0xd8: {  	_ =	swait.ge [sflag:s23], $0x1000  }
0xd9: {  	[sflag:s23] =	ssyncset.done $0x0  }
0xda: {  	s15 =	simm.s32 $0xA800;
	s21 =	sadd.s32 $0x8, s21;
	[sflag:s23] =	ssyncadd.s32 $0xFFFFF000  }
0xdb: {  	[hbm4b:s21+s25] =	stream.strided.scatter [tilespmem:s15], [sflag:$0x9], $0x1000, s1, s25, $0x38;
	[tilespmem:$0x12800] =	vst v63  }
0xdc: {  	_ =	swait.ge [sflag:s23], $0x1000  }
0xdd: {  	s21 =	sshra.s32 s2, $0x2;
	[sflag:s23] =	ssyncset.done $0x0  }
0xde: {  	s28 =	sadd.s32 $0x200, s21;
	[sflag:s23] =	ssyncadd.s32 $0xFFFFF000  }
0xdf: {  	[tilespmem:s31], [sflag:$0x1] =	stream.indirect.gather [hbm4b:s3+s25], $0x40, s28, s25, $0xb8;
	[tilespmem:$0x12800] =	vst v63  }
0xe0: {  	s5 =	simm.s32 $0x2;
	s4 =	sadd.s32 $0x1600, s21  }
0xe1: {  	[tilespmem:s15], [sflag:$0x1] =	stream.indirect.gather [hbm4b:s3+s25], $0x40, s4, s25, $0xb8;
	[tilespmem:$0x12800] =	vst v63  }
0xe2: {  	_ =	swait.ge [sflag:s5], $0x1000  }
0xe3: {  	[sflag:s5] =	ssyncset.done $0x0  }
0xe4: {  	[sflag:s5] =	ssyncadd.s32 $0xFFFFF000  }
0xe5: {  	_ =	swait.ge [sflag:s5], $0x1000  }
0xe6: {  	s6 =	rddreg [dreg:$0x4]  }
0xe7: {  	[sflag:s5] =	ssyncset.done $0x0;
	s26 =	sadd.s32 s26, s6  }
0xe8: {  	s30 =	simm.s32 $0x3800;
	[sflag:s5] =	ssyncadd.s32 $0xFFFFF000;
	s28 =	sadd.s32 $0x400, s26  }
0xe9: {  	[hbm4b:s28+s25] =	stream.strided.scatter [tilespmem:s30], [sflag:$0x9], $0x1000, s1, s25, $0x38;
	[tilespmem:$0x12800] =	vst v63  }
0xea: {  	_ =	swait.ge [sflag:s23], $0x1000  }
0xeb: {  	[sflag:s23] =	ssyncset.done $0x0  }
0xec: {  	s4 =	simm.s32 $0xB800;
	s7 =	sadd.s32 $0x408, s26;
	[sflag:s23] =	ssyncadd.s32 $0xFFFFF000  }
0xed: {  	[hbm4b:s7+s25] =	stream.strided.scatter [tilespmem:s4], [sflag:$0x9], $0x1000, s1, s25, $0x38;
	[tilespmem:$0x12800] =	vst v63  }
0xee: {  	_ =	swait.ge [sflag:s23], $0x1000  }
0xef: {  	[sflag:s23] =	ssyncset.done $0x0  }
0xf0: {  	s8 =	sadd.s32 $0x240, s21;
	[sflag:s23] =	ssyncadd.s32 $0xFFFFF000  }
0xf1: {  	[tilespmem:s30], [sflag:$0x2] =	stream.indirect.gather [hbm4b:s3+s25], $0x40, s8, s25, $0xb8;
	[tilespmem:$0x12800] =	vst v63  }
0xf2: {  	s10 =	simm.s32 $0x3;
	s9 =	sadd.s32 $0x1640, s21  }
0xf3: {  	[tilespmem:s4], [sflag:$0x2] =	stream.indirect.gather [hbm4b:s3+s25], $0x40, s9, s25, $0xb8;
	[tilespmem:$0x12800] =	vst v63  }
0xf4: {  	_ =	swait.ge [sflag:s10], $0x1000  }
0xf5: {  	[sflag:s10] =	ssyncset.done $0x0  }
0xf6: {  	[sflag:s10] =	ssyncadd.s32 $0xFFFFF000  }
0xf7: {  	_ =	swait.ge [sflag:s10], $0x1000  }
0xf8: {  	[sflag:s10] =	ssyncset.done $0x0  }
0xf9: {  	s5 =	simm.s32 $0x4800;
	s11 =	sadd.s32 $0x800, s26;
	[sflag:s10] =	ssyncadd.s32 $0xFFFFF000  }
0xfa: {  	[hbm4b:s11+s25] =	stream.strided.scatter [tilespmem:s5], [sflag:$0x9], $0x1000, s1, s25, $0x38;
	[tilespmem:$0x12800] =	vst v63  }
0xfb: {  	_ =	swait.ge [sflag:s23], $0x1000  }
0xfc: {  	[sflag:s23] =	ssyncset.done $0x0  }
0xfd: {  	s6 =	simm.s32 $0xC800;
	s12 =	sadd.s32 $0x808, s26;
	[sflag:s23] =	ssyncadd.s32 $0xFFFFF000  }
0xfe: {  	[hbm4b:s12+s25] =	stream.strided.scatter [tilespmem:s6], [sflag:$0x9], $0x1000, s1, s25, $0x38;
	[tilespmem:$0x12800] =	vst v63  }
0xff: {  	_ =	swait.ge [sflag:s23], $0x1000  }
0x100: {  	[sflag:s23] =	ssyncset.done $0x0  }
0x101: {  	s13 =	sadd.s32 $0x280, s21;
	[sflag:s23] =	ssyncadd.s32 $0xFFFFF000  }
0x102: {  	[tilespmem:s5], [sflag:$0x3] =	stream.indirect.gather [hbm4b:s3+s25], $0x40, s13, s25, $0xb8;
	[tilespmem:$0x12800] =	vst v63  }
0x103: {  	s14 =	sadd.s32 $0x1680, s21  }
0x104: {  	[tilespmem:s6], [sflag:$0x3] =	stream.indirect.gather [hbm4b:s3+s25], $0x40, s14, s25, $0xb8;
	[tilespmem:$0x12800] =	vst v63  }
0x105: {  	_ =	swait.ge [sflag:s17], $0x1000  }
0x106: {  	[sflag:s17] =	ssyncset.done $0x0  }
0x107: {  	[sflag:s17] =	ssyncadd.s32 $0xFFFFF000  }
0x108: {  	_ =	swait.ge [sflag:s17], $0x1000  }
0x109: {  	[sflag:s17] =	ssyncset.done $0x0  }
0x10a: {  	s15 =	sadd.s32 $0xC00, s26;
	s7 =	simm.s32 $0x5800;
	[sflag:s17] =	ssyncadd.s32 $0xFFFFF000  }
0x10b: {  	[hbm4b:s15+s25] =	stream.strided.scatter [tilespmem:s7], [sflag:$0x9], $0x1000, s1, s25, $0x38;
	[tilespmem:$0x12800] =	vst v63  }
0x10c: {  	_ =	swait.ge [sflag:s23], $0x1000  }
0x10d: {  	[sflag:s23] =	ssyncset.done $0x0  }
0x10e: {  	s8 =	simm.s32 $0xD800;
	s6 =	sadd.s32 $0xC08, s26;
	[sflag:s23] =	ssyncadd.s32 $0xFFFFF000  }
0x10f: {  	[hbm4b:s6+s25] =	stream.strided.scatter [tilespmem:s8], [sflag:$0x9], $0x1000, s1, s25, $0x38;
	[tilespmem:$0x12800] =	vst v63  }
0x110: {  	_ =	swait.ge [sflag:s23], $0x1000  }
0x111: {  	[sflag:s23] =	ssyncset.done $0x0  }
0x112: {  	s9 =	sadd.s32 $0x2C0, s21;
	[sflag:s23] =	ssyncadd.s32 $0xFFFFF000  }
0x113: {  	[tilespmem:s7], [sflag:$0x4] =	stream.indirect.gather [hbm4b:s3+s25], $0x40, s9, s25, $0xb8;
	[tilespmem:$0x12800] =	vst v63  }
0x114: {  	s10 =	sadd.s32 $0x16C0, s21  }
0x115: {  	[tilespmem:s8], [sflag:$0x4] =	stream.indirect.gather [hbm4b:s3+s25], $0x40, s10, s25, $0xb8;
	[tilespmem:$0x12800] =	vst v63  }
0x116: {  	_ =	swait.ge [sflag:s18], $0x1000  }
0x117: {  	[sflag:s18] =	ssyncset.done $0x0  }
0x118: {  	[sflag:s18] =	ssyncadd.s32 $0xFFFFF000  }
0x119: {  	_ =	swait.ge [sflag:s18], $0x1000  }
0x11a: {  	[sflag:s18] =	ssyncset.done $0x0  }
0x11b: {  	s11 =	sadd.s32 $0x1000, s26;
	s9 =	simm.s32 $0x6800;
	[sflag:s18] =	ssyncadd.s32 $0xFFFFF000  }
0x11c: {  	[hbm4b:s11+s25] =	stream.strided.scatter [tilespmem:s9], [sflag:$0x9], $0x1000, s1, s25, $0x38;
	[tilespmem:$0x12800] =	vst v63  }
0x11d: {  	_ =	swait.ge [sflag:s23], $0x1000  }
0x11e: {  	[sflag:s23] =	ssyncset.done $0x0  }
0x11f: {  	s12 =	sadd.s32 $0x1008, s26;
	s10 =	simm.s32 $0xE800;
	[sflag:s23] =	ssyncadd.s32 $0xFFFFF000  }
0x120: {  	[hbm4b:s12+s25] =	stream.strided.scatter [tilespmem:s10], [sflag:$0x9], $0x1000, s1, s25, $0x38;
	[tilespmem:$0x12800] =	vst v63  }
0x121: {  	_ =	swait.ge [sflag:s23], $0x1000  }
0x122: {  	[sflag:s23] =	ssyncset.done $0x0  }
0x123: {  	s13 =	sadd.s32 $0x300, s21;
	[sflag:s23] =	ssyncadd.s32 $0xFFFFF000  }
0x124: {  	[tilespmem:s9], [sflag:$0x5] =	stream.indirect.gather [hbm4b:s3+s25], $0x40, s13, s25, $0xb8;
	[tilespmem:$0x12800] =	vst v63  }
0x125: {  	s14 =	sadd.s32 $0x1700, s21  }
0x126: {  	[tilespmem:s10], [sflag:$0x5] =	stream.indirect.gather [hbm4b:s3+s25], $0x40, s14, s25, $0xb8;
	[tilespmem:$0x12800] =	vst v63  }
0x127: {  	_ =	swait.ge [sflag:s19], $0x1000  }
0x128: {  	[sflag:s19] =	ssyncset.done $0x0  }
0x129: {  	[sflag:s19] =	ssyncadd.s32 $0xFFFFF000  }
0x12a: {  	_ =	swait.ge [sflag:s19], $0x1000  }
0x12b: {  	[sflag:s19] =	ssyncset.done $0x0  }
0x12c: {  	s15 =	sadd.s32 $0x1400, s26;
	s11 =	simm.s32 $0x7800;
	[sflag:s19] =	ssyncadd.s32 $0xFFFFF000  }
0x12d: {  	[hbm4b:s15+s25] =	stream.strided.scatter [tilespmem:s11], [sflag:$0x9], $0x1000, s1, s25, $0x38;
	[tilespmem:$0x12800] =	vst v63  }
0x12e: {  	_ =	swait.ge [sflag:s23], $0x1000  }
0x12f: {  	[sflag:s23] =	ssyncset.done $0x0  }
0x130: {  	s12 =	simm.s32 $0xF800;
	s10 =	sadd.s32 $0x1408, s26;
	[sflag:s23] =	ssyncadd.s32 $0xFFFFF000  }
0x131: {  	[hbm4b:s10+s25] =	stream.strided.scatter [tilespmem:s12], [sflag:$0x9], $0x1000, s1, s25, $0x38;
	[tilespmem:$0x12800] =	vst v63  }
0x132: {  	_ =	swait.ge [sflag:s23], $0x1000  }
0x133: {  	[sflag:s23] =	ssyncset.done $0x0  }
0x134: {  	s13 =	sadd.s32 $0x340, s21;
	[sflag:s23] =	ssyncadd.s32 $0xFFFFF000  }
0x135: {  	[tilespmem:s11], [sflag:$0x6] =	stream.indirect.gather [hbm4b:s3+s25], $0x40, s13, s25, $0xb8;
	[tilespmem:$0x12800] =	vst v63  }
0x136: {  	s14 =	sadd.s32 $0x1740, s21  }
0x137: {  	[tilespmem:s12], [sflag:$0x6] =	stream.indirect.gather [hbm4b:s3+s25], $0x40, s14, s25, $0xb8;
	[tilespmem:$0x12800] =	vst v63  }
0x138: {  	_ =	swait.ge [sflag:s24], $0x1000  }
0x139: {  	[sflag:s24] =	ssyncset.done $0x0  }
0x13a: {  	[sflag:s24] =	ssyncadd.s32 $0xFFFFF000  }
0x13b: {  	_ =	swait.ge [sflag:s24], $0x1000  }
0x13c: {  	[sflag:s24] =	ssyncset.done $0x0  }
0x13d: {  	s15 =	sadd.s32 $0x1800, s26;
	s13 =	simm.s32 $0x8800;
	[sflag:s24] =	ssyncadd.s32 $0xFFFFF000  }
0x13e: {  	[hbm4b:s15+s25] =	stream.strided.scatter [tilespmem:s13], [sflag:$0x9], $0x1000, s1, s25, $0x38;
	[tilespmem:$0x12800] =	vst v63  }
0x13f: {  	_ =	swait.ge [sflag:s23], $0x1000  }
0x140: {  	[sflag:s23] =	ssyncset.done $0x0  }
0x141: {  	s12 =	sadd.s32 $0x1808, s26;
	s14 =	simm.s32 $0x10800;
	[sflag:s23] =	ssyncadd.s32 $0xFFFFF000  }
0x142: {  	[hbm4b:s12+s25] =	stream.strided.scatter [tilespmem:s14], [sflag:$0x9], $0x1000, s1, s25, $0x38;
	[tilespmem:$0x12800] =	vst v63  }
0x143: {  	_ =	swait.ge [sflag:s23], $0x1000  }
0x144: {  	[sflag:s23] =	ssyncset.done $0x0  }
0x145: {  	s15 =	sadd.s32 $0x380, s21;
	[sflag:s23] =	ssyncadd.s32 $0xFFFFF000  }
0x146: {  	[tilespmem:s13], [sflag:$0x7] =	stream.indirect.gather [hbm4b:s3+s25], $0x40, s15, s25, $0xb8;
	[tilespmem:$0x12800] =	vst v63  }
0x147: {  	s15 =	sadd.s32 $0x1780, s21  }
0x148: {  	[tilespmem:s14], [sflag:$0x7] =	stream.indirect.gather [hbm4b:s3+s25], $0x40, s15, s25, $0xb8;
	[tilespmem:$0x12800] =	vst v63  }
0x149: {  	_ =	swait.ge [sflag:s20], $0x1000  }
0x14a: {  	[sflag:s20] =	ssyncset.done $0x0  }
0x14b: {  	p0 =	sne.s32 s22, $0x10000;
	s22 =	sadd.s32 $0x2000, s22;
	[sflag:s20] =	ssyncadd.s32 $0xFFFFF000  }
0x14c: {  	s0 =	simm.s32 $0x3800;
	s2 =	sadd.s32 $0x800, s2;
	_ =	swait.ge [sflag:s20], $0x1000  }
0x14d: {  	s31 =	simm.s32 $0xA800;
	s28 =	sadd.s32 $0x3C0, s21;
	[sflag:s20] =	ssyncset.done $0x0  }
0x14e: {  	s14 =	sadd.s32 $0x1C00, s26;
	s15 =	simm.s32 $0x9800;
	[sflag:s20] =	ssyncadd.s32 $0xFFFFF000  }
0x14f: {  	[hbm4b:s14+s25] =	stream.strided.scatter [tilespmem:s15], [sflag:$0x9], $0x1000, s1, s25, $0x38;
	[tilespmem:$0x12800] =	vst v63  }
0x150: {  	s30 =	simm.s32 $0xB800;
	s4 =	simm.s32 $0x4800;
	_ =	swait.ge [sflag:s23], $0x1000  }
0x151: {  	s5 =	simm.s32 $0xC800;
	s6 =	simm.s32 $0x5800;
	[sflag:s23] =	ssyncset.done $0x0  }
0x152: {  	s7 =	simm.s32 $0xD800;
	s26 =	sadd.s32 $0x1C08, s26;
	[sflag:s23] =	ssyncadd.s32 $0xFFFFF000  }
0x153: {  	[hbm4b:s26+s25] =	stream.strided.scatter [tilespmem:s16], [sflag:$0x9], $0x1000, s1, s25, $0x38;
	[tilespmem:$0x12800] =	vst v63  }
.Ltmp0:
0x154: {  	s8 =	simm.s32 $0x6800;
	s9 =	simm.s32 $0xE800;
	(pc) =	sbr.rel @p0 .LBB2_2-.Ltmp0, $4  }
0x155: {  	s10 =	simm.s32 $0x7800;
	s11 =	simm.s32 $0xF800;
	_ =	swait.ge [sflag:s23], $0x1000  }
0x156: {  	s12 =	simm.s32 $0x8800;
	s13 =	simm.s32 $0x10800;
	[sflag:s23] =	ssyncset.done $0x0  }
0x157: {  	s21 =	sadd.s32 $0x17C0, s21;
	s14 =	simm.s32 $0x9800;
	[sflag:s23] =	ssyncadd.s32 $0xFFFFF000  }
0x158: {  	[tilespmem:s15], [sflag:$0x8] =	stream.indirect.gather [hbm4b:s3+s25], $0x40, s28, s25, $0xb8;
	[tilespmem:$0x12800] =	vst v63  }
0x159: {  	s15 =	simm.s32 $0x11800;
	s2 =	simm.s32 $0x1  }
0x15a: {  	[tilespmem:s15], [sflag:$0x8] =	stream.indirect.gather [hbm4b:s3+s25], $0x40, s21, s25, $0xb8;
	[tilespmem:$0x12800] =	vst v63  }
0x15b: {  	_ =	swait.ge [sflag:s2], $0x1000  }
0x15c: {  	[sflag:s2] =	ssyncset.done $0x0  }
0x15d: {  	[sflag:s2] =	ssyncadd.s32 $0xFFFFF000  }
0x15e: {  	_ =	swait.ge [sflag:s2], $0x1000  }
0x15f: {  	[sflag:s2] =	ssyncset.done $0x0  }
0x160: {  	s16 =	rddreg [dreg:$0x7];
	[sflag:s2] =	ssyncadd.s32 $0xFFFFF000  }
0x161: {  	[hbm4b:s16+s25] =	stream.strided.scatter [tilespmem:s29], [sflag:$0x9], $0x1000, s1, s25, $0x38;
	[tilespmem:$0x12800] =	vst v63  }
0x162: {  	_ =	swait.ge [sflag:s23], $0x1000  }
0x163: {  	[sflag:s23] =	ssyncset.done $0x0  }
0x164: {  	s21 =	rddreg [dreg:$0x8];
	[sflag:s23] =	ssyncadd.s32 $0xFFFFF000  }
0x165: {  	[hbm4b:s21+s25] =	stream.strided.scatter [tilespmem:s31], [sflag:$0x9], $0x1000, s1, s25, $0x38;
	[tilespmem:$0x12800] =	vst v63  }
0x166: {  	_ =	swait.ge [sflag:s23], $0x1000  }
0x167: {  	[sflag:s23] =	ssyncset.done $0x0  }
0x168: {  	s22 =	simm.s32 $0x2;
	[sflag:s23] =	ssyncadd.s32 $0xFFFFF000  }
0x169: {  	_ =	swait.ge [sflag:s22], $0x1000  }
0x16a: {  	[sflag:s22] =	ssyncset.done $0x0  }
0x16b: {  	[sflag:s22] =	ssyncadd.s32 $0xFFFFF000  }
0x16c: {  	_ =	swait.ge [sflag:s22], $0x1000  }
0x16d: {  	[sflag:s22] =	ssyncset.done $0x0  }
0x16e: {  	s26 =	rddreg [dreg:$0x9];
	[sflag:s22] =	ssyncadd.s32 $0xFFFFF000  }
0x16f: {  	[hbm4b:s26+s25] =	stream.strided.scatter [tilespmem:s0], [sflag:$0x9], $0x1000, s1, s25, $0x38;
	[tilespmem:$0x12800] =	vst v63  }
0x170: {  	_ =	swait.ge [sflag:s23], $0x1000  }
0x171: {  	[sflag:s23] =	ssyncset.done $0x0  }
0x172: {  	s28 =	rddreg [dreg:$0xa];
	[sflag:s23] =	ssyncadd.s32 $0xFFFFF000  }
0x173: {  	[hbm4b:s28+s25] =	stream.strided.scatter [tilespmem:s30], [sflag:$0x9], $0x1000, s1, s25, $0x38;
	[tilespmem:$0x12800] =	vst v63  }
0x174: {  	_ =	swait.ge [sflag:s23], $0x1000  }
0x175: {  	[sflag:s23] =	ssyncset.done $0x0  }
0x176: {  	s31 =	simm.s32 $0x3;
	[sflag:s23] =	ssyncadd.s32 $0xFFFFF000  }
0x177: {  	_ =	swait.ge [sflag:s31], $0x1000  }
0x178: {  	[sflag:s31] =	ssyncset.done $0x0  }
0x179: {  	[sflag:s31] =	ssyncadd.s32 $0xFFFFF000  }
0x17a: {  	_ =	swait.ge [sflag:s31], $0x1000  }
0x17b: {  	[sflag:s31] =	ssyncset.done $0x0  }
0x17c: {  	s0 =	rddreg [dreg:$0xb];
	[sflag:s31] =	ssyncadd.s32 $0xFFFFF000  }
0x17d: {  	[hbm4b:s0+s25] =	stream.strided.scatter [tilespmem:s4], [sflag:$0x9], $0x1000, s1, s25, $0x38;
	[tilespmem:$0x12800] =	vst v63  }
0x17e: {  	_ =	swait.ge [sflag:s23], $0x1000  }
0x17f: {  	[sflag:s23] =	ssyncset.done $0x0  }
0x180: {  	s4 =	rddreg [dreg:$0xc];
	[sflag:s23] =	ssyncadd.s32 $0xFFFFF000  }
0x181: {  	[hbm4b:s4+s25] =	stream.strided.scatter [tilespmem:s5], [sflag:$0x9], $0x1000, s1, s25, $0x38;
	[tilespmem:$0x12800] =	vst v63  }
0x182: {  	_ =	swait.ge [sflag:s23], $0x1000  }
0x183: {  	[sflag:s23] =	ssyncset.done $0x0  }
0x184: {  	[sflag:s23] =	ssyncadd.s32 $0xFFFFF000  }
0x185: {  	_ =	swait.ge [sflag:s17], $0x1000  }
0x186: {  	[sflag:s17] =	ssyncset.done $0x0  }
0x187: {  	[sflag:s17] =	ssyncadd.s32 $0xFFFFF000  }
0x188: {  	_ =	swait.ge [sflag:s17], $0x1000  }
0x189: {  	[sflag:s17] =	ssyncset.done $0x0  }
0x18a: {  	s5 =	rddreg [dreg:$0xd];
	[sflag:s17] =	ssyncadd.s32 $0xFFFFF000  }
0x18b: {  	[hbm4b:s5+s25] =	stream.strided.scatter [tilespmem:s6], [sflag:$0x9], $0x1000, s1, s25, $0x38;
	[tilespmem:$0x12800] =	vst v63  }
0x18c: {  	_ =	swait.ge [sflag:s23], $0x1000  }
0x18d: {  	[sflag:s23] =	ssyncset.done $0x0  }
0x18e: {  	s6 =	rddreg [dreg:$0xe];
	[sflag:s23] =	ssyncadd.s32 $0xFFFFF000  }
0x18f: {  	[hbm4b:s6+s25] =	stream.strided.scatter [tilespmem:s7], [sflag:$0x9], $0x1000, s1, s25, $0x38;
	[tilespmem:$0x12800] =	vst v63  }
0x190: {  	_ =	swait.ge [sflag:s23], $0x1000  }
0x191: {  	[sflag:s23] =	ssyncset.done $0x0  }
0x192: {  	[sflag:s23] =	ssyncadd.s32 $0xFFFFF000  }
0x193: {  	_ =	swait.ge [sflag:s18], $0x1000  }
0x194: {  	[sflag:s18] =	ssyncset.done $0x0  }
0x195: {  	[sflag:s18] =	ssyncadd.s32 $0xFFFFF000  }
0x196: {  	_ =	swait.ge [sflag:s18], $0x1000  }
0x197: {  	[sflag:s18] =	ssyncset.done $0x0  }
0x198: {  	s7 =	rddreg [dreg:$0xf];
	[sflag:s18] =	ssyncadd.s32 $0xFFFFF000  }
0x199: {  	[hbm4b:s7+s25] =	stream.strided.scatter [tilespmem:s8], [sflag:$0x9], $0x1000, s1, s25, $0x38;
	[tilespmem:$0x12800] =	vst v63  }
0x19a: {  	_ =	swait.ge [sflag:s23], $0x1000  }
0x19b: {  	[sflag:s23] =	ssyncset.done $0x0  }
0x19c: {  	s8 =	rddreg [dreg:$0x10];
	[sflag:s23] =	ssyncadd.s32 $0xFFFFF000  }
0x19d: {  	[hbm4b:s8+s25] =	stream.strided.scatter [tilespmem:s9], [sflag:$0x9], $0x1000, s1, s25, $0x38;
	[tilespmem:$0x12800] =	vst v63  }
0x19e: {  	_ =	swait.ge [sflag:s23], $0x1000  }
0x19f: {  	[sflag:s23] =	ssyncset.done $0x0  }
0x1a0: {  	[sflag:s23] =	ssyncadd.s32 $0xFFFFF000  }
0x1a1: {  	_ =	swait.ge [sflag:s19], $0x1000  }
0x1a2: {  	[sflag:s19] =	ssyncset.done $0x0  }
0x1a3: {  	[sflag:s19] =	ssyncadd.s32 $0xFFFFF000  }
0x1a4: {  	_ =	swait.ge [sflag:s19], $0x1000  }
0x1a5: {  	[sflag:s19] =	ssyncset.done $0x0  }
0x1a6: {  	s9 =	rddreg [dreg:$0x11];
	[sflag:s19] =	ssyncadd.s32 $0xFFFFF000  }
0x1a7: {  	[hbm4b:s9+s25] =	stream.strided.scatter [tilespmem:s10], [sflag:$0x9], $0x1000, s1, s25, $0x38;
	[tilespmem:$0x12800] =	vst v63  }
0x1a8: {  	_ =	swait.ge [sflag:s23], $0x1000  }
0x1a9: {  	[sflag:s23] =	ssyncset.done $0x0  }
0x1aa: {  	s16 =	rddreg [dreg:$0x12];
	[sflag:s23] =	ssyncadd.s32 $0xFFFFF000  }
0x1ab: {  	[hbm4b:s16+s25] =	stream.strided.scatter [tilespmem:s11], [sflag:$0x9], $0x1000, s1, s25, $0x38;
	[tilespmem:$0x12800] =	vst v63  }
0x1ac: {  	_ =	swait.ge [sflag:s23], $0x1000  }
0x1ad: {  	[sflag:s23] =	ssyncset.done $0x0  }
0x1ae: {  	[sflag:s23] =	ssyncadd.s32 $0xFFFFF000  }
0x1af: {  	_ =	swait.ge [sflag:s24], $0x1000  }
0x1b0: {  	[sflag:s24] =	ssyncset.done $0x0  }
0x1b1: {  	[sflag:s24] =	ssyncadd.s32 $0xFFFFF000  }
0x1b2: {  	_ =	swait.ge [sflag:s24], $0x1000  }
0x1b3: {  	[sflag:s24] =	ssyncset.done $0x0  }
0x1b4: {  	s21 =	rddreg [dreg:$0x13];
	[sflag:s24] =	ssyncadd.s32 $0xFFFFF000  }
0x1b5: {  	[hbm4b:s21+s25] =	stream.strided.scatter [tilespmem:s12], [sflag:$0x9], $0x1000, s1, s25, $0x38;
	[tilespmem:$0x12800] =	vst v63  }
0x1b6: {  	_ =	swait.ge [sflag:s23], $0x1000  }
0x1b7: {  	[sflag:s23] =	ssyncset.done $0x0  }
0x1b8: {  	s22 =	rddreg [dreg:$0x14];
	[sflag:s23] =	ssyncadd.s32 $0xFFFFF000  }
0x1b9: {  	[hbm4b:s22+s25] =	stream.strided.scatter [tilespmem:s13], [sflag:$0x9], $0x1000, s1, s25, $0x38;
	[tilespmem:$0x12800] =	vst v63  }
0x1ba: {  	_ =	swait.ge [sflag:s23], $0x1000  }
0x1bb: {  	[sflag:s23] =	ssyncset.done $0x0  }
0x1bc: {  	[sflag:s23] =	ssyncadd.s32 $0xFFFFF000  }
0x1bd: {  	_ =	swait.ge [sflag:s20], $0x1000  }
0x1be: {  	[sflag:s20] =	ssyncset.done $0x0  }
0x1bf: {  	[sflag:s20] =	ssyncadd.s32 $0xFFFFF000  }
0x1c0: {  	_ =	swait.ge [sflag:s20], $0x1000  }
0x1c1: {  	[sflag:s20] =	ssyncset.done $0x0  }
0x1c2: {  	s26 =	rddreg [dreg:$0x15];
	[sflag:s20] =	ssyncadd.s32 $0xFFFFF000  }
0x1c3: {  	[hbm4b:s26+s25] =	stream.strided.scatter [tilespmem:s14], [sflag:$0x9], $0x1000, s1, s25, $0x38;
	[tilespmem:$0x12800] =	vst v63  }
0x1c4: {  	_ =	swait.ge [sflag:s23], $0x1000  }
0x1c5: {  	[sflag:s23] =	ssyncset.done $0x0  }
0x1c6: {  	s28 =	rddreg [dreg:$0x16];
	[sflag:s23] =	ssyncadd.s32 $0xFFFFF000  }
0x1c7: {  	[hbm4b:s28+s25] =	stream.strided.scatter [tilespmem:s15], [sflag:$0x9], $0x1000, s1, s25, $0x38;
	[tilespmem:$0x12800] =	vst v63  }
0x1c8: {  	_ =	swait.ge [sflag:s23], $0x1000  }
0x1c9: {  	s30 =	rddreg [dreg:$0x18]  }
0x1ca: {  	s31 =	rddreg [dreg:$0x17];
	s0 =	sadd.s32 $0x1, s30  }
0x1cb: {  	p0 =	sne.s32 s0, s31  }
.Ltmp1:
0x1cc: {  	_ = 	snop;
	(pc) =	sbr.rel @p0 .LBB2_1-.Ltmp1, $3  }
0x1cd: {  	_ =	sdelay $0x1  }
0x1ce: {  	[sflag:s23] =	ssyncset.done $0x0  }
0x1cf: {  	[sflag:s23] =	ssyncadd.s32 $0xFFFFF000  }
0x1d0: {  	_ =	sfence.sel $0x180000  }
0x1d1: {  	[bflag:$0x0] =	sbarrier.arrive $0xFFFF  }
0x1d2: {  	_ =	strace $0x90000047  }
0x1d3: {  	s0 =	stileid.u32;
	[bflag:$0x2] =	sbarrier.arrive $0xFFFF  }
0x1d4: {  	p0 =	sne.s32 s0, $0x0;
	s0 =	rddreg [dreg:$0x2]  }
0x1d5: {  	s0 =	sadd.s32 @!p0 $0x100000, s0  }
0x1d6: {  	[sflag:s0] =	ssyncadd.tile.s32 @!p0 $0x1;
	_ =	shalt  }
.Lfunc_end2:
_tile_overlayer_lowered:
.L_overlay_start_2:
0x1d7: {  	(tag) =	ssettag $0x2  }
0x1d8: {  	s0 =	rddreg [dreg:$0x0];
	s2 =	stileid.u32  }
0x1d9: {  	s1 =	rddreg [dreg:$0x1];
	p0 =	sne.s32 s2, $0x0  }
0x1da: {  	s3 =	rddreg [dreg:$0x2];
	[bflag:$0x3] =	sbarrier.arrive $0xFFFF;
	s2 =	simm.s32 @!p0 $0x1C09  }
0x1db: {  	[timem:s3], [sflag:s2] =	dma.local @!p0 [hbm:s0], s1  }
0x1dc: {  	s0 =	simm.s32 @!p0 $0x9  }
0x1dd: {  	_ =	swait.ge @!p0 [sflag:s0], s1  }
0x1de: {  	s1 =	ssub.s32 @!p0 $0x0, s1;
	[sflag:s0] =	ssyncset.done @!p0 $0x0  }
0x1df: {  	[sflag:s0] =	ssyncadd.s32 @!p0 s1  }
0x1e0: {  	[bflag:$0x3] =	sbarrier.arrive $0xFFFF  }
0x1e1: {  	_ =	shalt  }

</sc_bundles>
